<compile_context>
chip_gen: v7x
topology: tpu7x:2x2x1
jax: 0.10.2.dev20260603
libtpu: 0.0.44.dev20260713+nightly
codegen_flags: <defaults>
</compile_context>

<pallas_src>
import functools

import jax
import jax.numpy as jnp
from jax import lax
from jax.experimental import pallas as pl
from jax.experimental.pallas import tpu as pltpu
from jax.experimental.pallas import tpu_sc as plsc

N = 10000
E = 160000
EDGE_DIM = 16
HID = 16
OUT_DIM = 10
G = 64

PACK = 8
SUB = 10000
BE = PACK * SUB
NBLK = E // BE
EP = E
EPK = EP // PACK

NTILES = 32
EPT = EP // NTILES
RPT = EPT // PACK
TPB = NTILES // NBLK
SCHUNK = 128
NCHUNK = EPT // SCHUNK
TAIL = EPT - NCHUNK * SCHUNK
SEG = 648
NPAD = 10240
NPT = NPAD // 16

NPK = NPAD // PACK
BNP = NPK


def _edge_mlp_body(eat_ref, w1_ref, b1_ref, w2_ref, b2_ref, w3_ref, b3_ref,
                   out_ref):
    rb = lax.broadcasted_iota(jnp.int32, (128, 128), 0) // HID
    cb = lax.broadcasted_iota(jnp.int32, (128, 128), 1) // HID
    bmask = (rb == cb).astype(jnp.float32)
    w1b = jnp.tile(w1_ref[...], (PACK, PACK)) * bmask
    w2b = jnp.tile(w2_ref[...], (PACK, PACK)) * bmask
    w3b = jnp.tile(w3_ref[...], (PACK, PACK)) * bmask
    b1b = jnp.tile(b1_ref[...], (1, PACK))
    b2b = jnp.tile(b2_ref[...], (1, PACK))
    b3b = jnp.tile(b3_ref[...], (1, PACK))

    x = eat_ref[...]
    lhs = jnp.concatenate(
        [x[:, a * SUB:(a + 1) * SUB] for a in range(PACK)], axis=0)
    h = jax.nn.relu(
        lax.dot_general(lhs, w1b, (((0,), (0,)), ((), ())),
                        preferred_element_type=jnp.float32) + b1b)
    h = jax.nn.relu(
        jnp.dot(h, w2b, preferred_element_type=jnp.float32) + b2b)
    out_ref[...] = (
        jnp.dot(h, w3b, preferred_element_type=jnp.float32) + b3b)


def _edge_mlp(eat, w1, b1, w2, b2, w3f, b3f):
    wspec = pl.BlockSpec((HID, HID), lambda i: (0, 0))
    bspec = pl.BlockSpec((1, HID), lambda i: (0, 0))
    return pl.pallas_call(
        _edge_mlp_body,
        grid=(NBLK,),
        in_specs=[
            pl.BlockSpec((EDGE_DIM, BE), lambda i: (0, i)),
            wspec, bspec, wspec, bspec, wspec, bspec,
        ],
        out_specs=pl.BlockSpec((SUB, 128), lambda i: (i, 0)),
        out_shape=jax.ShapeDtypeStruct((EPK, 128), jnp.float32),
    )(eat, w1, b1, w2, b2, w3f, b3f)


def _scatter_body(msg_hbm, dst_hbm, zeros_hbm, out_hbm,
                  msg_v, stage_v, dst_v, acc, sem_m, sem_d, sem_s):
    c = lax.axis_index("c")
    s = lax.axis_index("s")
    wid = c * 16 + s
    blk = wid // TPB
    tloc = wid % TPB
    shift = (RPT * tloc) % 8

    msg_cp = pltpu.async_copy(msg_hbm.at[pl.ds(wid * EPT, EPT)], msg_v,
                              sem_m)

    dst_cps = []
    for a in range(PACK):
        base8 = (BE // 8) * blk + (SUB // 8) * a + (RPT * tloc) // 8
        dst_cps.append(pltpu.async_copy(
            dst_hbm.at[pl.ds(8 * base8, SEG)], stage_v.at[a], sem_d))

    pltpu.sync_copy(zeros_hbm, acc.at[pl.ds(s * NPT, NPT)])
    plsc.subcore_barrier()
    for cp in dst_cps:
        cp.wait()

    io = lax.iota(jnp.int32, 16)
    for a in range(PACK):
        row = jnp.full((16,), a, jnp.int32)
        def reorder(g, _):
            rho = 16 * g + io
            mask = rho < RPT
            vals = plsc.load_gather(stage_v, [row, shift + rho], mask=mask)
            m = 8 * rho + a
            plsc.store_scatter(dst_v, [m >> 7, m & (SCHUNK - 1)], vals,
                               mask=mask)
            return 0
        lax.fori_loop(0, 40, reorder, 0)

    msg_cp.wait()
    cps = [pltpu.async_copy(msg_v.at[pl.ds(j * SCHUNK, SCHUNK)],
                            acc.at[dst_v.at[j]], sem_s, add=True)
           for j in range(NCHUNK)]
    cps.append(pltpu.async_copy(
        msg_v.at[pl.ds(NCHUNK * SCHUNK, TAIL)],
        acc.at[dst_v.at[NCHUNK, pl.ds(0, TAIL)]], sem_s, add=True))
    for cp in cps:
        cp.wait()
    plsc.subcore_barrier()

    pltpu.sync_copy(acc.at[pl.ds(s * NPT, NPT)],
                    out_hbm.at[c, pl.ds(s * NPT, NPT)])


@functools.cache
def _build_scatter_add():
    return pl.kernel(
        _scatter_body,
        out_type=jax.ShapeDtypeStruct((2, NPAD, HID), jnp.float32),
        mesh=plsc.VectorSubcoreMesh(core_axis_name="c", subcore_axis_name="s",
                                    num_cores=2, num_subcores=16),
        scratch_types=[
            pltpu.VMEM((EPT, HID), jnp.float32),
            pltpu.VMEM((PACK, SEG), jnp.int32),
            pltpu.VMEM((NCHUNK + 1, SCHUNK), jnp.int32),
            pltpu.VMEM_SHARED((NPAD, HID), jnp.float32),
            pltpu.SemaphoreType.DMA,
            pltpu.SemaphoreType.DMA,
            pltpu.SemaphoreType.DMA,
        ],
        compiler_params=pltpu.CompilerParams(
            use_tc_tiling_on_sc=False, needs_layout_passes=False),
    )


def _pool_head_body(part_ref, ids_ref, ne_ref, root_ref, bias_ref,
                    w4_ref, b4_ref, w5_ref, b5_ref, out_ref, sums, counts):
    i = pl.program_id(0)

    @pl.when(i == 0)
    def _init():
        sums[...] = jnp.zeros_like(sums)
        counts[...] = jnp.zeros_like(counts)

    c16 = (jnp.dot(ne_ref[...], root_ref[...],
                   preferred_element_type=jnp.float32) + bias_ref[...])
    c128 = jnp.concatenate([c16] * PACK, axis=1)
    x8 = jax.nn.relu(part_ref[0] + part_ref[1] + c128)
    for a in range(PACK):
        ids = ids_ref[a, :]
        onehot = (lax.broadcasted_iota(jnp.int32, (G, BNP), 0)
                  == ids[None, :]).astype(jnp.float32)
        xa = x8[:, a * HID:(a + 1) * HID]
        sums[...] += jnp.dot(onehot, xa,
                             preferred_element_type=jnp.float32)
        counts[...] += jnp.sum(onehot, axis=1, keepdims=True)

    @pl.when(i == pl.num_programs(0) - 1)
    def _final():
        pooled = sums[...] / jnp.maximum(counts[...], 1.0)
        h = jax.nn.relu(
            jnp.dot(pooled, w4_ref[...], preferred_element_type=jnp.float32)
            + b4_ref[...])
        out_ref[...] = (
            jnp.dot(h, w5_ref[...], preferred_element_type=jnp.float32)
            + b5_ref[...])


def _pool_head(partials, ids8, ne, root, bias2, w4, b42, w5, b52):
    return pl.pallas_call(
        _pool_head_body,
        grid=(NPK // BNP,),
        in_specs=[
            pl.BlockSpec((2, BNP, 128), lambda i: (0, i, 0)),
            pl.BlockSpec((PACK, BNP), lambda i: (0, i)),
            pl.BlockSpec((1, HID), lambda i: (0, 0)),
            pl.BlockSpec((HID, HID), lambda i: (0, 0)),
            pl.BlockSpec((1, HID), lambda i: (0, 0)),
            pl.BlockSpec((HID, 2 * HID), lambda i: (0, 0)),
            pl.BlockSpec((1, 2 * HID), lambda i: (0, 0)),
            pl.BlockSpec((2 * HID, OUT_DIM), lambda i: (0, 0)),
            pl.BlockSpec((1, OUT_DIM), lambda i: (0, 0)),
        ],
        out_specs=pl.BlockSpec((G, OUT_DIM), lambda i: (0, 0)),
        out_shape=jax.ShapeDtypeStruct((G, OUT_DIM), jnp.float32),
        scratch_shapes=[
            pltpu.VMEM((G, HID), jnp.float32),
            pltpu.VMEM((G, 1), jnp.float32),
        ],
    )(partials, ids8, ne, root, bias2, w4, b42, w5, b52)


def kernel(edge_attr, edge_index, batch, node_emb, w1, b1, w2, b2, w3, b3,
           root, bias, w4, b4, w5, b5):
    ne = node_emb[0]

    w3f = jnp.einsum("i,kio->ko", ne, w3.reshape(HID, EDGE_DIM, HID))
    b3f = ne @ b3.reshape(EDGE_DIM, HID)

    eat = edge_attr.T
    msg8 = _edge_mlp(eat, w1, b1[None, :], w2, b2[None, :], w3f,
                     b3f[None, :])
    msg = msg8.reshape(EP, HID)

    dst1 = jnp.concatenate(
        [edge_index[1], jnp.zeros((16,), dtype=jnp.int32)])
    zeros = jnp.zeros((NPT, HID), jnp.float32)
    partials = _build_scatter_add()(msg, dst1, zeros)

    ids8 = jnp.concatenate(
        [batch, jnp.full((NPAD - N,), G, dtype=jnp.int32)]
    ).reshape(NPK, PACK).T
    part8 = partials.reshape(2, NPK, 128)
    return _pool_head(part8, ids8, node_emb, root, bias[None, :],
                      w4, b4[None, :], w5, b5[None, :])

# --- scband reference (transcript-rebuilt; emitter-appended) ---
"""Pipeline reference for scband-gcngraph-classifier-20375324852533 (READ-ONLY COPY).

The authoritative reference and input builder live on the scoring server;
editing this copy changes nothing except your own understanding.
"""

import jax, jax.numpy as jnp
import numpy as np

N = 10000
E = 160000
EDGE_DIM = 16
IN_DIM = 16
HID = 16
OUT_DIM = 10
G = 64


def setup_inputs(seed: int = 0) -> dict:
    key = jax.random.key(seed)
    ks = jax.random.split(key, 20)
    edge_attr = jax.random.normal(ks[0], (E, EDGE_DIM), dtype=jnp.float32)
    edge_index = jax.random.randint(ks[1], (2, E), 0, N, dtype=jnp.int32)
    batch = jnp.sort(jax.random.randint(ks[2], (N,), 0, G, dtype=jnp.int32))
    s = 0.1
    node_emb = jax.random.normal(ks[3], (1, IN_DIM), dtype=jnp.float32) * s
    w1 = jax.random.normal(ks[4], (EDGE_DIM, HID), dtype=jnp.float32) * s
    b1 = jnp.zeros((HID,), dtype=jnp.float32)
    w2 = jax.random.normal(ks[5], (HID, HID), dtype=jnp.float32) * s
    b2 = jnp.zeros((HID,), dtype=jnp.float32)
    w3 = jax.random.normal(ks[6], (HID, IN_DIM * HID), dtype=jnp.float32) * s
    b3 = jnp.zeros((IN_DIM * HID,), dtype=jnp.float32)
    root = jax.random.normal(ks[7], (IN_DIM, HID), dtype=jnp.float32) * s
    bias = jnp.zeros((HID,), dtype=jnp.float32)
    w4 = jax.random.normal(ks[8], (HID, HID * 2), dtype=jnp.float32) * s
    b4 = jnp.zeros((HID * 2,), dtype=jnp.float32)
    w5 = jax.random.normal(ks[9], (HID * 2, OUT_DIM), dtype=jnp.float32) * s
    b5 = jnp.zeros((OUT_DIM,), dtype=jnp.float32)
    return {"edge_attr": edge_attr, "edge_index": edge_index, "batch": batch,
            "node_emb": node_emb, "w1": w1, "b1": b1, "w2": w2, "b2": b2,
            "w3": w3, "b3": b3, "root": root, "bias": bias,
            "w4": w4, "b4": b4, "w5": w5, "b5": b5}


def reference(edge_attr, edge_index, batch, node_emb, w1, b1, w2, b2, w3, b3,
              root, bias, w4, b4, w5, b5):
    # data.x is None -> x = node_embedding.weight repeated over all nodes
    x = jnp.broadcast_to(node_emb, (N, IN_DIM))
    # edge MLP -> per-edge weight matrix [E, IN_DIM, HID]
    h = jax.nn.relu(edge_attr @ w1 + b1)
    h = jax.nn.relu(h @ w2 + b2)
    w_e = (h @ w3 + b3).reshape(E, IN_DIM, HID)
    src = edge_index[0]
    dst = edge_index[1]
    x_j = jnp.take(x, src, axis=0)  # gather source node features [E, IN_DIM]
    msg = jnp.einsum('ei,eio->eo', x_j, w_e)  # per-edge matmul [E, HID]
    agg = jax.ops.segment_sum(msg, dst, num_segments=N)  # aggr='add'
    out = agg + x @ root + bias  # NNConv root weight + bias
    out = jax.nn.relu(out)
    # global_mean_pool over graphs
    sums = jax.ops.segment_sum(out, batch, num_segments=G)
    counts = jax.ops.segment_sum(jnp.ones((N,), dtype=jnp.float32), batch, num_segments=G)
    pooled = sums / jnp.maximum(counts, 1.0)[:, None]
    h2 = jax.nn.relu(pooled @ w4 + b4)
    logits = h2 @ w5 + b5
    return logits

if __name__ == "__main__":
    import jax
    _d = setup_inputs()
    print(jax.jit(kernel)(*tuple(_d.values())))

</pallas_src>

<mosaic_0001>
#map = affine_map<(d0, d1) -> (0, 0)>
#map1 = affine_map<(d0, d1) -> (0)>
#map2 = affine_map<(d0, d1) -> (0, 0, 0)>
module attributes {stable_mosaic.version = 14 : i64} {
  func.func @_scatter_body(%arg0: i32, %arg1: i32, %arg2: memref<160000x16xf32, #tpu.memory_space<hbm>>, %arg3: memref<160016xi32, #tpu.memory_space<hbm>>, %arg4: memref<640x16xf32, #tpu.memory_space<hbm>>, %arg5: memref<2x10240x16xf32, #tpu.memory_space<hbm>>, %arg6: memref<5000x16xf32, #tpu.memory_space<vmem>>, %arg7: memref<8x648xi32, #tpu.memory_space<vmem>>, %arg8: memref<40x128xi32, #tpu.memory_space<vmem>>, %arg9: memref<10240x16xf32, #tpu.memory_space<vmem_shared>>, %arg10: memref<!tpu.dma_semaphore, #tpu.memory_space<semaphore_mem>>, %arg11: memref<!tpu.dma_semaphore, #tpu.memory_space<semaphore_mem>>, %arg12: memref<!tpu.dma_semaphore, #tpu.memory_space<semaphore_mem>>) attributes {dimension_semantics = [#tpu.dimension_semantics<core_parallel>, #tpu.dimension_semantics<subcore_parallel>], iteration_bounds = array<i64: 2, 16>, scalar_prefetch = 0 : i64, scratch_operands = 7 : i64, tpu.core_type = #tpu.core_type<sc_vector_subcore>, window_params = [{transform_indices = #map}, {transform_indices = #map1}, {transform_indices = #map}, {transform_indices = #map2}]} {
    %mul3A = arith.constant 16 : i32
    %mul3A_0 = arith.muli %arg0, %mul3A : i32
    %add3A = arith.addi %mul3A_0, %arg1 : i32
    %jit3A = arith.constant 16 : i32
    %div3A = arith.divsi %add3A, %jit3A : i32
    %sign3A = arith.constant 0 : i32
    %sign3A_1 = arith.cmpi sgt, %add3A, %sign3A : i32
    %sign3A_2 = arith.extui %sign3A_1 : i1 to i32
    %sign3A_3 = arith.constant 0 : i32
    %sign3A_4 = arith.cmpi slt, %add3A, %sign3A_3 : i32
    %sign3A_5 = arith.extui %sign3A_4 : i1 to i32
    %sign3A_6 = arith.subi %sign3A_2, %sign3A_5 : i32
    %sign3A_7 = arith.constant 0 : i32
    %sign3A_8 = arith.cmpi sgt, %jit3A, %sign3A_7 : i32
    %sign3A_9 = arith.extui %sign3A_8 : i1 to i32
    %sign3A_10 = arith.constant 0 : i32
    %sign3A_11 = arith.cmpi slt, %jit3A, %sign3A_10 : i32
    %sign3A_12 = arith.extui %sign3A_11 : i1 to i32
    %sign3A_13 = arith.subi %sign3A_9, %sign3A_12 : i32
    %ne3A = arith.cmpi ne, %sign3A_6, %sign3A_13 : i32
    %rem3A = arith.remsi %add3A, %jit3A : i32
    %ne3A_14 = arith.constant 0 : i32
    %ne3A_15 = arith.cmpi ne, %rem3A, %ne3A_14 : i32
    %and3A = arith.andi %ne3A, %ne3A_15 : i1
    %sub3A = arith.constant 1 : i32
    %sub3A_16 = arith.subi %div3A, %sub3A : i32
    %select_n3A = arith.select %and3A, %sub3A_16, %div3A : i32
    %jit3A_17 = arith.constant 16 : i32
    %eq3A = arith.constant 0 : i32
    %eq3A_18 = arith.cmpi eq, %jit3A_17, %eq3A : i32
    %jit3A_19 = arith.constant 1 : i32
    %select_n3A_20 = arith.select %eq3A_18, %jit3A_19, %jit3A_17 : i32
    %rem3A_21 = arith.remsi %add3A, %select_n3A_20 : i32
    %ne3A_22 = arith.constant 0 : i32
    %ne3A_23 = arith.cmpi ne, %rem3A_21, %ne3A_22 : i32
    %lt3A = arith.constant 0 : i32
    %lt3A_24 = arith.cmpi slt, %rem3A_21, %lt3A : i32
    %lt3A_25 = arith.constant 0 : i32
    %lt3A_26 = arith.cmpi slt, %select_n3A_20, %lt3A_25 : i32
    %ne3A_27 = arith.xori %lt3A_24, %lt3A_26 : i1
    %and3A_28 = arith.andi %ne3A_27, %ne3A_23 : i1
    %add3A_29 = arith.addi %rem3A_21, %select_n3A_20 : i32
    %select_n3A_30 = arith.select %and3A_28, %add3A_29, %rem3A_21 : i32
    %mul3A_31 = arith.constant 625 : i32
    %mul3A_32 = arith.muli %mul3A_31, %select_n3A_30 : i32
    %jit3A_33 = arith.constant 8 : i32
    %eq3A_34 = arith.constant 0 : i32
    %eq3A_35 = arith.cmpi eq, %jit3A_33, %eq3A_34 : i32
    %jit3A_36 = arith.constant 1 : i32
    %select_n3A_37 = arith.select %eq3A_35, %jit3A_36, %jit3A_33 : i32
    %rem3A_38 = arith.remsi %mul3A_32, %select_n3A_37 : i32
    %ne3A_39 = arith.constant 0 : i32
    %ne3A_40 = arith.cmpi ne, %rem3A_38, %ne3A_39 : i32
    %lt3A_41 = arith.constant 0 : i32
    %lt3A_42 = arith.cmpi slt, %rem3A_38, %lt3A_41 : i32
    %lt3A_43 = arith.constant 0 : i32
    %lt3A_44 = arith.cmpi slt, %select_n3A_37, %lt3A_43 : i32
    %ne3A_45 = arith.xori %lt3A_42, %lt3A_44 : i1
    %and3A_46 = arith.andi %ne3A_45, %ne3A_40 : i1
    %add3A_47 = arith.addi %rem3A_38, %select_n3A_37 : i32
    %select_n3A_48 = arith.select %and3A_46, %add3A_47, %rem3A_38 : i32
    %mul3A_49 = arith.constant 5000 : i32
    %mul3A_50 = arith.muli %add3A, %mul3A_49 : i32
    %dma_start3A = arith.constant 0 : i32
    %dma_start3A_51 = tpu.memref_slice %arg2[%mul3A_50, %dma_start3A] : memref<160000x16xf32, #tpu.memory_space<hbm>> -> memref<5000x16xf32, #tpu.memory_space<hbm>>
    %dma_start3A_52 = arith.constant 0 : i32
    %dma_start3A_53 = tpu.memref_slice %arg2[%mul3A_50, %dma_start3A_52] : memref<160000x16xf32, #tpu.memory_space<hbm>> -> memref<5000x16xf32, #tpu.memory_space<hbm>>
    tpu.enqueue_dma source(%dma_start3A_53 : memref<5000x16xf32, #tpu.memory_space<hbm>>) target(%arg6 : memref<5000x16xf32, #tpu.memory_space<vmem>>) target_semaphore(%arg10 : memref<!tpu.dma_semaphore, #tpu.memory_space<semaphore_mem>>)
    %mul3A_54 = arith.constant 10000 : i32
    %mul3A_55 = arith.muli %mul3A_54, %select_n3A : i32
    %add3A_56 = arith.constant 0 : i32
    %add3A_57 = arith.addi %mul3A_55, %add3A_56 : i32
    %mul3A_58 = arith.constant 625 : i32
    %mul3A_59 = arith.muli %mul3A_58, %select_n3A_30 : i32
    %jit3A_60 = arith.constant 8 : i32
    %div3A_61 = arith.divsi %mul3A_59, %jit3A_60 : i32
    %sign3A_62 = arith.constant 0 : i32
    %sign3A_63 = arith.cmpi sgt, %mul3A_59, %sign3A_62 : i32
    %sign3A_64 = arith.extui %sign3A_63 : i1 to i32
    %sign3A_65 = arith.constant 0 : i32
    %sign3A_66 = arith.cmpi slt, %mul3A_59, %sign3A_65 : i32
    %sign3A_67 = arith.extui %sign3A_66 : i1 to i32
    %sign3A_68 = arith.subi %sign3A_64, %sign3A_67 : i32
    %sign3A_69 = arith.constant 0 : i32
    %sign3A_70 = arith.cmpi sgt, %jit3A_60, %sign3A_69 : i32
    %sign3A_71 = arith.extui %sign3A_70 : i1 to i32
    %sign3A_72 = arith.constant 0 : i32
    %sign3A_73 = arith.cmpi slt, %jit3A_60, %sign3A_72 : i32
    %sign3A_74 = arith.extui %sign3A_73 : i1 to i32
    %sign3A_75 = arith.subi %sign3A_71, %sign3A_74 : i32
    %ne3A_76 = arith.cmpi ne, %sign3A_68, %sign3A_75 : i32
    %rem3A_77 = arith.remsi %mul3A_59, %jit3A_60 : i32
    %ne3A_78 = arith.constant 0 : i32
    %ne3A_79 = arith.cmpi ne, %rem3A_77, %ne3A_78 : i32
    %and3A_80 = arith.andi %ne3A_76, %ne3A_79 : i1
    %sub3A_81 = arith.constant 1 : i32
    %sub3A_82 = arith.subi %div3A_61, %sub3A_81 : i32
    %select_n3A_83 = arith.select %and3A_80, %sub3A_82, %div3A_61 : i32
    %add3A_84 = arith.addi %add3A_57, %select_n3A_83 : i32
    %mul3A_85 = arith.constant 8 : i32
    %mul3A_86 = arith.muli %mul3A_85, %add3A_84 : i32
    %dma_start3A_87 = arith.constant 0 : i32
    %dma_start3A_88 = arith.constant 0 : i32
    %dma_start3A_89 = tpu.memref_slice %arg7[%dma_start3A_87, %dma_start3A_88] : memref<8x648xi32, #tpu.memory_space<vmem>> -> memref<1x648xi32, #tpu.memory_space<vmem>>
    %dma_start3A_90 = tpu.memref_squeeze %dma_start3A_89 : memref<1x648xi32, #tpu.memory_space<vmem>> -> memref<648xi32, #tpu.memory_space<vmem>>
    %dma_start3A_91 = tpu.memref_slice %arg3[%mul3A_86] : memref<160016xi32, #tpu.memory_space<hbm>> -> memref<648xi32, #tpu.memory_space<hbm>>
    %dma_start3A_92 = arith.constant 0 : i32
    %dma_start3A_93 = tpu.memref_slice %arg7[%dma_start3A_87, %dma_start3A_92] : memref<8x648xi32, #tpu.memory_space<vmem>> -> memref<1x648xi32, #tpu.memory_space<vmem>>
    %dma_start3A_94 = tpu.memref_squeeze %dma_start3A_93 : memref<1x648xi32, #tpu.memory_space<vmem>> -> memref<648xi32, #tpu.memory_space<vmem>>
    %dma_start3A_95 = tpu.memref_slice %arg3[%mul3A_86] : memref<160016xi32, #tpu.memory_space<hbm>> -> memref<648xi32, #tpu.memory_space<hbm>>
    tpu.enqueue_dma source(%dma_start3A_95 : memref<648xi32, #tpu.memory_space<hbm>>) target(%dma_start3A_94 : memref<648xi32, #tpu.memory_space<vmem>>) target_semaphore(%arg11 : memref<!tpu.dma_semaphore, #tpu.memory_space<semaphore_mem>>)
    %mul3A_96 = arith.constant 10000 : i32
    %mul3A_97 = arith.muli %mul3A_96, %select_n3A : i32
    %add3A_98 = arith.constant 1250 : i32
    %add3A_99 = arith.addi %mul3A_97, %add3A_98 : i32
    %mul3A_100 = arith.constant 625 : i32
    %mul3A_101 = arith.muli %mul3A_100, %select_n3A_30 : i32
    %jit3A_102 = arith.constant 8 : i32
    %div3A_103 = arith.divsi %mul3A_101, %jit3A_102 : i32
    %sign3A_104 = arith.constant 0 : i32
    %sign3A_105 = arith.cmpi sgt, %mul3A_101, %sign3A_104 : i32
    %sign3A_106 = arith.extui %sign3A_105 : i1 to i32
    %sign3A_107 = arith.constant 0 : i32
    %sign3A_108 = arith.cmpi slt, %mul3A_101, %sign3A_107 : i32
    %sign3A_109 = arith.extui %sign3A_108 : i1 to i32
    %sign3A_110 = arith.subi %sign3A_106, %sign3A_109 : i32
    %sign3A_111 = arith.constant 0 : i32
    %sign3A_112 = arith.cmpi sgt, %jit3A_102, %sign3A_111 : i32
    %sign3A_113 = arith.extui %sign3A_112 : i1 to i32
    %sign3A_114 = arith.constant 0 : i32
    %sign3A_115 = arith.cmpi slt, %jit3A_102, %sign3A_114 : i32
    %sign3A_116 = arith.extui %sign3A_115 : i1 to i32
    %sign3A_117 = arith.subi %sign3A_113, %sign3A_116 : i32
    %ne3A_118 = arith.cmpi ne, %sign3A_110, %sign3A_117 : i32
    %rem3A_119 = arith.remsi %mul3A_101, %jit3A_102 : i32
    %ne3A_120 = arith.constant 0 : i32
    %ne3A_121 = arith.cmpi ne, %rem3A_119, %ne3A_120 : i32
    %and3A_122 = arith.andi %ne3A_118, %ne3A_121 : i1
    %sub3A_123 = arith.constant 1 : i32
    %sub3A_124 = arith.subi %div3A_103, %sub3A_123 : i32
    %select_n3A_125 = arith.select %and3A_122, %sub3A_124, %div3A_103 : i32
    %add3A_126 = arith.addi %add3A_99, %select_n3A_125 : i32
    %mul3A_127 = arith.constant 8 : i32
    %mul3A_128 = arith.muli %mul3A_127, %add3A_126 : i32
    %dma_start3A_129 = arith.constant 1 : i32
    %dma_start3A_130 = arith.constant 0 : i32
    %dma_start3A_131 = tpu.memref_slice %arg7[%dma_start3A_129, %dma_start3A_130] : memref<8x648xi32, #tpu.memory_space<vmem>> -> memref<1x648xi32, #tpu.memory_space<vmem>>
    %dma_start3A_132 = tpu.memref_squeeze %dma_start3A_131 : memref<1x648xi32, #tpu.memory_space<vmem>> -> memref<648xi32, #tpu.memory_space<vmem>>
    %dma_start3A_133 = tpu.memref_slice %arg3[%mul3A_128] : memref<160016xi32, #tpu.memory_space<hbm>> -> memref<648xi32, #tpu.memory_space<hbm>>
    %dma_start3A_134 = arith.constant 0 : i32
    %dma_start3A_135 = tpu.memref_slice %arg7[%dma_start3A_129, %dma_start3A_134] : memref<8x648xi32, #tpu.memory_space<vmem>> -> memref<1x648xi32, #tpu.memory_space<vmem>>
    %dma_start3A_136 = tpu.memref_squeeze %dma_start3A_135 : memref<1x648xi32, #tpu.memory_space<vmem>> -> memref<648xi32, #tpu.memory_space<vmem>>
    %dma_start3A_137 = tpu.memref_slice %arg3[%mul3A_128] : memref<160016xi32, #tpu.memory_space<hbm>> -> memref<648xi32, #tpu.memory_space<hbm>>
    tpu.enqueue_dma source(%dma_start3A_137 : memref<648xi32, #tpu.memory_space<hbm>>) target(%dma_start3A_136 : memref<648xi32, #tpu.memory_space<vmem>>) target_semaphore(%arg11 : memref<!tpu.dma_semaphore, #tpu.memory_space<semaphore_mem>>)
    %mul3A_138 = arith.constant 10000 : i32
    %mul3A_139 = arith.muli %mul3A_138, %select_n3A : i32
    %add3A_140 = arith.constant 2500 : i32
    %add3A_141 = arith.addi %mul3A_139, %add3A_140 : i32
    %mul3A_142 = arith.constant 625 : i32
    %mul3A_143 = arith.muli %mul3A_142, %select_n3A_30 : i32
    %jit3A_144 = arith.constant 8 : i32
    %div3A_145 = arith.divsi %mul3A_143, %jit3A_144 : i32
    %sign3A_146 = arith.constant 0 : i32
    %sign3A_147 = arith.cmpi sgt, %mul3A_143, %sign3A_146 : i32
    %sign3A_148 = arith.extui %sign3A_147 : i1 to i32
    %sign3A_149 = arith.constant 0 : i32
    %sign3A_150 = arith.cmpi slt, %mul3A_143, %sign3A_149 : i32
    %sign3A_151 = arith.extui %sign3A_150 : i1 to i32
    %sign3A_152 = arith.subi %sign3A_148, %sign3A_151 : i32
    %sign3A_153 = arith.constant 0 : i32
    %sign3A_154 = arith.cmpi sgt, %jit3A_144, %sign3A_153 : i32
    %sign3A_155 = arith.extui %sign3A_154 : i1 to i32
    %sign3A_156 = arith.constant 0 : i32
    %sign3A_157 = arith.cmpi slt, %jit3A_144, %sign3A_156 : i32
    %sign3A_158 = arith.extui %sign3A_157 : i1 to i32
    %sign3A_159 = arith.subi %sign3A_155, %sign3A_158 : i32
    %ne3A_160 = arith.cmpi ne, %sign3A_152, %sign3A_159 : i32
    %rem3A_161 = arith.remsi %mul3A_143, %jit3A_144 : i32
    %ne3A_162 = arith.constant 0 : i32
    %ne3A_163 = arith.cmpi ne, %rem3A_161, %ne3A_162 : i32
    %and3A_164 = arith.andi %ne3A_160, %ne3A_163 : i1
    %sub3A_165 = arith.constant 1 : i32
    %sub3A_166 = arith.subi %div3A_145, %sub3A_165 : i32
    %select_n3A_167 = arith.select %and3A_164, %sub3A_166, %div3A_145 : i32
    %add3A_168 = arith.addi %add3A_141, %select_n3A_167 : i32
    %mul3A_169 = arith.constant 8 : i32
    %mul3A_170 = arith.muli %mul3A_169, %add3A_168 : i32
    %dma_start3A_171 = arith.constant 2 : i32
    %dma_start3A_172 = arith.constant 0 : i32
    %dma_start3A_173 = tpu.memref_slice %arg7[%dma_start3A_171, %dma_start3A_172] : memref<8x648xi32, #tpu.memory_space<vmem>> -> memref<1x648xi32, #tpu.memory_space<vmem>>
    %dma_start3A_174 = tpu.memref_squeeze %dma_start3A_173 : memref<1x648xi32, #tpu.memory_space<vmem>> -> memref<648xi32, #tpu.memory_space<vmem>>
    %dma_start3A_175 = tpu.memref_slice %arg3[%mul3A_170] : memref<160016xi32, #tpu.memory_space<hbm>> -> memref<648xi32, #tpu.memory_space<hbm>>
    %dma_start3A_176 = arith.constant 0 : i32
    %dma_start3A_177 = tpu.memref_slice %arg7[%dma_start3A_171, %dma_start3A_176] : memref<8x648xi32, #tpu.memory_space<vmem>> -> memref<1x648xi32, #tpu.memory_space<vmem>>
    %dma_start3A_178 = tpu.memref_squeeze %dma_start3A_177 : memref<1x648xi32, #tpu.memory_space<vmem>> -> memref<648xi32, #tpu.memory_space<vmem>>
    %dma_start3A_179 = tpu.memref_slice %arg3[%mul3A_170] : memref<160016xi32, #tpu.memory_space<hbm>> -> memref<648xi32, #tpu.memory_space<hbm>>
    tpu.enqueue_dma source(%dma_start3A_179 : memref<648xi32, #tpu.memory_space<hbm>>) target(%dma_start3A_178 : memref<648xi32, #tpu.memory_space<vmem>>) target_semaphore(%arg11 : memref<!tpu.dma_semaphore, #tpu.memory_space<semaphore_mem>>)
    %mul3A_180 = arith.constant 10000 : i32
    %mul3A_181 = arith.muli %mul3A_180, %select_n3A : i32
    %add3A_182 = arith.constant 3750 : i32
    %add3A_183 = arith.addi %mul3A_181, %add3A_182 : i32
    %mul3A_184 = arith.constant 625 : i32
    %mul3A_185 = arith.muli %mul3A_184, %select_n3A_30 : i32
    %jit3A_186 = arith.constant 8 : i32
    %div3A_187 = arith.divsi %mul3A_185, %jit3A_186 : i32
    %sign3A_188 = arith.constant 0 : i32
    %sign3A_189 = arith.cmpi sgt, %mul3A_185, %sign3A_188 : i32
    %sign3A_190 = arith.extui %sign3A_189 : i1 to i32
    %sign3A_191 = arith.constant 0 : i32
    %sign3A_192 = arith.cmpi slt, %mul3A_185, %sign3A_191 : i32
    %sign3A_193 = arith.extui %sign3A_192 : i1 to i32
    %sign3A_194 = arith.subi %sign3A_190, %sign3A_193 : i32
    %sign3A_195 = arith.constant 0 : i32
    %sign3A_196 = arith.cmpi sgt, %jit3A_186, %sign3A_195 : i32
    %sign3A_197 = arith.extui %sign3A_196 : i1 to i32
    %sign3A_198 = arith.constant 0 : i32
    %sign3A_199 = arith.cmpi slt, %jit3A_186, %sign3A_198 : i32
    %sign3A_200 = arith.extui %sign3A_199 : i1 to i32
    %sign3A_201 = arith.subi %sign3A_197, %sign3A_200 : i32
    %ne3A_202 = arith.cmpi ne, %sign3A_194, %sign3A_201 : i32
    %rem3A_203 = arith.remsi %mul3A_185, %jit3A_186 : i32
    %ne3A_204 = arith.constant 0 : i32
    %ne3A_205 = arith.cmpi ne, %rem3A_203, %ne3A_204 : i32
    %and3A_206 = arith.andi %ne3A_202, %ne3A_205 : i1
    %sub3A_207 = arith.constant 1 : i32
    %sub3A_208 = arith.subi %div3A_187, %sub3A_207 : i32
    %select_n3A_209 = arith.select %and3A_206, %sub3A_208, %div3A_187 : i32
    %add3A_210 = arith.addi %add3A_183, %select_n3A_209 : i32
    %mul3A_211 = arith.constant 8 : i32
    %mul3A_212 = arith.muli %mul3A_211, %add3A_210 : i32
    %dma_start3A_213 = arith.constant 3 : i32
    %dma_start3A_214 = arith.constant 0 : i32
    %dma_start3A_215 = tpu.memref_slice %arg7[%dma_start3A_213, %dma_start3A_214] : memref<8x648xi32, #tpu.memory_space<vmem>> -> memref<1x648xi32, #tpu.memory_space<vmem>>
    %dma_start3A_216 = tpu.memref_squeeze %dma_start3A_215 : memref<1x648xi32, #tpu.memory_space<vmem>> -> memref<648xi32, #tpu.memory_space<vmem>>
    %dma_start3A_217 = tpu.memref_slice %arg3[%mul3A_212] : memref<160016xi32, #tpu.memory_space<hbm>> -> memref<648xi32, #tpu.memory_space<hbm>>
    %dma_start3A_218 = arith.constant 0 : i32
    %dma_start3A_219 = tpu.memref_slice %arg7[%dma_start3A_213, %dma_start3A_218] : memref<8x648xi32, #tpu.memory_space<vmem>> -> memref<1x648xi32, #tpu.memory_space<vmem>>
    %dma_start3A_220 = tpu.memref_squeeze %dma_start3A_219 : memref<1x648xi32, #tpu.memory_space<vmem>> -> memref<648xi32, #tpu.memory_space<vmem>>
    %dma_start3A_221 = tpu.memref_slice %arg3[%mul3A_212] : memref<160016xi32, #tpu.memory_space<hbm>> -> memref<648xi32, #tpu.memory_space<hbm>>
    tpu.enqueue_dma source(%dma_start3A_221 : memref<648xi32, #tpu.memory_space<hbm>>) target(%dma_start3A_220 : memref<648xi32, #tpu.memory_space<vmem>>) target_semaphore(%arg11 : memref<!tpu.dma_semaphore, #tpu.memory_space<semaphore_mem>>)
    %mul3A_222 = arith.constant 10000 : i32
    %mul3A_223 = arith.muli %mul3A_222, %select_n3A : i32
    %add3A_224 = arith.constant 5000 : i32
    %add3A_225 = arith.addi %mul3A_223, %add3A_224 : i32
    %mul3A_226 = arith.constant 625 : i32
    %mul3A_227 = arith.muli %mul3A_226, %select_n3A_30 : i32
    %jit3A_228 = arith.constant 8 : i32
    %div3A_229 = arith.divsi %mul3A_227, %jit3A_228 : i32
    %sign3A_230 = arith.constant 0 : i32
    %sign3A_231 = arith.cmpi sgt, %mul3A_227, %sign3A_230 : i32
    %sign3A_232 = arith.extui %sign3A_231 : i1 to i32
    %sign3A_233 = arith.constant 0 : i32
    %sign3A_234 = arith.cmpi slt, %mul3A_227, %sign3A_233 : i32
    %sign3A_235 = arith.extui %sign3A_234 : i1 to i32
    %sign3A_236 = arith.subi %sign3A_232, %sign3A_235 : i32
    %sign3A_237 = arith.constant 0 : i32
    %sign3A_238 = arith.cmpi sgt, %jit3A_228, %sign3A_237 : i32
    %sign3A_239 = arith.extui %sign3A_238 : i1 to i32
    %sign3A_240 = arith.constant 0 : i32
    %sign3A_241 = arith.cmpi slt, %jit3A_228, %sign3A_240 : i32
    %sign3A_242 = arith.extui %sign3A_241 : i1 to i32
    %sign3A_243 = arith.subi %sign3A_239, %sign3A_242 : i32
    %ne3A_244 = arith.cmpi ne, %sign3A_236, %sign3A_243 : i32
    %rem3A_245 = arith.remsi %mul3A_227, %jit3A_228 : i32
    %ne3A_246 = arith.constant 0 : i32
    %ne3A_247 = arith.cmpi ne, %rem3A_245, %ne3A_246 : i32
    %and3A_248 = arith.andi %ne3A_244, %ne3A_247 : i1
    %sub3A_249 = arith.constant 1 : i32
    %sub3A_250 = arith.subi %div3A_229, %sub3A_249 : i32
    %select_n3A_251 = arith.select %and3A_248, %sub3A_250, %div3A_229 : i32
    %add3A_252 = arith.addi %add3A_225, %select_n3A_251 : i32
    %mul3A_253 = arith.constant 8 : i32
    %mul3A_254 = arith.muli %mul3A_253, %add3A_252 : i32
    %dma_start3A_255 = arith.constant 4 : i32
    %dma_start3A_256 = arith.constant 0 : i32
    %dma_start3A_257 = tpu.memref_slice %arg7[%dma_start3A_255, %dma_start3A_256] : memref<8x648xi32, #tpu.memory_space<vmem>> -> memref<1x648xi32, #tpu.memory_space<vmem>>
    %dma_start3A_258 = tpu.memref_squeeze %dma_start3A_257 : memref<1x648xi32, #tpu.memory_space<vmem>> -> memref<648xi32, #tpu.memory_space<vmem>>
    %dma_start3A_259 = tpu.memref_slice %arg3[%mul3A_254] : memref<160016xi32, #tpu.memory_space<hbm>> -> memref<648xi32, #tpu.memory_space<hbm>>
    %dma_start3A_260 = arith.constant 0 : i32
    %dma_start3A_261 = tpu.memref_slice %arg7[%dma_start3A_255, %dma_start3A_260] : memref<8x648xi32, #tpu.memory_space<vmem>> -> memref<1x648xi32, #tpu.memory_space<vmem>>
    %dma_start3A_262 = tpu.memref_squeeze %dma_start3A_261 : memref<1x648xi32, #tpu.memory_space<vmem>> -> memref<648xi32, #tpu.memory_space<vmem>>
    %dma_start3A_263 = tpu.memref_slice %arg3[%mul3A_254] : memref<160016xi32, #tpu.memory_space<hbm>> -> memref<648xi32, #tpu.memory_space<hbm>>
    tpu.enqueue_dma source(%dma_start3A_263 : memref<648xi32, #tpu.memory_space<hbm>>) target(%dma_start3A_262 : memref<648xi32, #tpu.memory_space<vmem>>) target_semaphore(%arg11 : memref<!tpu.dma_semaphore, #tpu.memory_space<semaphore_mem>>)
    %mul3A_264 = arith.constant 10000 : i32
    %mul3A_265 = arith.muli %mul3A_264, %select_n3A : i32
    %add3A_266 = arith.constant 6250 : i32
    %add3A_267 = arith.addi %mul3A_265, %add3A_266 : i32
    %mul3A_268 = arith.constant 625 : i32
    %mul3A_269 = arith.muli %mul3A_268, %select_n3A_30 : i32
    %jit3A_270 = arith.constant 8 : i32
    %div3A_271 = arith.divsi %mul3A_269, %jit3A_270 : i32
    %sign3A_272 = arith.constant 0 : i32
    %sign3A_273 = arith.cmpi sgt, %mul3A_269, %sign3A_272 : i32
    %sign3A_274 = arith.extui %sign3A_273 : i1 to i32
    %sign3A_275 = arith.constant 0 : i32
    %sign3A_276 = arith.cmpi slt, %mul3A_269, %sign3A_275 : i32
    %sign3A_277 = arith.extui %sign3A_276 : i1 to i32
    %sign3A_278 = arith.subi %sign3A_274, %sign3A_277 : i32
    %sign3A_279 = arith.constant 0 : i32
    %sign3A_280 = arith.cmpi sgt, %jit3A_270, %sign3A_279 : i32
    %sign3A_281 = arith.extui %sign3A_280 : i1 to i32
    %sign3A_282 = arith.constant 0 : i32
    %sign3A_283 = arith.cmpi slt, %jit3A_270, %sign3A_282 : i32
    %sign3A_284 = arith.extui %sign3A_283 : i1 to i32
    %sign3A_285 = arith.subi %sign3A_281, %sign3A_284 : i32
    %ne3A_286 = arith.cmpi ne, %sign3A_278, %sign3A_285 : i32
    %rem3A_287 = arith.remsi %mul3A_269, %jit3A_270 : i32
    %ne3A_288 = arith.constant 0 : i32
    %ne3A_289 = arith.cmpi ne, %rem3A_287, %ne3A_288 : i32
    %and3A_290 = arith.andi %ne3A_286, %ne3A_289 : i1
    %sub3A_291 = arith.constant 1 : i32
    %sub3A_292 = arith.subi %div3A_271, %sub3A_291 : i32
    %select_n3A_293 = arith.select %and3A_290, %sub3A_292, %div3A_271 : i32
    %add3A_294 = arith.addi %add3A_267, %select_n3A_293 : i32
    %mul3A_295 = arith.constant 8 : i32
    %mul3A_296 = arith.muli %mul3A_295, %add3A_294 : i32
    %dma_start3A_297 = arith.constant 5 : i32
    %dma_start3A_298 = arith.constant 0 : i32
    %dma_start3A_299 = tpu.memref_slice %arg7[%dma_start3A_297, %dma_start3A_298] : memref<8x648xi32, #tpu.memory_space<vmem>> -> memref<1x648xi32, #tpu.memory_space<vmem>>
    %dma_start3A_300 = tpu.memref_squeeze %dma_start3A_299 : memref<1x648xi32, #tpu.memory_space<vmem>> -> memref<648xi32, #tpu.memory_space<vmem>>
    %dma_start3A_301 = tpu.memref_slice %arg3[%mul3A_296] : memref<160016xi32, #tpu.memory_space<hbm>> -> memref<648xi32, #tpu.memory_space<hbm>>
    %dma_start3A_302 = arith.constant 0 : i32
    %dma_start3A_303 = tpu.memref_slice %arg7[%dma_start3A_297, %dma_start3A_302] : memref<8x648xi32, #tpu.memory_space<vmem>> -> memref<1x648xi32, #tpu.memory_space<vmem>>
    %dma_start3A_304 = tpu.memref_squeeze %dma_start3A_303 : memref<1x648xi32, #tpu.memory_space<vmem>> -> memref<648xi32, #tpu.memory_space<vmem>>
    %dma_start3A_305 = tpu.memref_slice %arg3[%mul3A_296] : memref<160016xi32, #tpu.memory_space<hbm>> -> memref<648xi32, #tpu.memory_space<hbm>>
    tpu.enqueue_dma source(%dma_start3A_305 : memref<648xi32, #tpu.memory_space<hbm>>) target(%dma_start3A_304 : memref<648xi32, #tpu.memory_space<vmem>>) target_semaphore(%arg11 : memref<!tpu.dma_semaphore, #tpu.memory_space<semaphore_mem>>)
    %mul3A_306 = arith.constant 10000 : i32
    %mul3A_307 = arith.muli %mul3A_306, %select_n3A : i32
    %add3A_308 = arith.constant 7500 : i32
    %add3A_309 = arith.addi %mul3A_307, %add3A_308 : i32
    %mul3A_310 = arith.constant 625 : i32
    %mul3A_311 = arith.muli %mul3A_310, %select_n3A_30 : i32
    %jit3A_312 = arith.constant 8 : i32
    %div3A_313 = arith.divsi %mul3A_311, %jit3A_312 : i32
    %sign3A_314 = arith.constant 0 : i32
    %sign3A_315 = arith.cmpi sgt, %mul3A_311, %sign3A_314 : i32
    %sign3A_316 = arith.extui %sign3A_315 : i1 to i32
    %sign3A_317 = arith.constant 0 : i32
    %sign3A_318 = arith.cmpi slt, %mul3A_311, %sign3A_317 : i32
    %sign3A_319 = arith.extui %sign3A_318 : i1 to i32
    %sign3A_320 = arith.subi %sign3A_316, %sign3A_319 : i32
    %sign3A_321 = arith.constant 0 : i32
    %sign3A_322 = arith.cmpi sgt, %jit3A_312, %sign3A_321 : i32
    %sign3A_323 = arith.extui %sign3A_322 : i1 to i32
    %sign3A_324 = arith.constant 0 : i32
    %sign3A_325 = arith.cmpi slt, %jit3A_312, %sign3A_324 : i32
    %sign3A_326 = arith.extui %sign3A_325 : i1 to i32
    %sign3A_327 = arith.subi %sign3A_323, %sign3A_326 : i32
    %ne3A_328 = arith.cmpi ne, %sign3A_320, %sign3A_327 : i32
    %rem3A_329 = arith.remsi %mul3A_311, %jit3A_312 : i32
    %ne3A_330 = arith.constant 0 : i32
    %ne3A_331 = arith.cmpi ne, %rem3A_329, %ne3A_330 : i32
    %and3A_332 = arith.andi %ne3A_328, %ne3A_331 : i1
    %sub3A_333 = arith.constant 1 : i32
    %sub3A_334 = arith.subi %div3A_313, %sub3A_333 : i32
    %select_n3A_335 = arith.select %and3A_332, %sub3A_334, %div3A_313 : i32
    %add3A_336 = arith.addi %add3A_309, %select_n3A_335 : i32
    %mul3A_337 = arith.constant 8 : i32
    %mul3A_338 = arith.muli %mul3A_337, %add3A_336 : i32
    %dma_start3A_339 = arith.constant 6 : i32
    %dma_start3A_340 = arith.constant 0 : i32
    %dma_start3A_341 = tpu.memref_slice %arg7[%dma_start3A_339, %dma_start3A_340] : memref<8x648xi32, #tpu.memory_space<vmem>> -> memref<1x648xi32, #tpu.memory_space<vmem>>
    %dma_start3A_342 = tpu.memref_squeeze %dma_start3A_341 : memref<1x648xi32, #tpu.memory_space<vmem>> -> memref<648xi32, #tpu.memory_space<vmem>>
    %dma_start3A_343 = tpu.memref_slice %arg3[%mul3A_338] : memref<160016xi32, #tpu.memory_space<hbm>> -> memref<648xi32, #tpu.memory_space<hbm>>
    %dma_start3A_344 = arith.constant 0 : i32
    %dma_start3A_345 = tpu.memref_slice %arg7[%dma_start3A_339, %dma_start3A_344] : memref<8x648xi32, #tpu.memory_space<vmem>> -> memref<1x648xi32, #tpu.memory_space<vmem>>
    %dma_start3A_346 = tpu.memref_squeeze %dma_start3A_345 : memref<1x648xi32, #tpu.memory_space<vmem>> -> memref<648xi32, #tpu.memory_space<vmem>>
    %dma_start3A_347 = tpu.memref_slice %arg3[%mul3A_338] : memref<160016xi32, #tpu.memory_space<hbm>> -> memref<648xi32, #tpu.memory_space<hbm>>
    tpu.enqueue_dma source(%dma_start3A_347 : memref<648xi32, #tpu.memory_space<hbm>>) target(%dma_start3A_346 : memref<648xi32, #tpu.memory_space<vmem>>) target_semaphore(%arg11 : memref<!tpu.dma_semaphore, #tpu.memory_space<semaphore_mem>>)
    %mul3A_348 = arith.constant 10000 : i32
    %mul3A_349 = arith.muli %mul3A_348, %select_n3A : i32
    %add3A_350 = arith.constant 8750 : i32
    %add3A_351 = arith.addi %mul3A_349, %add3A_350 : i32
    %mul3A_352 = arith.constant 625 : i32
    %mul3A_353 = arith.muli %mul3A_352, %select_n3A_30 : i32
    %jit3A_354 = arith.constant 8 : i32
    %div3A_355 = arith.divsi %mul3A_353, %jit3A_354 : i32
    %sign3A_356 = arith.constant 0 : i32
    %sign3A_357 = arith.cmpi sgt, %mul3A_353, %sign3A_356 : i32
    %sign3A_358 = arith.extui %sign3A_357 : i1 to i32
    %sign3A_359 = arith.constant 0 : i32
    %sign3A_360 = arith.cmpi slt, %mul3A_353, %sign3A_359 : i32
    %sign3A_361 = arith.extui %sign3A_360 : i1 to i32
    %sign3A_362 = arith.subi %sign3A_358, %sign3A_361 : i32
    %sign3A_363 = arith.constant 0 : i32
    %sign3A_364 = arith.cmpi sgt, %jit3A_354, %sign3A_363 : i32
    %sign3A_365 = arith.extui %sign3A_364 : i1 to i32
    %sign3A_366 = arith.constant 0 : i32
    %sign3A_367 = arith.cmpi slt, %jit3A_354, %sign3A_366 : i32
    %sign3A_368 = arith.extui %sign3A_367 : i1 to i32
    %sign3A_369 = arith.subi %sign3A_365, %sign3A_368 : i32
    %ne3A_370 = arith.cmpi ne, %sign3A_362, %sign3A_369 : i32
    %rem3A_371 = arith.remsi %mul3A_353, %jit3A_354 : i32
    %ne3A_372 = arith.constant 0 : i32
    %ne3A_373 = arith.cmpi ne, %rem3A_371, %ne3A_372 : i32
    %and3A_374 = arith.andi %ne3A_370, %ne3A_373 : i1
    %sub3A_375 = arith.constant 1 : i32
    %sub3A_376 = arith.subi %div3A_355, %sub3A_375 : i32
    %select_n3A_377 = arith.select %and3A_374, %sub3A_376, %div3A_355 : i32
    %add3A_378 = arith.addi %add3A_351, %select_n3A_377 : i32
    %mul3A_379 = arith.constant 8 : i32
    %mul3A_380 = arith.muli %mul3A_379, %add3A_378 : i32
    %dma_start3A_381 = arith.constant 7 : i32
    %dma_start3A_382 = arith.constant 0 : i32
    %dma_start3A_383 = tpu.memref_slice %arg7[%dma_start3A_381, %dma_start3A_382] : memref<8x648xi32, #tpu.memory_space<vmem>> -> memref<1x648xi32, #tpu.memory_space<vmem>>
    %dma_start3A_384 = tpu.memref_squeeze %dma_start3A_383 : memref<1x648xi32, #tpu.memory_space<vmem>> -> memref<648xi32, #tpu.memory_space<vmem>>
    %dma_start3A_385 = tpu.memref_slice %arg3[%mul3A_380] : memref<160016xi32, #tpu.memory_space<hbm>> -> memref<648xi32, #tpu.memory_space<hbm>>
    %dma_start3A_386 = arith.constant 0 : i32
    %dma_start3A_387 = tpu.memref_slice %arg7[%dma_start3A_381, %dma_start3A_386] : memref<8x648xi32, #tpu.memory_space<vmem>> -> memref<1x648xi32, #tpu.memory_space<vmem>>
    %dma_start3A_388 = tpu.memref_squeeze %dma_start3A_387 : memref<1x648xi32, #tpu.memory_space<vmem>> -> memref<648xi32, #tpu.memory_space<vmem>>
    %dma_start3A_389 = tpu.memref_slice %arg3[%mul3A_380] : memref<160016xi32, #tpu.memory_space<hbm>> -> memref<648xi32, #tpu.memory_space<hbm>>
    tpu.enqueue_dma source(%dma_start3A_389 : memref<648xi32, #tpu.memory_space<hbm>>) target(%dma_start3A_388 : memref<648xi32, #tpu.memory_space<vmem>>) target_semaphore(%arg11 : memref<!tpu.dma_semaphore, #tpu.memory_space<semaphore_mem>>)
    %mul3A_390 = arith.constant 640 : i32
    %mul3A_391 = arith.muli %arg1, %mul3A_390 : i32
    "tpu.region"() ({
      %run_scoped3A = tpu.sem_alloc : memref<!tpu.dma_semaphore, #tpu.memory_space<semaphore_mem>>
      %dma_start3A_1342 = arith.constant 0 : i32
      %dma_start3A_1343 = tpu.memref_slice %arg9[%mul3A_391, %dma_start3A_1342] : memref<10240x16xf32, #tpu.memory_space<vmem_shared>> -> memref<640x16xf32, #tpu.memory_space<vmem_shared>>
      tpu.enqueue_dma source(%arg4 : memref<640x16xf32, #tpu.memory_space<hbm>>) target(%dma_start3A_1343 : memref<640x16xf32, #tpu.memory_space<vmem_shared>>) target_semaphore(%run_scoped3A : memref<!tpu.dma_semaphore, #tpu.memory_space<semaphore_mem>>)
      %dma_wait3A_1344 = arith.constant 0 : i32
      %dma_wait3A_1345 = tpu.memref_slice %arg9[%mul3A_391, %dma_wait3A_1344] : memref<10240x16xf32, #tpu.memory_space<vmem_shared>> -> memref<640x16xf32, #tpu.memory_space<vmem_shared>>
      tpu.wait_dma2 semaphore(%run_scoped3A : memref<!tpu.dma_semaphore, #tpu.memory_space<semaphore_mem>>) src(%arg4 : memref<640x16xf32, #tpu.memory_space<hbm>>) dst(%dma_wait3A_1345 : memref<640x16xf32, #tpu.memory_space<vmem_shared>>)
      tpu.yield
    }) : () -> ()
    %barrier3A = arith.constant 0 : index
    tpu.barrier barrier_id(%barrier3A)
    %dma_wait3A = arith.constant 0 : i32
    %dma_wait3A_392 = arith.constant 0 : i32
    %dma_wait3A_393 = tpu.memref_slice %arg7[%dma_wait3A, %dma_wait3A_392] : memref<8x648xi32, #tpu.memory_space<vmem>> -> memref<1x648xi32, #tpu.memory_space<vmem>>
    %dma_wait3A_394 = tpu.memref_squeeze %dma_wait3A_393 : memref<1x648xi32, #tpu.memory_space<vmem>> -> memref<648xi32, #tpu.memory_space<vmem>>
    %dma_wait3A_395 = tpu.memref_slice %arg3[%mul3A_86] : memref<160016xi32, #tpu.memory_space<hbm>> -> memref<648xi32, #tpu.memory_space<hbm>>
    %dma_wait3A_396 = arith.constant 0 : i32
    %dma_wait3A_397 = tpu.memref_slice %arg7[%dma_wait3A, %dma_wait3A_396] : memref<8x648xi32, #tpu.memory_space<vmem>> -> memref<1x648xi32, #tpu.memory_space<vmem>>
    %dma_wait3A_398 = tpu.memref_squeeze %dma_wait3A_397 : memref<1x648xi32, #tpu.memory_space<vmem>> -> memref<648xi32, #tpu.memory_space<vmem>>
    %dma_wait3A_399 = tpu.memref_slice %arg3[%mul3A_86] : memref<160016xi32, #tpu.memory_space<hbm>> -> memref<648xi32, #tpu.memory_space<hbm>>
    tpu.wait_dma2 semaphore(%arg11 : memref<!tpu.dma_semaphore, #tpu.memory_space<semaphore_mem>>) src(%dma_wait3A_399 : memref<648xi32, #tpu.memory_space<hbm>>) dst(%dma_wait3A_398 : memref<648xi32, #tpu.memory_space<vmem>>)
    %dma_wait3A_400 = arith.constant 1 : i32
    %dma_wait3A_401 = arith.constant 0 : i32
    %dma_wait3A_402 = tpu.memref_slice %arg7[%dma_wait3A_400, %dma_wait3A_401] : memref<8x648xi32, #tpu.memory_space<vmem>> -> memref<1x648xi32, #tpu.memory_space<vmem>>
    %dma_wait3A_403 = tpu.memref_squeeze %dma_wait3A_402 : memref<1x648xi32, #tpu.memory_space<vmem>> -> memref<648xi32, #tpu.memory_space<vmem>>
    %dma_wait3A_404 = tpu.memref_slice %arg3[%mul3A_128] : memref<160016xi32, #tpu.memory_space<hbm>> -> memref<648xi32, #tpu.memory_space<hbm>>
    %dma_wait3A_405 = arith.constant 0 : i32
    %dma_wait3A_406 = tpu.memref_slice %arg7[%dma_wait3A_400, %dma_wait3A_405] : memref<8x648xi32, #tpu.memory_space<vmem>> -> memref<1x648xi32, #tpu.memory_space<vmem>>
    %dma_wait3A_407 = tpu.memref_squeeze %dma_wait3A_406 : memref<1x648xi32, #tpu.memory_space<vmem>> -> memref<648xi32, #tpu.memory_space<vmem>>
    %dma_wait3A_408 = tpu.memref_slice %arg3[%mul3A_128] : memref<160016xi32, #tpu.memory_space<hbm>> -> memref<648xi32, #tpu.memory_space<hbm>>
    tpu.wait_dma2 semaphore(%arg11 : memref<!tpu.dma_semaphore, #tpu.memory_space<semaphore_mem>>) src(%dma_wait3A_408 : memref<648xi32, #tpu.memory_space<hbm>>) dst(%dma_wait3A_407 : memref<648xi32, #tpu.memory_space<vmem>>)
    %dma_wait3A_409 = arith.constant 2 : i32
    %dma_wait3A_410 = arith.constant 0 : i32
    %dma_wait3A_411 = tpu.memref_slice %arg7[%dma_wait3A_409, %dma_wait3A_410] : memref<8x648xi32, #tpu.memory_space<vmem>> -> memref<1x648xi32, #tpu.memory_space<vmem>>
    %dma_wait3A_412 = tpu.memref_squeeze %dma_wait3A_411 : memref<1x648xi32, #tpu.memory_space<vmem>> -> memref<648xi32, #tpu.memory_space<vmem>>
    %dma_wait3A_413 = tpu.memref_slice %arg3[%mul3A_170] : memref<160016xi32, #tpu.memory_space<hbm>> -> memref<648xi32, #tpu.memory_space<hbm>>
    %dma_wait3A_414 = arith.constant 0 : i32
    %dma_wait3A_415 = tpu.memref_slice %arg7[%dma_wait3A_409, %dma_wait3A_414] : memref<8x648xi32, #tpu.memory_space<vmem>> -> memref<1x648xi32, #tpu.memory_space<vmem>>
    %dma_wait3A_416 = tpu.memref_squeeze %dma_wait3A_415 : memref<1x648xi32, #tpu.memory_space<vmem>> -> memref<648xi32, #tpu.memory_space<vmem>>
    %dma_wait3A_417 = tpu.memref_slice %arg3[%mul3A_170] : memref<160016xi32, #tpu.memory_space<hbm>> -> memref<648xi32, #tpu.memory_space<hbm>>
    tpu.wait_dma2 semaphore(%arg11 : memref<!tpu.dma_semaphore, #tpu.memory_space<semaphore_mem>>) src(%dma_wait3A_417 : memref<648xi32, #tpu.memory_space<hbm>>) dst(%dma_wait3A_416 : memref<648xi32, #tpu.memory_space<vmem>>)
    %dma_wait3A_418 = arith.constant 3 : i32
    %dma_wait3A_419 = arith.constant 0 : i32
    %dma_wait3A_420 = tpu.memref_slice %arg7[%dma_wait3A_418, %dma_wait3A_419] : memref<8x648xi32, #tpu.memory_space<vmem>> -> memref<1x648xi32, #tpu.memory_space<vmem>>
    %dma_wait3A_421 = tpu.memref_squeeze %dma_wait3A_420 : memref<1x648xi32, #tpu.memory_space<vmem>> -> memref<648xi32, #tpu.memory_space<vmem>>
    %dma_wait3A_422 = tpu.memref_slice %arg3[%mul3A_212] : memref<160016xi32, #tpu.memory_space<hbm>> -> memref<648xi32, #tpu.memory_space<hbm>>
    %dma_wait3A_423 = arith.constant 0 : i32
    %dma_wait3A_424 = tpu.memref_slice %arg7[%dma_wait3A_418, %dma_wait3A_423] : memref<8x648xi32, #tpu.memory_space<vmem>> -> memref<1x648xi32, #tpu.memory_space<vmem>>
    %dma_wait3A_425 = tpu.memref_squeeze %dma_wait3A_424 : memref<1x648xi32, #tpu.memory_space<vmem>> -> memref<648xi32, #tpu.memory_space<vmem>>
    %dma_wait3A_426 = tpu.memref_slice %arg3[%mul3A_212] : memref<160016xi32, #tpu.memory_space<hbm>> -> memref<648xi32, #tpu.memory_space<hbm>>
    tpu.wait_dma2 semaphore(%arg11 : memref<!tpu.dma_semaphore, #tpu.memory_space<semaphore_mem>>) src(%dma_wait3A_426 : memref<648xi32, #tpu.memory_space<hbm>>) dst(%dma_wait3A_425 : memref<648xi32, #tpu.memory_space<vmem>>)
    %dma_wait3A_427 = arith.constant 4 : i32
    %dma_wait3A_428 = arith.constant 0 : i32
    %dma_wait3A_429 = tpu.memref_slice %arg7[%dma_wait3A_427, %dma_wait3A_428] : memref<8x648xi32, #tpu.memory_space<vmem>> -> memref<1x648xi32, #tpu.memory_space<vmem>>
    %dma_wait3A_430 = tpu.memref_squeeze %dma_wait3A_429 : memref<1x648xi32, #tpu.memory_space<vmem>> -> memref<648xi32, #tpu.memory_space<vmem>>
    %dma_wait3A_431 = tpu.memref_slice %arg3[%mul3A_254] : memref<160016xi32, #tpu.memory_space<hbm>> -> memref<648xi32, #tpu.memory_space<hbm>>
    %dma_wait3A_432 = arith.constant 0 : i32
    %dma_wait3A_433 = tpu.memref_slice %arg7[%dma_wait3A_427, %dma_wait3A_432] : memref<8x648xi32, #tpu.memory_space<vmem>> -> memref<1x648xi32, #tpu.memory_space<vmem>>
    %dma_wait3A_434 = tpu.memref_squeeze %dma_wait3A_433 : memref<1x648xi32, #tpu.memory_space<vmem>> -> memref<648xi32, #tpu.memory_space<vmem>>
    %dma_wait3A_435 = tpu.memref_slice %arg3[%mul3A_254] : memref<160016xi32, #tpu.memory_space<hbm>> -> memref<648xi32, #tpu.memory_space<hbm>>
    tpu.wait_dma2 semaphore(%arg11 : memref<!tpu.dma_semaphore, #tpu.memory_space<semaphore_mem>>) src(%dma_wait3A_435 : memref<648xi32, #tpu.memory_space<hbm>>) dst(%dma_wait3A_434 : memref<648xi32, #tpu.memory_space<vmem>>)
    %dma_wait3A_436 = arith.constant 5 : i32
    %dma_wait3A_437 = arith.constant 0 : i32
    %dma_wait3A_438 = tpu.memref_slice %arg7[%dma_wait3A_436, %dma_wait3A_437] : memref<8x648xi32, #tpu.memory_space<vmem>> -> memref<1x648xi32, #tpu.memory_space<vmem>>
    %dma_wait3A_439 = tpu.memref_squeeze %dma_wait3A_438 : memref<1x648xi32, #tpu.memory_space<vmem>> -> memref<648xi32, #tpu.memory_space<vmem>>
    %dma_wait3A_440 = tpu.memref_slice %arg3[%mul3A_296] : memref<160016xi32, #tpu.memory_space<hbm>> -> memref<648xi32, #tpu.memory_space<hbm>>
    %dma_wait3A_441 = arith.constant 0 : i32
    %dma_wait3A_442 = tpu.memref_slice %arg7[%dma_wait3A_436, %dma_wait3A_441] : memref<8x648xi32, #tpu.memory_space<vmem>> -> memref<1x648xi32, #tpu.memory_space<vmem>>
    %dma_wait3A_443 = tpu.memref_squeeze %dma_wait3A_442 : memref<1x648xi32, #tpu.memory_space<vmem>> -> memref<648xi32, #tpu.memory_space<vmem>>
    %dma_wait3A_444 = tpu.memref_slice %arg3[%mul3A_296] : memref<160016xi32, #tpu.memory_space<hbm>> -> memref<648xi32, #tpu.memory_space<hbm>>
    tpu.wait_dma2 semaphore(%arg11 : memref<!tpu.dma_semaphore, #tpu.memory_space<semaphore_mem>>) src(%dma_wait3A_444 : memref<648xi32, #tpu.memory_space<hbm>>) dst(%dma_wait3A_443 : memref<648xi32, #tpu.memory_space<vmem>>)
    %dma_wait3A_445 = arith.constant 6 : i32
    %dma_wait3A_446 = arith.constant 0 : i32
    %dma_wait3A_447 = tpu.memref_slice %arg7[%dma_wait3A_445, %dma_wait3A_446] : memref<8x648xi32, #tpu.memory_space<vmem>> -> memref<1x648xi32, #tpu.memory_space<vmem>>
    %dma_wait3A_448 = tpu.memref_squeeze %dma_wait3A_447 : memref<1x648xi32, #tpu.memory_space<vmem>> -> memref<648xi32, #tpu.memory_space<vmem>>
    %dma_wait3A_449 = tpu.memref_slice %arg3[%mul3A_338] : memref<160016xi32, #tpu.memory_space<hbm>> -> memref<648xi32, #tpu.memory_space<hbm>>
    %dma_wait3A_450 = arith.constant 0 : i32
    %dma_wait3A_451 = tpu.memref_slice %arg7[%dma_wait3A_445, %dma_wait3A_450] : memref<8x648xi32, #tpu.memory_space<vmem>> -> memref<1x648xi32, #tpu.memory_space<vmem>>
    %dma_wait3A_452 = tpu.memref_squeeze %dma_wait3A_451 : memref<1x648xi32, #tpu.memory_space<vmem>> -> memref<648xi32, #tpu.memory_space<vmem>>
    %dma_wait3A_453 = tpu.memref_slice %arg3[%mul3A_338] : memref<160016xi32, #tpu.memory_space<hbm>> -> memref<648xi32, #tpu.memory_space<hbm>>
    tpu.wait_dma2 semaphore(%arg11 : memref<!tpu.dma_semaphore, #tpu.memory_space<semaphore_mem>>) src(%dma_wait3A_453 : memref<648xi32, #tpu.memory_space<hbm>>) dst(%dma_wait3A_452 : memref<648xi32, #tpu.memory_space<vmem>>)
    %dma_wait3A_454 = arith.constant 7 : i32
    %dma_wait3A_455 = arith.constant 0 : i32
    %dma_wait3A_456 = tpu.memref_slice %arg7[%dma_wait3A_454, %dma_wait3A_455] : memref<8x648xi32, #tpu.memory_space<vmem>> -> memref<1x648xi32, #tpu.memory_space<vmem>>
    %dma_wait3A_457 = tpu.memref_squeeze %dma_wait3A_456 : memref<1x648xi32, #tpu.memory_space<vmem>> -> memref<648xi32, #tpu.memory_space<vmem>>
    %dma_wait3A_458 = tpu.memref_slice %arg3[%mul3A_380] : memref<160016xi32, #tpu.memory_space<hbm>> -> memref<648xi32, #tpu.memory_space<hbm>>
    %dma_wait3A_459 = arith.constant 0 : i32
    %dma_wait3A_460 = tpu.memref_slice %arg7[%dma_wait3A_454, %dma_wait3A_459] : memref<8x648xi32, #tpu.memory_space<vmem>> -> memref<1x648xi32, #tpu.memory_space<vmem>>
    %dma_wait3A_461 = tpu.memref_squeeze %dma_wait3A_460 : memref<1x648xi32, #tpu.memory_space<vmem>> -> memref<648xi32, #tpu.memory_space<vmem>>
    %dma_wait3A_462 = tpu.memref_slice %arg3[%mul3A_380] : memref<160016xi32, #tpu.memory_space<hbm>> -> memref<648xi32, #tpu.memory_space<hbm>>
    tpu.wait_dma2 semaphore(%arg11 : memref<!tpu.dma_semaphore, #tpu.memory_space<semaphore_mem>>) src(%dma_wait3A_462 : memref<648xi32, #tpu.memory_space<hbm>>) dst(%dma_wait3A_461 : memref<648xi32, #tpu.memory_space<vmem>>)
    %iota3A = tpu.iota {dimensions = array<i32: 0>} : vector<16xi32>
    %broadcast_in_dim3A = arith.constant 0 : i32
    %broadcast_in_dim3A_463 = vector.broadcast %broadcast_in_dim3A : i32 to vector<16xi32>
    %scan3A = arith.constant 0 : i32
    %scan3A_464 = arith.constant 0 : i32
    %scan3A_465 = arith.constant 40 : i32
    %scan3A_466 = arith.addi %scan3A_464, %scan3A_465 : i32
    %scan3A_467 = arith.constant 1 : i32
    %scan3A_468 = scf.for %scan3A_1342 = %scan3A_464 to %scan3A_466 step %scan3A_467 iter_args(%scan3A_1343 = %scan3A) -> (i32)  : i32 {
      %mul3A_1344 = arith.constant 16 : i32
      %mul3A_1345 = arith.muli %mul3A_1344, %scan3A_1342 : i32
      %add3A_1346 = vector.broadcast %mul3A_1345 : i32 to vector<16xi32>
      %add3A_1347 = arith.addi %add3A_1346, %iota3A : vector<16xi32>
      %lt3A_1348 = arith.constant 625 : i32
      %lt3A_1349 = vector.broadcast %lt3A_1348 : i32 to vector<16xi32>
      %lt3A_1350 = arith.cmpi slt, %add3A_1347, %lt3A_1349 : vector<16xi32>
      %add3A_1351 = vector.broadcast %select_n3A_48 : i32 to vector<16xi32>
      %add3A_1352 = arith.addi %add3A_1351, %add3A_1347 : vector<16xi32>
      %gather3A = tpu.vector_load_idx %arg7[%broadcast_in_dim3A_463, %add3A_1352] masked %lt3A_1350 : memref<8x648xi32, #tpu.memory_space<vmem>>[vector<16xi32>, vector<16xi32>], vector<16xi32>, vector<16xi1>
      %mul3A_1353 = arith.constant 8 : i32
      %mul3A_1354 = vector.broadcast %mul3A_1353 : i32 to vector<16xi32>
      %mul3A_1355 = arith.muli %mul3A_1354, %add3A_1347 : vector<16xi32>
      %add3A_1356 = arith.constant 0 : i32
      %add3A_1357 = vector.broadcast %add3A_1356 : i32 to vector<16xi32>
      %add3A_1358 = arith.addi %mul3A_1355, %add3A_1357 : vector<16xi32>
      %shift_right_arithmetic3A = arith.constant 7 : i32
      %shift_right_arithmetic3A_1359 = vector.broadcast %shift_right_arithmetic3A : i32 to vector<16xi32>
      %shift_right_arithmetic3A_1360 = arith.shrsi %add3A_1358, %shift_right_arithmetic3A_1359 : vector<16xi32>
      %and3A_1361 = arith.constant 127 : i32
      %and3A_1362 = vector.broadcast %and3A_1361 : i32 to vector<16xi32>
      %and3A_1363 = arith.andi %add3A_1358, %and3A_1362 : vector<16xi32>
      tpu.vector_store_idx %arg8[%shift_right_arithmetic3A_1360, %and3A_1363], %gather3A masked %lt3A_1350 : memref<40x128xi32, #tpu.memory_space<vmem>>[vector<16xi32>, vector<16xi32>], vector<16xi32>, vector<16xi1>
      %scan3A_1364 = arith.constant 0 : i32
      scf.yield %scan3A_1364 : i32
    }
    %scan3A_469 = arith.constant 40 : i32
    %broadcast_in_dim3A_470 = arith.constant 1 : i32
    %broadcast_in_dim3A_471 = vector.broadcast %broadcast_in_dim3A_470 : i32 to vector<16xi32>
    %scan3A_472 = arith.constant 0 : i32
    %scan3A_473 = arith.constant 0 : i32
    %scan3A_474 = arith.constant 40 : i32
    %scan3A_475 = arith.addi %scan3A_473, %scan3A_474 : i32
    %scan3A_476 = arith.constant 1 : i32
    %scan3A_477 = scf.for %scan3A_1342 = %scan3A_473 to %scan3A_475 step %scan3A_476 iter_args(%scan3A_1343 = %scan3A_472) -> (i32)  : i32 {
      %mul3A_1344 = arith.constant 16 : i32
      %mul3A_1345 = arith.muli %mul3A_1344, %scan3A_1342 : i32
      %add3A_1346 = vector.broadcast %mul3A_1345 : i32 to vector<16xi32>
      %add3A_1347 = arith.addi %add3A_1346, %iota3A : vector<16xi32>
      %lt3A_1348 = arith.constant 625 : i32
      %lt3A_1349 = vector.broadcast %lt3A_1348 : i32 to vector<16xi32>
      %lt3A_1350 = arith.cmpi slt, %add3A_1347, %lt3A_1349 : vector<16xi32>
      %add3A_1351 = vector.broadcast %select_n3A_48 : i32 to vector<16xi32>
      %add3A_1352 = arith.addi %add3A_1351, %add3A_1347 : vector<16xi32>
      %gather3A = tpu.vector_load_idx %arg7[%broadcast_in_dim3A_471, %add3A_1352] masked %lt3A_1350 : memref<8x648xi32, #tpu.memory_space<vmem>>[vector<16xi32>, vector<16xi32>], vector<16xi32>, vector<16xi1>
      %mul3A_1353 = arith.constant 8 : i32
      %mul3A_1354 = vector.broadcast %mul3A_1353 : i32 to vector<16xi32>
      %mul3A_1355 = arith.muli %mul3A_1354, %add3A_1347 : vector<16xi32>
      %add3A_1356 = arith.constant 1 : i32
      %add3A_1357 = vector.broadcast %add3A_1356 : i32 to vector<16xi32>
      %add3A_1358 = arith.addi %mul3A_1355, %add3A_1357 : vector<16xi32>
      %shift_right_arithmetic3A = arith.constant 7 : i32
      %shift_right_arithmetic3A_1359 = vector.broadcast %shift_right_arithmetic3A : i32 to vector<16xi32>
      %shift_right_arithmetic3A_1360 = arith.shrsi %add3A_1358, %shift_right_arithmetic3A_1359 : vector<16xi32>
      %and3A_1361 = arith.constant 127 : i32
      %and3A_1362 = vector.broadcast %and3A_1361 : i32 to vector<16xi32>
      %and3A_1363 = arith.andi %add3A_1358, %and3A_1362 : vector<16xi32>
      tpu.vector_store_idx %arg8[%shift_right_arithmetic3A_1360, %and3A_1363], %gather3A masked %lt3A_1350 : memref<40x128xi32, #tpu.memory_space<vmem>>[vector<16xi32>, vector<16xi32>], vector<16xi32>, vector<16xi1>
      %scan3A_1364 = arith.constant 0 : i32
      scf.yield %scan3A_1364 : i32
    }
    %scan3A_478 = arith.constant 40 : i32
    %broadcast_in_dim3A_479 = arith.constant 2 : i32
    %broadcast_in_dim3A_480 = vector.broadcast %broadcast_in_dim3A_479 : i32 to vector<16xi32>
    %scan3A_481 = arith.constant 0 : i32
    %scan3A_482 = arith.constant 0 : i32
    %scan3A_483 = arith.constant 40 : i32
    %scan3A_484 = arith.addi %scan3A_482, %scan3A_483 : i32
    %scan3A_485 = arith.constant 1 : i32
    %scan3A_486 = scf.for %scan3A_1342 = %scan3A_482 to %scan3A_484 step %scan3A_485 iter_args(%scan3A_1343 = %scan3A_481) -> (i32)  : i32 {
      %mul3A_1344 = arith.constant 16 : i32
      %mul3A_1345 = arith.muli %mul3A_1344, %scan3A_1342 : i32
      %add3A_1346 = vector.broadcast %mul3A_1345 : i32 to vector<16xi32>
      %add3A_1347 = arith.addi %add3A_1346, %iota3A : vector<16xi32>
      %lt3A_1348 = arith.constant 625 : i32
      %lt3A_1349 = vector.broadcast %lt3A_1348 : i32 to vector<16xi32>
      %lt3A_1350 = arith.cmpi slt, %add3A_1347, %lt3A_1349 : vector<16xi32>
      %add3A_1351 = vector.broadcast %select_n3A_48 : i32 to vector<16xi32>
      %add3A_1352 = arith.addi %add3A_1351, %add3A_1347 : vector<16xi32>
      %gather3A = tpu.vector_load_idx %arg7[%broadcast_in_dim3A_480, %add3A_1352] masked %lt3A_1350 : memref<8x648xi32, #tpu.memory_space<vmem>>[vector<16xi32>, vector<16xi32>], vector<16xi32>, vector<16xi1>
      %mul3A_1353 = arith.constant 8 : i32
      %mul3A_1354 = vector.broadcast %mul3A_1353 : i32 to vector<16xi32>
      %mul3A_1355 = arith.muli %mul3A_1354, %add3A_1347 : vector<16xi32>
      %add3A_1356 = arith.constant 2 : i32
      %add3A_1357 = vector.broadcast %add3A_1356 : i32 to vector<16xi32>
      %add3A_1358 = arith.addi %mul3A_1355, %add3A_1357 : vector<16xi32>
      %shift_right_arithmetic3A = arith.constant 7 : i32
      %shift_right_arithmetic3A_1359 = vector.broadcast %shift_right_arithmetic3A : i32 to vector<16xi32>
      %shift_right_arithmetic3A_1360 = arith.shrsi %add3A_1358, %shift_right_arithmetic3A_1359 : vector<16xi32>
      %and3A_1361 = arith.constant 127 : i32
      %and3A_1362 = vector.broadcast %and3A_1361 : i32 to vector<16xi32>
      %and3A_1363 = arith.andi %add3A_1358, %and3A_1362 : vector<16xi32>
      tpu.vector_store_idx %arg8[%shift_right_arithmetic3A_1360, %and3A_1363], %gather3A masked %lt3A_1350 : memref<40x128xi32, #tpu.memory_space<vmem>>[vector<16xi32>, vector<16xi32>], vector<16xi32>, vector<16xi1>
      %scan3A_1364 = arith.constant 0 : i32
      scf.yield %scan3A_1364 : i32
    }
    %scan3A_487 = arith.constant 40 : i32
    %broadcast_in_dim3A_488 = arith.constant 3 : i32
    %broadcast_in_dim3A_489 = vector.broadcast %broadcast_in_dim3A_488 : i32 to vector<16xi32>
    %scan3A_490 = arith.constant 0 : i32
    %scan3A_491 = arith.constant 0 : i32
    %scan3A_492 = arith.constant 40 : i32
    %scan3A_493 = arith.addi %scan3A_491, %scan3A_492 : i32
    %scan3A_494 = arith.constant 1 : i32
    %scan3A_495 = scf.for %scan3A_1342 = %scan3A_491 to %scan3A_493 step %scan3A_494 iter_args(%scan3A_1343 = %scan3A_490) -> (i32)  : i32 {
      %mul3A_1344 = arith.constant 16 : i32
      %mul3A_1345 = arith.muli %mul3A_1344, %scan3A_1342 : i32
      %add3A_1346 = vector.broadcast %mul3A_1345 : i32 to vector<16xi32>
      %add3A_1347 = arith.addi %add3A_1346, %iota3A : vector<16xi32>
      %lt3A_1348 = arith.constant 625 : i32
      %lt3A_1349 = vector.broadcast %lt3A_1348 : i32 to vector<16xi32>
      %lt3A_1350 = arith.cmpi slt, %add3A_1347, %lt3A_1349 : vector<16xi32>
      %add3A_1351 = vector.broadcast %select_n3A_48 : i32 to vector<16xi32>
      %add3A_1352 = arith.addi %add3A_1351, %add3A_1347 : vector<16xi32>
      %gather3A = tpu.vector_load_idx %arg7[%broadcast_in_dim3A_489, %add3A_1352] masked %lt3A_1350 : memref<8x648xi32, #tpu.memory_space<vmem>>[vector<16xi32>, vector<16xi32>], vector<16xi32>, vector<16xi1>
      %mul3A_1353 = arith.constant 8 : i32
      %mul3A_1354 = vector.broadcast %mul3A_1353 : i32 to vector<16xi32>
      %mul3A_1355 = arith.muli %mul3A_1354, %add3A_1347 : vector<16xi32>
      %add3A_1356 = arith.constant 3 : i32
      %add3A_1357 = vector.broadcast %add3A_1356 : i32 to vector<16xi32>
      %add3A_1358 = arith.addi %mul3A_1355, %add3A_1357 : vector<16xi32>
      %shift_right_arithmetic3A = arith.constant 7 : i32
      %shift_right_arithmetic3A_1359 = vector.broadcast %shift_right_arithmetic3A : i32 to vector<16xi32>
      %shift_right_arithmetic3A_1360 = arith.shrsi %add3A_1358, %shift_right_arithmetic3A_1359 : vector<16xi32>
      %and3A_1361 = arith.constant 127 : i32
      %and3A_1362 = vector.broadcast %and3A_1361 : i32 to vector<16xi32>
      %and3A_1363 = arith.andi %add3A_1358, %and3A_1362 : vector<16xi32>
      tpu.vector_store_idx %arg8[%shift_right_arithmetic3A_1360, %and3A_1363], %gather3A masked %lt3A_1350 : memref<40x128xi32, #tpu.memory_space<vmem>>[vector<16xi32>, vector<16xi32>], vector<16xi32>, vector<16xi1>
      %scan3A_1364 = arith.constant 0 : i32
      scf.yield %scan3A_1364 : i32
    }
    %scan3A_496 = arith.constant 40 : i32
    %broadcast_in_dim3A_497 = arith.constant 4 : i32
    %broadcast_in_dim3A_498 = vector.broadcast %broadcast_in_dim3A_497 : i32 to vector<16xi32>
    %scan3A_499 = arith.constant 0 : i32
    %scan3A_500 = arith.constant 0 : i32
    %scan3A_501 = arith.constant 40 : i32
    %scan3A_502 = arith.addi %scan3A_500, %scan3A_501 : i32
    %scan3A_503 = arith.constant 1 : i32
    %scan3A_504 = scf.for %scan3A_1342 = %scan3A_500 to %scan3A_502 step %scan3A_503 iter_args(%scan3A_1343 = %scan3A_499) -> (i32)  : i32 {
      %mul3A_1344 = arith.constant 16 : i32
      %mul3A_1345 = arith.muli %mul3A_1344, %scan3A_1342 : i32
      %add3A_1346 = vector.broadcast %mul3A_1345 : i32 to vector<16xi32>
      %add3A_1347 = arith.addi %add3A_1346, %iota3A : vector<16xi32>
      %lt3A_1348 = arith.constant 625 : i32
      %lt3A_1349 = vector.broadcast %lt3A_1348 : i32 to vector<16xi32>
      %lt3A_1350 = arith.cmpi slt, %add3A_1347, %lt3A_1349 : vector<16xi32>
      %add3A_1351 = vector.broadcast %select_n3A_48 : i32 to vector<16xi32>
      %add3A_1352 = arith.addi %add3A_1351, %add3A_1347 : vector<16xi32>
      %gather3A = tpu.vector_load_idx %arg7[%broadcast_in_dim3A_498, %add3A_1352] masked %lt3A_1350 : memref<8x648xi32, #tpu.memory_space<vmem>>[vector<16xi32>, vector<16xi32>], vector<16xi32>, vector<16xi1>
      %mul3A_1353 = arith.constant 8 : i32
      %mul3A_1354 = vector.broadcast %mul3A_1353 : i32 to vector<16xi32>
      %mul3A_1355 = arith.muli %mul3A_1354, %add3A_1347 : vector<16xi32>
      %add3A_1356 = arith.constant 4 : i32
      %add3A_1357 = vector.broadcast %add3A_1356 : i32 to vector<16xi32>
      %add3A_1358 = arith.addi %mul3A_1355, %add3A_1357 : vector<16xi32>
      %shift_right_arithmetic3A = arith.constant 7 : i32
      %shift_right_arithmetic3A_1359 = vector.broadcast %shift_right_arithmetic3A : i32 to vector<16xi32>
      %shift_right_arithmetic3A_1360 = arith.shrsi %add3A_1358, %shift_right_arithmetic3A_1359 : vector<16xi32>
      %and3A_1361 = arith.constant 127 : i32
      %and3A_1362 = vector.broadcast %and3A_1361 : i32 to vector<16xi32>
      %and3A_1363 = arith.andi %add3A_1358, %and3A_1362 : vector<16xi32>
      tpu.vector_store_idx %arg8[%shift_right_arithmetic3A_1360, %and3A_1363], %gather3A masked %lt3A_1350 : memref<40x128xi32, #tpu.memory_space<vmem>>[vector<16xi32>, vector<16xi32>], vector<16xi32>, vector<16xi1>
      %scan3A_1364 = arith.constant 0 : i32
      scf.yield %scan3A_1364 : i32
    }
    %scan3A_505 = arith.constant 40 : i32
    %broadcast_in_dim3A_506 = arith.constant 5 : i32
    %broadcast_in_dim3A_507 = vector.broadcast %broadcast_in_dim3A_506 : i32 to vector<16xi32>
    %scan3A_508 = arith.constant 0 : i32
    %scan3A_509 = arith.constant 0 : i32
    %scan3A_510 = arith.constant 40 : i32
    %scan3A_511 = arith.addi %scan3A_509, %scan3A_510 : i32
    %scan3A_512 = arith.constant 1 : i32
    %scan3A_513 = scf.for %scan3A_1342 = %scan3A_509 to %scan3A_511 step %scan3A_512 iter_args(%scan3A_1343 = %scan3A_508) -> (i32)  : i32 {
      %mul3A_1344 = arith.constant 16 : i32
      %mul3A_1345 = arith.muli %mul3A_1344, %scan3A_1342 : i32
      %add3A_1346 = vector.broadcast %mul3A_1345 : i32 to vector<16xi32>
      %add3A_1347 = arith.addi %add3A_1346, %iota3A : vector<16xi32>
      %lt3A_1348 = arith.constant 625 : i32
      %lt3A_1349 = vector.broadcast %lt3A_1348 : i32 to vector<16xi32>
      %lt3A_1350 = arith.cmpi slt, %add3A_1347, %lt3A_1349 : vector<16xi32>
      %add3A_1351 = vector.broadcast %select_n3A_48 : i32 to vector<16xi32>
      %add3A_1352 = arith.addi %add3A_1351, %add3A_1347 : vector<16xi32>
      %gather3A = tpu.vector_load_idx %arg7[%broadcast_in_dim3A_507, %add3A_1352] masked %lt3A_1350 : memref<8x648xi32, #tpu.memory_space<vmem>>[vector<16xi32>, vector<16xi32>], vector<16xi32>, vector<16xi1>
      %mul3A_1353 = arith.constant 8 : i32
      %mul3A_1354 = vector.broadcast %mul3A_1353 : i32 to vector<16xi32>
      %mul3A_1355 = arith.muli %mul3A_1354, %add3A_1347 : vector<16xi32>
      %add3A_1356 = arith.constant 5 : i32
      %add3A_1357 = vector.broadcast %add3A_1356 : i32 to vector<16xi32>
      %add3A_1358 = arith.addi %mul3A_1355, %add3A_1357 : vector<16xi32>
      %shift_right_arithmetic3A = arith.constant 7 : i32
      %shift_right_arithmetic3A_1359 = vector.broadcast %shift_right_arithmetic3A : i32 to vector<16xi32>
      %shift_right_arithmetic3A_1360 = arith.shrsi %add3A_1358, %shift_right_arithmetic3A_1359 : vector<16xi32>
      %and3A_1361 = arith.constant 127 : i32
      %and3A_1362 = vector.broadcast %and3A_1361 : i32 to vector<16xi32>
      %and3A_1363 = arith.andi %add3A_1358, %and3A_1362 : vector<16xi32>
      tpu.vector_store_idx %arg8[%shift_right_arithmetic3A_1360, %and3A_1363], %gather3A masked %lt3A_1350 : memref<40x128xi32, #tpu.memory_space<vmem>>[vector<16xi32>, vector<16xi32>], vector<16xi32>, vector<16xi1>
      %scan3A_1364 = arith.constant 0 : i32
      scf.yield %scan3A_1364 : i32
    }
    %scan3A_514 = arith.constant 40 : i32
    %broadcast_in_dim3A_515 = arith.constant 6 : i32
    %broadcast_in_dim3A_516 = vector.broadcast %broadcast_in_dim3A_515 : i32 to vector<16xi32>
    %scan3A_517 = arith.constant 0 : i32
    %scan3A_518 = arith.constant 0 : i32
    %scan3A_519 = arith.constant 40 : i32
    %scan3A_520 = arith.addi %scan3A_518, %scan3A_519 : i32
    %scan3A_521 = arith.constant 1 : i32
    %scan3A_522 = scf.for %scan3A_1342 = %scan3A_518 to %scan3A_520 step %scan3A_521 iter_args(%scan3A_1343 = %scan3A_517) -> (i32)  : i32 {
      %mul3A_1344 = arith.constant 16 : i32
      %mul3A_1345 = arith.muli %mul3A_1344, %scan3A_1342 : i32
      %add3A_1346 = vector.broadcast %mul3A_1345 : i32 to vector<16xi32>
      %add3A_1347 = arith.addi %add3A_1346, %iota3A : vector<16xi32>
      %lt3A_1348 = arith.constant 625 : i32
      %lt3A_1349 = vector.broadcast %lt3A_1348 : i32 to vector<16xi32>
      %lt3A_1350 = arith.cmpi slt, %add3A_1347, %lt3A_1349 : vector<16xi32>
      %add3A_1351 = vector.broadcast %select_n3A_48 : i32 to vector<16xi32>
      %add3A_1352 = arith.addi %add3A_1351, %add3A_1347 : vector<16xi32>
      %gather3A = tpu.vector_load_idx %arg7[%broadcast_in_dim3A_516, %add3A_1352] masked %lt3A_1350 : memref<8x648xi32, #tpu.memory_space<vmem>>[vector<16xi32>, vector<16xi32>], vector<16xi32>, vector<16xi1>
      %mul3A_1353 = arith.constant 8 : i32
      %mul3A_1354 = vector.broadcast %mul3A_1353 : i32 to vector<16xi32>
      %mul3A_1355 = arith.muli %mul3A_1354, %add3A_1347 : vector<16xi32>
      %add3A_1356 = arith.constant 6 : i32
      %add3A_1357 = vector.broadcast %add3A_1356 : i32 to vector<16xi32>
      %add3A_1358 = arith.addi %mul3A_1355, %add3A_1357 : vector<16xi32>
      %shift_right_arithmetic3A = arith.constant 7 : i32
      %shift_right_arithmetic3A_1359 = vector.broadcast %shift_right_arithmetic3A : i32 to vector<16xi32>
      %shift_right_arithmetic3A_1360 = arith.shrsi %add3A_1358, %shift_right_arithmetic3A_1359 : vector<16xi32>
      %and3A_1361 = arith.constant 127 : i32
      %and3A_1362 = vector.broadcast %and3A_1361 : i32 to vector<16xi32>
      %and3A_1363 = arith.andi %add3A_1358, %and3A_1362 : vector<16xi32>
      tpu.vector_store_idx %arg8[%shift_right_arithmetic3A_1360, %and3A_1363], %gather3A masked %lt3A_1350 : memref<40x128xi32, #tpu.memory_space<vmem>>[vector<16xi32>, vector<16xi32>], vector<16xi32>, vector<16xi1>
      %scan3A_1364 = arith.constant 0 : i32
      scf.yield %scan3A_1364 : i32
    }
    %scan3A_523 = arith.constant 40 : i32
    %broadcast_in_dim3A_524 = arith.constant 7 : i32
    %broadcast_in_dim3A_525 = vector.broadcast %broadcast_in_dim3A_524 : i32 to vector<16xi32>
    %scan3A_526 = arith.constant 0 : i32
    %scan3A_527 = arith.constant 0 : i32
    %scan3A_528 = arith.constant 40 : i32
    %scan3A_529 = arith.addi %scan3A_527, %scan3A_528 : i32
    %scan3A_530 = arith.constant 1 : i32
    %scan3A_531 = scf.for %scan3A_1342 = %scan3A_527 to %scan3A_529 step %scan3A_530 iter_args(%scan3A_1343 = %scan3A_526) -> (i32)  : i32 {
      %mul3A_1344 = arith.constant 16 : i32
      %mul3A_1345 = arith.muli %mul3A_1344, %scan3A_1342 : i32
      %add3A_1346 = vector.broadcast %mul3A_1345 : i32 to vector<16xi32>
      %add3A_1347 = arith.addi %add3A_1346, %iota3A : vector<16xi32>
      %lt3A_1348 = arith.constant 625 : i32
      %lt3A_1349 = vector.broadcast %lt3A_1348 : i32 to vector<16xi32>
      %lt3A_1350 = arith.cmpi slt, %add3A_1347, %lt3A_1349 : vector<16xi32>
      %add3A_1351 = vector.broadcast %select_n3A_48 : i32 to vector<16xi32>
      %add3A_1352 = arith.addi %add3A_1351, %add3A_1347 : vector<16xi32>
      %gather3A = tpu.vector_load_idx %arg7[%broadcast_in_dim3A_525, %add3A_1352] masked %lt3A_1350 : memref<8x648xi32, #tpu.memory_space<vmem>>[vector<16xi32>, vector<16xi32>], vector<16xi32>, vector<16xi1>
      %mul3A_1353 = arith.constant 8 : i32
      %mul3A_1354 = vector.broadcast %mul3A_1353 : i32 to vector<16xi32>
      %mul3A_1355 = arith.muli %mul3A_1354, %add3A_1347 : vector<16xi32>
      %add3A_1356 = arith.constant 7 : i32
      %add3A_1357 = vector.broadcast %add3A_1356 : i32 to vector<16xi32>
      %add3A_1358 = arith.addi %mul3A_1355, %add3A_1357 : vector<16xi32>
      %shift_right_arithmetic3A = arith.constant 7 : i32
      %shift_right_arithmetic3A_1359 = vector.broadcast %shift_right_arithmetic3A : i32 to vector<16xi32>
      %shift_right_arithmetic3A_1360 = arith.shrsi %add3A_1358, %shift_right_arithmetic3A_1359 : vector<16xi32>
      %and3A_1361 = arith.constant 127 : i32
      %and3A_1362 = vector.broadcast %and3A_1361 : i32 to vector<16xi32>
      %and3A_1363 = arith.andi %add3A_1358, %and3A_1362 : vector<16xi32>
      tpu.vector_store_idx %arg8[%shift_right_arithmetic3A_1360, %and3A_1363], %gather3A masked %lt3A_1350 : memref<40x128xi32, #tpu.memory_space<vmem>>[vector<16xi32>, vector<16xi32>], vector<16xi32>, vector<16xi1>
      %scan3A_1364 = arith.constant 0 : i32
      scf.yield %scan3A_1364 : i32
    }
    %scan3A_532 = arith.constant 40 : i32
    %dma_wait3A_533 = arith.constant 0 : i32
    %dma_wait3A_534 = tpu.memref_slice %arg2[%mul3A_50, %dma_wait3A_533] : memref<160000x16xf32, #tpu.memory_space<hbm>> -> memref<5000x16xf32, #tpu.memory_space<hbm>>
    %dma_wait3A_535 = arith.constant 0 : i32
    %dma_wait3A_536 = tpu.memref_slice %arg2[%mul3A_50, %dma_wait3A_535] : memref<160000x16xf32, #tpu.memory_space<hbm>> -> memref<5000x16xf32, #tpu.memory_space<hbm>>
    tpu.wait_dma2 semaphore(%arg10 : memref<!tpu.dma_semaphore, #tpu.memory_space<semaphore_mem>>) src(%dma_wait3A_536 : memref<5000x16xf32, #tpu.memory_space<hbm>>) dst(%arg6 : memref<5000x16xf32, #tpu.memory_space<vmem>>)
    %dma_start3A_537 = arith.constant 0 : i32
    %dma_start3A_538 = arith.constant 0 : i32
    %dma_start3A_539 = arith.constant 0 : i32
    %dma_start3A_540 = tpu.memref_slice %arg6[%dma_start3A_538, %dma_start3A_539] : memref<5000x16xf32, #tpu.memory_space<vmem>> -> memref<128x16xf32, #tpu.memory_space<vmem>>
    %dma_start3A_541 = arith.constant 0 : i32
    %dma_start3A_542 = tpu.memref_slice %arg8[%dma_start3A_537, %dma_start3A_541] : memref<40x128xi32, #tpu.memory_space<vmem>> -> memref<1x128xi32, #tpu.memory_space<vmem>>
    %dma_start3A_543 = tpu.memref_squeeze %dma_start3A_542 : memref<1x128xi32, #tpu.memory_space<vmem>> -> memref<128xi32, #tpu.memory_space<vmem>>
    %dma_start3A_544 = arith.constant 0 : i32
    %dma_start3A_545 = arith.constant 0 : i32
    %dma_start3A_546 = tpu.memref_slice %arg9[%dma_start3A_544, %dma_start3A_545] : memref<10240x16xf32, #tpu.memory_space<vmem_shared>> -> memref<10240x16xf32, #tpu.memory_space<vmem_shared>>
    tpu.enqueue_indirect_dma source(%dma_start3A_540 : memref<128x16xf32, #tpu.memory_space<vmem>>) target(%dma_start3A_546 : memref<10240x16xf32, #tpu.memory_space<vmem_shared>>) offsets(%dma_start3A_543 : memref<128xi32, #tpu.memory_space<vmem>>) semaphore(%arg12 : memref<!tpu.dma_semaphore, #tpu.memory_space<semaphore_mem>>) {add = true}
    %dma_start3A_547 = arith.constant 1 : i32
    %dma_start3A_548 = arith.constant 128 : i32
    %dma_start3A_549 = arith.constant 0 : i32
    %dma_start3A_550 = tpu.memref_slice %arg6[%dma_start3A_548, %dma_start3A_549] : memref<5000x16xf32, #tpu.memory_space<vmem>> -> memref<128x16xf32, #tpu.memory_space<vmem>>
    %dma_start3A_551 = arith.constant 0 : i32
    %dma_start3A_552 = tpu.memref_slice %arg8[%dma_start3A_547, %dma_start3A_551] : memref<40x128xi32, #tpu.memory_space<vmem>> -> memref<1x128xi32, #tpu.memory_space<vmem>>
    %dma_start3A_553 = tpu.memref_squeeze %dma_start3A_552 : memref<1x128xi32, #tpu.memory_space<vmem>> -> memref<128xi32, #tpu.memory_space<vmem>>
    %dma_start3A_554 = arith.constant 0 : i32
    %dma_start3A_555 = arith.constant 0 : i32
    %dma_start3A_556 = tpu.memref_slice %arg9[%dma_start3A_554, %dma_start3A_555] : memref<10240x16xf32, #tpu.memory_space<vmem_shared>> -> memref<10240x16xf32, #tpu.memory_space<vmem_shared>>
    tpu.enqueue_indirect_dma source(%dma_start3A_550 : memref<128x16xf32, #tpu.memory_space<vmem>>) target(%dma_start3A_556 : memref<10240x16xf32, #tpu.memory_space<vmem_shared>>) offsets(%dma_start3A_553 : memref<128xi32, #tpu.memory_space<vmem>>) semaphore(%arg12 : memref<!tpu.dma_semaphore, #tpu.memory_space<semaphore_mem>>) {add = true}
    %dma_start3A_557 = arith.constant 2 : i32
    %dma_start3A_558 = arith.constant 256 : i32
    %dma_start3A_559 = arith.constant 0 : i32
    %dma_start3A_560 = tpu.memref_slice %arg6[%dma_start3A_558, %dma_start3A_559] : memref<5000x16xf32, #tpu.memory_space<vmem>> -> memref<128x16xf32, #tpu.memory_space<vmem>>
    %dma_start3A_561 = arith.constant 0 : i32
    %dma_start3A_562 = tpu.memref_slice %arg8[%dma_start3A_557, %dma_start3A_561] : memref<40x128xi32, #tpu.memory_space<vmem>> -> memref<1x128xi32, #tpu.memory_space<vmem>>
    %dma_start3A_563 = tpu.memref_squeeze %dma_start3A_562 : memref<1x128xi32, #tpu.memory_space<vmem>> -> memref<128xi32, #tpu.memory_space<vmem>>
    %dma_start3A_564 = arith.constant 0 : i32
    %dma_start3A_565 = arith.constant 0 : i32
    %dma_start3A_566 = tpu.memref_slice %arg9[%dma_start3A_564, %dma_start3A_565] : memref<10240x16xf32, #tpu.memory_space<vmem_shared>> -> memref<10240x16xf32, #tpu.memory_space<vmem_shared>>
    tpu.enqueue_indirect_dma source(%dma_start3A_560 : memref<128x16xf32, #tpu.memory_space<vmem>>) target(%dma_start3A_566 : memref<10240x16xf32, #tpu.memory_space<vmem_shared>>) offsets(%dma_start3A_563 : memref<128xi32, #tpu.memory_space<vmem>>) semaphore(%arg12 : memref<!tpu.dma_semaphore, #tpu.memory_space<semaphore_mem>>) {add = true}
    %dma_start3A_567 = arith.constant 3 : i32
    %dma_start3A_568 = arith.constant 384 : i32
    %dma_start3A_569 = arith.constant 0 : i32
    %dma_start3A_570 = tpu.memref_slice %arg6[%dma_start3A_568, %dma_start3A_569] : memref<5000x16xf32, #tpu.memory_space<vmem>> -> memref<128x16xf32, #tpu.memory_space<vmem>>
    %dma_start3A_571 = arith.constant 0 : i32
    %dma_start3A_572 = tpu.memref_slice %arg8[%dma_start3A_567, %dma_start3A_571] : memref<40x128xi32, #tpu.memory_space<vmem>> -> memref<1x128xi32, #tpu.memory_space<vmem>>
    %dma_start3A_573 = tpu.memref_squeeze %dma_start3A_572 : memref<1x128xi32, #tpu.memory_space<vmem>> -> memref<128xi32, #tpu.memory_space<vmem>>
    %dma_start3A_574 = arith.constant 0 : i32
    %dma_start3A_575 = arith.constant 0 : i32
    %dma_start3A_576 = tpu.memref_slice %arg9[%dma_start3A_574, %dma_start3A_575] : memref<10240x16xf32, #tpu.memory_space<vmem_shared>> -> memref<10240x16xf32, #tpu.memory_space<vmem_shared>>
    tpu.enqueue_indirect_dma source(%dma_start3A_570 : memref<128x16xf32, #tpu.memory_space<vmem>>) target(%dma_start3A_576 : memref<10240x16xf32, #tpu.memory_space<vmem_shared>>) offsets(%dma_start3A_573 : memref<128xi32, #tpu.memory_space<vmem>>) semaphore(%arg12 : memref<!tpu.dma_semaphore, #tpu.memory_space<semaphore_mem>>) {add = true}
    %dma_start3A_577 = arith.constant 4 : i32
    %dma_start3A_578 = arith.constant 512 : i32
    %dma_start3A_579 = arith.constant 0 : i32
    %dma_start3A_580 = tpu.memref_slice %arg6[%dma_start3A_578, %dma_start3A_579] : memref<5000x16xf32, #tpu.memory_space<vmem>> -> memref<128x16xf32, #tpu.memory_space<vmem>>
    %dma_start3A_581 = arith.constant 0 : i32
    %dma_start3A_582 = tpu.memref_slice %arg8[%dma_start3A_577, %dma_start3A_581] : memref<40x128xi32, #tpu.memory_space<vmem>> -> memref<1x128xi32, #tpu.memory_space<vmem>>
    %dma_start3A_583 = tpu.memref_squeeze %dma_start3A_582 : memref<1x128xi32, #tpu.memory_space<vmem>> -> memref<128xi32, #tpu.memory_space<vmem>>
    %dma_start3A_584 = arith.constant 0 : i32
    %dma_start3A_585 = arith.constant 0 : i32
    %dma_start3A_586 = tpu.memref_slice %arg9[%dma_start3A_584, %dma_start3A_585] : memref<10240x16xf32, #tpu.memory_space<vmem_shared>> -> memref<10240x16xf32, #tpu.memory_space<vmem_shared>>
    tpu.enqueue_indirect_dma source(%dma_start3A_580 : memref<128x16xf32, #tpu.memory_space<vmem>>) target(%dma_start3A_586 : memref<10240x16xf32, #tpu.memory_space<vmem_shared>>) offsets(%dma_start3A_583 : memref<128xi32, #tpu.memory_space<vmem>>) semaphore(%arg12 : memref<!tpu.dma_semaphore, #tpu.memory_space<semaphore_mem>>) {add = true}
    %dma_start3A_587 = arith.constant 5 : i32
    %dma_start3A_588 = arith.constant 640 : i32
    %dma_start3A_589 = arith.constant 0 : i32
    %dma_start3A_590 = tpu.memref_slice %arg6[%dma_start3A_588, %dma_start3A_589] : memref<5000x16xf32, #tpu.memory_space<vmem>> -> memref<128x16xf32, #tpu.memory_space<vmem>>
    %dma_start3A_591 = arith.constant 0 : i32
    %dma_start3A_592 = tpu.memref_slice %arg8[%dma_start3A_587, %dma_start3A_591] : memref<40x128xi32, #tpu.memory_space<vmem>> -> memref<1x128xi32, #tpu.memory_space<vmem>>
    %dma_start3A_593 = tpu.memref_squeeze %dma_start3A_592 : memref<1x128xi32, #tpu.memory_space<vmem>> -> memref<128xi32, #tpu.memory_space<vmem>>
    %dma_start3A_594 = arith.constant 0 : i32
    %dma_start3A_595 = arith.constant 0 : i32
    %dma_start3A_596 = tpu.memref_slice %arg9[%dma_start3A_594, %dma_start3A_595] : memref<10240x16xf32, #tpu.memory_space<vmem_shared>> -> memref<10240x16xf32, #tpu.memory_space<vmem_shared>>
    tpu.enqueue_indirect_dma source(%dma_start3A_590 : memref<128x16xf32, #tpu.memory_space<vmem>>) target(%dma_start3A_596 : memref<10240x16xf32, #tpu.memory_space<vmem_shared>>) offsets(%dma_start3A_593 : memref<128xi32, #tpu.memory_space<vmem>>) semaphore(%arg12 : memref<!tpu.dma_semaphore, #tpu.memory_space<semaphore_mem>>) {add = true}
    %dma_start3A_597 = arith.constant 6 : i32
    %dma_start3A_598 = arith.constant 768 : i32
    %dma_start3A_599 = arith.constant 0 : i32
    %dma_start3A_600 = tpu.memref_slice %arg6[%dma_start3A_598, %dma_start3A_599] : memref<5000x16xf32, #tpu.memory_space<vmem>> -> memref<128x16xf32, #tpu.memory_space<vmem>>
    %dma_start3A_601 = arith.constant 0 : i32
    %dma_start3A_602 = tpu.memref_slice %arg8[%dma_start3A_597, %dma_start3A_601] : memref<40x128xi32, #tpu.memory_space<vmem>> -> memref<1x128xi32, #tpu.memory_space<vmem>>
    %dma_start3A_603 = tpu.memref_squeeze %dma_start3A_602 : memref<1x128xi32, #tpu.memory_space<vmem>> -> memref<128xi32, #tpu.memory_space<vmem>>
    %dma_start3A_604 = arith.constant 0 : i32
    %dma_start3A_605 = arith.constant 0 : i32
    %dma_start3A_606 = tpu.memref_slice %arg9[%dma_start3A_604, %dma_start3A_605] : memref<10240x16xf32, #tpu.memory_space<vmem_shared>> -> memref<10240x16xf32, #tpu.memory_space<vmem_shared>>
    tpu.enqueue_indirect_dma source(%dma_start3A_600 : memref<128x16xf32, #tpu.memory_space<vmem>>) target(%dma_start3A_606 : memref<10240x16xf32, #tpu.memory_space<vmem_shared>>) offsets(%dma_start3A_603 : memref<128xi32, #tpu.memory_space<vmem>>) semaphore(%arg12 : memref<!tpu.dma_semaphore, #tpu.memory_space<semaphore_mem>>) {add = true}
    %dma_start3A_607 = arith.constant 7 : i32
    %dma_start3A_608 = arith.constant 896 : i32
    %dma_start3A_609 = arith.constant 0 : i32
    %dma_start3A_610 = tpu.memref_slice %arg6[%dma_start3A_608, %dma_start3A_609] : memref<5000x16xf32, #tpu.memory_space<vmem>> -> memref<128x16xf32, #tpu.memory_space<vmem>>
    %dma_start3A_611 = arith.constant 0 : i32
    %dma_start3A_612 = tpu.memref_slice %arg8[%dma_start3A_607, %dma_start3A_611] : memref<40x128xi32, #tpu.memory_space<vmem>> -> memref<1x128xi32, #tpu.memory_space<vmem>>
    %dma_start3A_613 = tpu.memref_squeeze %dma_start3A_612 : memref<1x128xi32, #tpu.memory_space<vmem>> -> memref<128xi32, #tpu.memory_space<vmem>>
    %dma_start3A_614 = arith.constant 0 : i32
    %dma_start3A_615 = arith.constant 0 : i32
    %dma_start3A_616 = tpu.memref_slice %arg9[%dma_start3A_614, %dma_start3A_615] : memref<10240x16xf32, #tpu.memory_space<vmem_shared>> -> memref<10240x16xf32, #tpu.memory_space<vmem_shared>>
    tpu.enqueue_indirect_dma source(%dma_start3A_610 : memref<128x16xf32, #tpu.memory_space<vmem>>) target(%dma_start3A_616 : memref<10240x16xf32, #tpu.memory_space<vmem_shared>>) offsets(%dma_start3A_613 : memref<128xi32, #tpu.memory_space<vmem>>) semaphore(%arg12 : memref<!tpu.dma_semaphore, #tpu.memory_space<semaphore_mem>>) {add = true}
    %dma_start3A_617 = arith.constant 8 : i32
    %dma_start3A_618 = arith.constant 1024 : i32
    %dma_start3A_619 = arith.constant 0 : i32
    %dma_start3A_620 = tpu.memref_slice %arg6[%dma_start3A_618, %dma_start3A_619] : memref<5000x16xf32, #tpu.memory_space<vmem>> -> memref<128x16xf32, #tpu.memory_space<vmem>>
    %dma_start3A_621 = arith.constant 0 : i32
    %dma_start3A_622 = tpu.memref_slice %arg8[%dma_start3A_617, %dma_start3A_621] : memref<40x128xi32, #tpu.memory_space<vmem>> -> memref<1x128xi32, #tpu.memory_space<vmem>>
    %dma_start3A_623 = tpu.memref_squeeze %dma_start3A_622 : memref<1x128xi32, #tpu.memory_space<vmem>> -> memref<128xi32, #tpu.memory_space<vmem>>
    %dma_start3A_624 = arith.constant 0 : i32
    %dma_start3A_625 = arith.constant 0 : i32
    %dma_start3A_626 = tpu.memref_slice %arg9[%dma_start3A_624, %dma_start3A_625] : memref<10240x16xf32, #tpu.memory_space<vmem_shared>> -> memref<10240x16xf32, #tpu.memory_space<vmem_shared>>
    tpu.enqueue_indirect_dma source(%dma_start3A_620 : memref<128x16xf32, #tpu.memory_space<vmem>>) target(%dma_start3A_626 : memref<10240x16xf32, #tpu.memory_space<vmem_shared>>) offsets(%dma_start3A_623 : memref<128xi32, #tpu.memory_space<vmem>>) semaphore(%arg12 : memref<!tpu.dma_semaphore, #tpu.memory_space<semaphore_mem>>) {add = true}
    %dma_start3A_627 = arith.constant 9 : i32
    %dma_start3A_628 = arith.constant 1152 : i32
    %dma_start3A_629 = arith.constant 0 : i32
    %dma_start3A_630 = tpu.memref_slice %arg6[%dma_start3A_628, %dma_start3A_629] : memref<5000x16xf32, #tpu.memory_space<vmem>> -> memref<128x16xf32, #tpu.memory_space<vmem>>
    %dma_start3A_631 = arith.constant 0 : i32
    %dma_start3A_632 = tpu.memref_slice %arg8[%dma_start3A_627, %dma_start3A_631] : memref<40x128xi32, #tpu.memory_space<vmem>> -> memref<1x128xi32, #tpu.memory_space<vmem>>
    %dma_start3A_633 = tpu.memref_squeeze %dma_start3A_632 : memref<1x128xi32, #tpu.memory_space<vmem>> -> memref<128xi32, #tpu.memory_space<vmem>>
    %dma_start3A_634 = arith.constant 0 : i32
    %dma_start3A_635 = arith.constant 0 : i32
    %dma_start3A_636 = tpu.memref_slice %arg9[%dma_start3A_634, %dma_start3A_635] : memref<10240x16xf32, #tpu.memory_space<vmem_shared>> -> memref<10240x16xf32, #tpu.memory_space<vmem_shared>>
    tpu.enqueue_indirect_dma source(%dma_start3A_630 : memref<128x16xf32, #tpu.memory_space<vmem>>) target(%dma_start3A_636 : memref<10240x16xf32, #tpu.memory_space<vmem_shared>>) offsets(%dma_start3A_633 : memref<128xi32, #tpu.memory_space<vmem>>) semaphore(%arg12 : memref<!tpu.dma_semaphore, #tpu.memory_space<semaphore_mem>>) {add = true}
    %dma_start3A_637 = arith.constant 10 : i32
    %dma_start3A_638 = arith.constant 1280 : i32
    %dma_start3A_639 = arith.constant 0 : i32
    %dma_start3A_640 = tpu.memref_slice %arg6[%dma_start3A_638, %dma_start3A_639] : memref<5000x16xf32, #tpu.memory_space<vmem>> -> memref<128x16xf32, #tpu.memory_space<vmem>>
    %dma_start3A_641 = arith.constant 0 : i32
    %dma_start3A_642 = tpu.memref_slice %arg8[%dma_start3A_637, %dma_start3A_641] : memref<40x128xi32, #tpu.memory_space<vmem>> -> memref<1x128xi32, #tpu.memory_space<vmem>>
    %dma_start3A_643 = tpu.memref_squeeze %dma_start3A_642 : memref<1x128xi32, #tpu.memory_space<vmem>> -> memref<128xi32, #tpu.memory_space<vmem>>
    %dma_start3A_644 = arith.constant 0 : i32
    %dma_start3A_645 = arith.constant 0 : i32
    %dma_start3A_646 = tpu.memref_slice %arg9[%dma_start3A_644, %dma_start3A_645] : memref<10240x16xf32, #tpu.memory_space<vmem_shared>> -> memref<10240x16xf32, #tpu.memory_space<vmem_shared>>
    tpu.enqueue_indirect_dma source(%dma_start3A_640 : memref<128x16xf32, #tpu.memory_space<vmem>>) target(%dma_start3A_646 : memref<10240x16xf32, #tpu.memory_space<vmem_shared>>) offsets(%dma_start3A_643 : memref<128xi32, #tpu.memory_space<vmem>>) semaphore(%arg12 : memref<!tpu.dma_semaphore, #tpu.memory_space<semaphore_mem>>) {add = true}
    %dma_start3A_647 = arith.constant 11 : i32
    %dma_start3A_648 = arith.constant 1408 : i32
    %dma_start3A_649 = arith.constant 0 : i32
    %dma_start3A_650 = tpu.memref_slice %arg6[%dma_start3A_648, %dma_start3A_649] : memref<5000x16xf32, #tpu.memory_space<vmem>> -> memref<128x16xf32, #tpu.memory_space<vmem>>
    %dma_start3A_651 = arith.constant 0 : i32
    %dma_start3A_652 = tpu.memref_slice %arg8[%dma_start3A_647, %dma_start3A_651] : memref<40x128xi32, #tpu.memory_space<vmem>> -> memref<1x128xi32, #tpu.memory_space<vmem>>
    %dma_start3A_653 = tpu.memref_squeeze %dma_start3A_652 : memref<1x128xi32, #tpu.memory_space<vmem>> -> memref<128xi32, #tpu.memory_space<vmem>>
    %dma_start3A_654 = arith.constant 0 : i32
    %dma_start3A_655 = arith.constant 0 : i32
    %dma_start3A_656 = tpu.memref_slice %arg9[%dma_start3A_654, %dma_start3A_655] : memref<10240x16xf32, #tpu.memory_space<vmem_shared>> -> memref<10240x16xf32, #tpu.memory_space<vmem_shared>>
    tpu.enqueue_indirect_dma source(%dma_start3A_650 : memref<128x16xf32, #tpu.memory_space<vmem>>) target(%dma_start3A_656 : memref<10240x16xf32, #tpu.memory_space<vmem_shared>>) offsets(%dma_start3A_653 : memref<128xi32, #tpu.memory_space<vmem>>) semaphore(%arg12 : memref<!tpu.dma_semaphore, #tpu.memory_space<semaphore_mem>>) {add = true}
    %dma_start3A_657 = arith.constant 12 : i32
    %dma_start3A_658 = arith.constant 1536 : i32
    %dma_start3A_659 = arith.constant 0 : i32
    %dma_start3A_660 = tpu.memref_slice %arg6[%dma_start3A_658, %dma_start3A_659] : memref<5000x16xf32, #tpu.memory_space<vmem>> -> memref<128x16xf32, #tpu.memory_space<vmem>>
    %dma_start3A_661 = arith.constant 0 : i32
    %dma_start3A_662 = tpu.memref_slice %arg8[%dma_start3A_657, %dma_start3A_661] : memref<40x128xi32, #tpu.memory_space<vmem>> -> memref<1x128xi32, #tpu.memory_space<vmem>>
    %dma_start3A_663 = tpu.memref_squeeze %dma_start3A_662 : memref<1x128xi32, #tpu.memory_space<vmem>> -> memref<128xi32, #tpu.memory_space<vmem>>
    %dma_start3A_664 = arith.constant 0 : i32
    %dma_start3A_665 = arith.constant 0 : i32
    %dma_start3A_666 = tpu.memref_slice %arg9[%dma_start3A_664, %dma_start3A_665] : memref<10240x16xf32, #tpu.memory_space<vmem_shared>> -> memref<10240x16xf32, #tpu.memory_space<vmem_shared>>
    tpu.enqueue_indirect_dma source(%dma_start3A_660 : memref<128x16xf32, #tpu.memory_space<vmem>>) target(%dma_start3A_666 : memref<10240x16xf32, #tpu.memory_space<vmem_shared>>) offsets(%dma_start3A_663 : memref<128xi32, #tpu.memory_space<vmem>>) semaphore(%arg12 : memref<!tpu.dma_semaphore, #tpu.memory_space<semaphore_mem>>) {add = true}
    %dma_start3A_667 = arith.constant 13 : i32
    %dma_start3A_668 = arith.constant 1664 : i32
    %dma_start3A_669 = arith.constant 0 : i32
    %dma_start3A_670 = tpu.memref_slice %arg6[%dma_start3A_668, %dma_start3A_669] : memref<5000x16xf32, #tpu.memory_space<vmem>> -> memref<128x16xf32, #tpu.memory_space<vmem>>
    %dma_start3A_671 = arith.constant 0 : i32
    %dma_start3A_672 = tpu.memref_slice %arg8[%dma_start3A_667, %dma_start3A_671] : memref<40x128xi32, #tpu.memory_space<vmem>> -> memref<1x128xi32, #tpu.memory_space<vmem>>
    %dma_start3A_673 = tpu.memref_squeeze %dma_start3A_672 : memref<1x128xi32, #tpu.memory_space<vmem>> -> memref<128xi32, #tpu.memory_space<vmem>>
    %dma_start3A_674 = arith.constant 0 : i32
    %dma_start3A_675 = arith.constant 0 : i32
    %dma_start3A_676 = tpu.memref_slice %arg9[%dma_start3A_674, %dma_start3A_675] : memref<10240x16xf32, #tpu.memory_space<vmem_shared>> -> memref<10240x16xf32, #tpu.memory_space<vmem_shared>>
    tpu.enqueue_indirect_dma source(%dma_start3A_670 : memref<128x16xf32, #tpu.memory_space<vmem>>) target(%dma_start3A_676 : memref<10240x16xf32, #tpu.memory_space<vmem_shared>>) offsets(%dma_start3A_673 : memref<128xi32, #tpu.memory_space<vmem>>) semaphore(%arg12 : memref<!tpu.dma_semaphore, #tpu.memory_space<semaphore_mem>>) {add = true}
    %dma_start3A_677 = arith.constant 14 : i32
    %dma_start3A_678 = arith.constant 1792 : i32
    %dma_start3A_679 = arith.constant 0 : i32
    %dma_start3A_680 = tpu.memref_slice %arg6[%dma_start3A_678, %dma_start3A_679] : memref<5000x16xf32, #tpu.memory_space<vmem>> -> memref<128x16xf32, #tpu.memory_space<vmem>>
    %dma_start3A_681 = arith.constant 0 : i32
    %dma_start3A_682 = tpu.memref_slice %arg8[%dma_start3A_677, %dma_start3A_681] : memref<40x128xi32, #tpu.memory_space<vmem>> -> memref<1x128xi32, #tpu.memory_space<vmem>>
    %dma_start3A_683 = tpu.memref_squeeze %dma_start3A_682 : memref<1x128xi32, #tpu.memory_space<vmem>> -> memref<128xi32, #tpu.memory_space<vmem>>
    %dma_start3A_684 = arith.constant 0 : i32
    %dma_start3A_685 = arith.constant 0 : i32
    %dma_start3A_686 = tpu.memref_slice %arg9[%dma_start3A_684, %dma_start3A_685] : memref<10240x16xf32, #tpu.memory_space<vmem_shared>> -> memref<10240x16xf32, #tpu.memory_space<vmem_shared>>
    tpu.enqueue_indirect_dma source(%dma_start3A_680 : memref<128x16xf32, #tpu.memory_space<vmem>>) target(%dma_start3A_686 : memref<10240x16xf32, #tpu.memory_space<vmem_shared>>) offsets(%dma_start3A_683 : memref<128xi32, #tpu.memory_space<vmem>>) semaphore(%arg12 : memref<!tpu.dma_semaphore, #tpu.memory_space<semaphore_mem>>) {add = true}
    %dma_start3A_687 = arith.constant 15 : i32
    %dma_start3A_688 = arith.constant 1920 : i32
    %dma_start3A_689 = arith.constant 0 : i32
    %dma_start3A_690 = tpu.memref_slice %arg6[%dma_start3A_688, %dma_start3A_689] : memref<5000x16xf32, #tpu.memory_space<vmem>> -> memref<128x16xf32, #tpu.memory_space<vmem>>
    %dma_start3A_691 = arith.constant 0 : i32
    %dma_start3A_692 = tpu.memref_slice %arg8[%dma_start3A_687, %dma_start3A_691] : memref<40x128xi32, #tpu.memory_space<vmem>> -> memref<1x128xi32, #tpu.memory_space<vmem>>
    %dma_start3A_693 = tpu.memref_squeeze %dma_start3A_692 : memref<1x128xi32, #tpu.memory_space<vmem>> -> memref<128xi32, #tpu.memory_space<vmem>>
    %dma_start3A_694 = arith.constant 0 : i32
    %dma_start3A_695 = arith.constant 0 : i32
    %dma_start3A_696 = tpu.memref_slice %arg9[%dma_start3A_694, %dma_start3A_695] : memref<10240x16xf32, #tpu.memory_space<vmem_shared>> -> memref<10240x16xf32, #tpu.memory_space<vmem_shared>>
    tpu.enqueue_indirect_dma source(%dma_start3A_690 : memref<128x16xf32, #tpu.memory_space<vmem>>) target(%dma_start3A_696 : memref<10240x16xf32, #tpu.memory_space<vmem_shared>>) offsets(%dma_start3A_693 : memref<128xi32, #tpu.memory_space<vmem>>) semaphore(%arg12 : memref<!tpu.dma_semaphore, #tpu.memory_space<semaphore_mem>>) {add = true}
    %dma_start3A_697 = arith.constant 16 : i32
    %dma_start3A_698 = arith.constant 2048 : i32
    %dma_start3A_699 = arith.constant 0 : i32
    %dma_start3A_700 = tpu.memref_slice %arg6[%dma_start3A_698, %dma_start3A_699] : memref<5000x16xf32, #tpu.memory_space<vmem>> -> memref<128x16xf32, #tpu.memory_space<vmem>>
    %dma_start3A_701 = arith.constant 0 : i32
    %dma_start3A_702 = tpu.memref_slice %arg8[%dma_start3A_697, %dma_start3A_701] : memref<40x128xi32, #tpu.memory_space<vmem>> -> memref<1x128xi32, #tpu.memory_space<vmem>>
    %dma_start3A_703 = tpu.memref_squeeze %dma_start3A_702 : memref<1x128xi32, #tpu.memory_space<vmem>> -> memref<128xi32, #tpu.memory_space<vmem>>
    %dma_start3A_704 = arith.constant 0 : i32
    %dma_start3A_705 = arith.constant 0 : i32
    %dma_start3A_706 = tpu.memref_slice %arg9[%dma_start3A_704, %dma_start3A_705] : memref<10240x16xf32, #tpu.memory_space<vmem_shared>> -> memref<10240x16xf32, #tpu.memory_space<vmem_shared>>
    tpu.enqueue_indirect_dma source(%dma_start3A_700 : memref<128x16xf32, #tpu.memory_space<vmem>>) target(%dma_start3A_706 : memref<10240x16xf32, #tpu.memory_space<vmem_shared>>) offsets(%dma_start3A_703 : memref<128xi32, #tpu.memory_space<vmem>>) semaphore(%arg12 : memref<!tpu.dma_semaphore, #tpu.memory_space<semaphore_mem>>) {add = true}
    %dma_start3A_707 = arith.constant 17 : i32
    %dma_start3A_708 = arith.constant 2176 : i32
    %dma_start3A_709 = arith.constant 0 : i32
    %dma_start3A_710 = tpu.memref_slice %arg6[%dma_start3A_708, %dma_start3A_709] : memref<5000x16xf32, #tpu.memory_space<vmem>> -> memref<128x16xf32, #tpu.memory_space<vmem>>
    %dma_start3A_711 = arith.constant 0 : i32
    %dma_start3A_712 = tpu.memref_slice %arg8[%dma_start3A_707, %dma_start3A_711] : memref<40x128xi32, #tpu.memory_space<vmem>> -> memref<1x128xi32, #tpu.memory_space<vmem>>
    %dma_start3A_713 = tpu.memref_squeeze %dma_start3A_712 : memref<1x128xi32, #tpu.memory_space<vmem>> -> memref<128xi32, #tpu.memory_space<vmem>>
    %dma_start3A_714 = arith.constant 0 : i32
    %dma_start3A_715 = arith.constant 0 : i32
    %dma_start3A_716 = tpu.memref_slice %arg9[%dma_start3A_714, %dma_start3A_715] : memref<10240x16xf32, #tpu.memory_space<vmem_shared>> -> memref<10240x16xf32, #tpu.memory_space<vmem_shared>>
    tpu.enqueue_indirect_dma source(%dma_start3A_710 : memref<128x16xf32, #tpu.memory_space<vmem>>) target(%dma_start3A_716 : memref<10240x16xf32, #tpu.memory_space<vmem_shared>>) offsets(%dma_start3A_713 : memref<128xi32, #tpu.memory_space<vmem>>) semaphore(%arg12 : memref<!tpu.dma_semaphore, #tpu.memory_space<semaphore_mem>>) {add = true}
    %dma_start3A_717 = arith.constant 18 : i32
    %dma_start3A_718 = arith.constant 2304 : i32
    %dma_start3A_719 = arith.constant 0 : i32
    %dma_start3A_720 = tpu.memref_slice %arg6[%dma_start3A_718, %dma_start3A_719] : memref<5000x16xf32, #tpu.memory_space<vmem>> -> memref<128x16xf32, #tpu.memory_space<vmem>>
    %dma_start3A_721 = arith.constant 0 : i32
    %dma_start3A_722 = tpu.memref_slice %arg8[%dma_start3A_717, %dma_start3A_721] : memref<40x128xi32, #tpu.memory_space<vmem>> -> memref<1x128xi32, #tpu.memory_space<vmem>>
    %dma_start3A_723 = tpu.memref_squeeze %dma_start3A_722 : memref<1x128xi32, #tpu.memory_space<vmem>> -> memref<128xi32, #tpu.memory_space<vmem>>
    %dma_start3A_724 = arith.constant 0 : i32
    %dma_start3A_725 = arith.constant 0 : i32
    %dma_start3A_726 = tpu.memref_slice %arg9[%dma_start3A_724, %dma_start3A_725] : memref<10240x16xf32, #tpu.memory_space<vmem_shared>> -> memref<10240x16xf32, #tpu.memory_space<vmem_shared>>
    tpu.enqueue_indirect_dma source(%dma_start3A_720 : memref<128x16xf32, #tpu.memory_space<vmem>>) target(%dma_start3A_726 : memref<10240x16xf32, #tpu.memory_space<vmem_shared>>) offsets(%dma_start3A_723 : memref<128xi32, #tpu.memory_space<vmem>>) semaphore(%arg12 : memref<!tpu.dma_semaphore, #tpu.memory_space<semaphore_mem>>) {add = true}
    %dma_start3A_727 = arith.constant 19 : i32
    %dma_start3A_728 = arith.constant 2432 : i32
    %dma_start3A_729 = arith.constant 0 : i32
    %dma_start3A_730 = tpu.memref_slice %arg6[%dma_start3A_728, %dma_start3A_729] : memref<5000x16xf32, #tpu.memory_space<vmem>> -> memref<128x16xf32, #tpu.memory_space<vmem>>
    %dma_start3A_731 = arith.constant 0 : i32
    %dma_start3A_732 = tpu.memref_slice %arg8[%dma_start3A_727, %dma_start3A_731] : memref<40x128xi32, #tpu.memory_space<vmem>> -> memref<1x128xi32, #tpu.memory_space<vmem>>
    %dma_start3A_733 = tpu.memref_squeeze %dma_start3A_732 : memref<1x128xi32, #tpu.memory_space<vmem>> -> memref<128xi32, #tpu.memory_space<vmem>>
    %dma_start3A_734 = arith.constant 0 : i32
    %dma_start3A_735 = arith.constant 0 : i32
    %dma_start3A_736 = tpu.memref_slice %arg9[%dma_start3A_734, %dma_start3A_735] : memref<10240x16xf32, #tpu.memory_space<vmem_shared>> -> memref<10240x16xf32, #tpu.memory_space<vmem_shared>>
    tpu.enqueue_indirect_dma source(%dma_start3A_730 : memref<128x16xf32, #tpu.memory_space<vmem>>) target(%dma_start3A_736 : memref<10240x16xf32, #tpu.memory_space<vmem_shared>>) offsets(%dma_start3A_733 : memref<128xi32, #tpu.memory_space<vmem>>) semaphore(%arg12 : memref<!tpu.dma_semaphore, #tpu.memory_space<semaphore_mem>>) {add = true}
    %dma_start3A_737 = arith.constant 20 : i32
    %dma_start3A_738 = arith.constant 2560 : i32
    %dma_start3A_739 = arith.constant 0 : i32
    %dma_start3A_740 = tpu.memref_slice %arg6[%dma_start3A_738, %dma_start3A_739] : memref<5000x16xf32, #tpu.memory_space<vmem>> -> memref<128x16xf32, #tpu.memory_space<vmem>>
    %dma_start3A_741 = arith.constant 0 : i32
    %dma_start3A_742 = tpu.memref_slice %arg8[%dma_start3A_737, %dma_start3A_741] : memref<40x128xi32, #tpu.memory_space<vmem>> -> memref<1x128xi32, #tpu.memory_space<vmem>>
    %dma_start3A_743 = tpu.memref_squeeze %dma_start3A_742 : memref<1x128xi32, #tpu.memory_space<vmem>> -> memref<128xi32, #tpu.memory_space<vmem>>
    %dma_start3A_744 = arith.constant 0 : i32
    %dma_start3A_745 = arith.constant 0 : i32
    %dma_start3A_746 = tpu.memref_slice %arg9[%dma_start3A_744, %dma_start3A_745] : memref<10240x16xf32, #tpu.memory_space<vmem_shared>> -> memref<10240x16xf32, #tpu.memory_space<vmem_shared>>
    tpu.enqueue_indirect_dma source(%dma_start3A_740 : memref<128x16xf32, #tpu.memory_space<vmem>>) target(%dma_start3A_746 : memref<10240x16xf32, #tpu.memory_space<vmem_shared>>) offsets(%dma_start3A_743 : memref<128xi32, #tpu.memory_space<vmem>>) semaphore(%arg12 : memref<!tpu.dma_semaphore, #tpu.memory_space<semaphore_mem>>) {add = true}
    %dma_start3A_747 = arith.constant 21 : i32
    %dma_start3A_748 = arith.constant 2688 : i32
    %dma_start3A_749 = arith.constant 0 : i32
    %dma_start3A_750 = tpu.memref_slice %arg6[%dma_start3A_748, %dma_start3A_749] : memref<5000x16xf32, #tpu.memory_space<vmem>> -> memref<128x16xf32, #tpu.memory_space<vmem>>
    %dma_start3A_751 = arith.constant 0 : i32
    %dma_start3A_752 = tpu.memref_slice %arg8[%dma_start3A_747, %dma_start3A_751] : memref<40x128xi32, #tpu.memory_space<vmem>> -> memref<1x128xi32, #tpu.memory_space<vmem>>
    %dma_start3A_753 = tpu.memref_squeeze %dma_start3A_752 : memref<1x128xi32, #tpu.memory_space<vmem>> -> memref<128xi32, #tpu.memory_space<vmem>>
    %dma_start3A_754 = arith.constant 0 : i32
    %dma_start3A_755 = arith.constant 0 : i32
    %dma_start3A_756 = tpu.memref_slice %arg9[%dma_start3A_754, %dma_start3A_755] : memref<10240x16xf32, #tpu.memory_space<vmem_shared>> -> memref<10240x16xf32, #tpu.memory_space<vmem_shared>>
    tpu.enqueue_indirect_dma source(%dma_start3A_750 : memref<128x16xf32, #tpu.memory_space<vmem>>) target(%dma_start3A_756 : memref<10240x16xf32, #tpu.memory_space<vmem_shared>>) offsets(%dma_start3A_753 : memref<128xi32, #tpu.memory_space<vmem>>) semaphore(%arg12 : memref<!tpu.dma_semaphore, #tpu.memory_space<semaphore_mem>>) {add = true}
    %dma_start3A_757 = arith.constant 22 : i32
    %dma_start3A_758 = arith.constant 2816 : i32
    %dma_start3A_759 = arith.constant 0 : i32
    %dma_start3A_760 = tpu.memref_slice %arg6[%dma_start3A_758, %dma_start3A_759] : memref<5000x16xf32, #tpu.memory_space<vmem>> -> memref<128x16xf32, #tpu.memory_space<vmem>>
    %dma_start3A_761 = arith.constant 0 : i32
    %dma_start3A_762 = tpu.memref_slice %arg8[%dma_start3A_757, %dma_start3A_761] : memref<40x128xi32, #tpu.memory_space<vmem>> -> memref<1x128xi32, #tpu.memory_space<vmem>>
    %dma_start3A_763 = tpu.memref_squeeze %dma_start3A_762 : memref<1x128xi32, #tpu.memory_space<vmem>> -> memref<128xi32, #tpu.memory_space<vmem>>
    %dma_start3A_764 = arith.constant 0 : i32
    %dma_start3A_765 = arith.constant 0 : i32
    %dma_start3A_766 = tpu.memref_slice %arg9[%dma_start3A_764, %dma_start3A_765] : memref<10240x16xf32, #tpu.memory_space<vmem_shared>> -> memref<10240x16xf32, #tpu.memory_space<vmem_shared>>
    tpu.enqueue_indirect_dma source(%dma_start3A_760 : memref<128x16xf32, #tpu.memory_space<vmem>>) target(%dma_start3A_766 : memref<10240x16xf32, #tpu.memory_space<vmem_shared>>) offsets(%dma_start3A_763 : memref<128xi32, #tpu.memory_space<vmem>>) semaphore(%arg12 : memref<!tpu.dma_semaphore, #tpu.memory_space<semaphore_mem>>) {add = true}
    %dma_start3A_767 = arith.constant 23 : i32
    %dma_start3A_768 = arith.constant 2944 : i32
    %dma_start3A_769 = arith.constant 0 : i32
    %dma_start3A_770 = tpu.memref_slice %arg6[%dma_start3A_768, %dma_start3A_769] : memref<5000x16xf32, #tpu.memory_space<vmem>> -> memref<128x16xf32, #tpu.memory_space<vmem>>
    %dma_start3A_771 = arith.constant 0 : i32
    %dma_start3A_772 = tpu.memref_slice %arg8[%dma_start3A_767, %dma_start3A_771] : memref<40x128xi32, #tpu.memory_space<vmem>> -> memref<1x128xi32, #tpu.memory_space<vmem>>
    %dma_start3A_773 = tpu.memref_squeeze %dma_start3A_772 : memref<1x128xi32, #tpu.memory_space<vmem>> -> memref<128xi32, #tpu.memory_space<vmem>>
    %dma_start3A_774 = arith.constant 0 : i32
    %dma_start3A_775 = arith.constant 0 : i32
    %dma_start3A_776 = tpu.memref_slice %arg9[%dma_start3A_774, %dma_start3A_775] : memref<10240x16xf32, #tpu.memory_space<vmem_shared>> -> memref<10240x16xf32, #tpu.memory_space<vmem_shared>>
    tpu.enqueue_indirect_dma source(%dma_start3A_770 : memref<128x16xf32, #tpu.memory_space<vmem>>) target(%dma_start3A_776 : memref<10240x16xf32, #tpu.memory_space<vmem_shared>>) offsets(%dma_start3A_773 : memref<128xi32, #tpu.memory_space<vmem>>) semaphore(%arg12 : memref<!tpu.dma_semaphore, #tpu.memory_space<semaphore_mem>>) {add = true}
    %dma_start3A_777 = arith.constant 24 : i32
    %dma_start3A_778 = arith.constant 3072 : i32
    %dma_start3A_779 = arith.constant 0 : i32
    %dma_start3A_780 = tpu.memref_slice %arg6[%dma_start3A_778, %dma_start3A_779] : memref<5000x16xf32, #tpu.memory_space<vmem>> -> memref<128x16xf32, #tpu.memory_space<vmem>>
    %dma_start3A_781 = arith.constant 0 : i32
    %dma_start3A_782 = tpu.memref_slice %arg8[%dma_start3A_777, %dma_start3A_781] : memref<40x128xi32, #tpu.memory_space<vmem>> -> memref<1x128xi32, #tpu.memory_space<vmem>>
    %dma_start3A_783 = tpu.memref_squeeze %dma_start3A_782 : memref<1x128xi32, #tpu.memory_space<vmem>> -> memref<128xi32, #tpu.memory_space<vmem>>
    %dma_start3A_784 = arith.constant 0 : i32
    %dma_start3A_785 = arith.constant 0 : i32
    %dma_start3A_786 = tpu.memref_slice %arg9[%dma_start3A_784, %dma_start3A_785] : memref<10240x16xf32, #tpu.memory_space<vmem_shared>> -> memref<10240x16xf32, #tpu.memory_space<vmem_shared>>
    tpu.enqueue_indirect_dma source(%dma_start3A_780 : memref<128x16xf32, #tpu.memory_space<vmem>>) target(%dma_start3A_786 : memref<10240x16xf32, #tpu.memory_space<vmem_shared>>) offsets(%dma_start3A_783 : memref<128xi32, #tpu.memory_space<vmem>>) semaphore(%arg12 : memref<!tpu.dma_semaphore, #tpu.memory_space<semaphore_mem>>) {add = true}
    %dma_start3A_787 = arith.constant 25 : i32
    %dma_start3A_788 = arith.constant 3200 : i32
    %dma_start3A_789 = arith.constant 0 : i32
    %dma_start3A_790 = tpu.memref_slice %arg6[%dma_start3A_788, %dma_start3A_789] : memref<5000x16xf32, #tpu.memory_space<vmem>> -> memref<128x16xf32, #tpu.memory_space<vmem>>
    %dma_start3A_791 = arith.constant 0 : i32
    %dma_start3A_792 = tpu.memref_slice %arg8[%dma_start3A_787, %dma_start3A_791] : memref<40x128xi32, #tpu.memory_space<vmem>> -> memref<1x128xi32, #tpu.memory_space<vmem>>
    %dma_start3A_793 = tpu.memref_squeeze %dma_start3A_792 : memref<1x128xi32, #tpu.memory_space<vmem>> -> memref<128xi32, #tpu.memory_space<vmem>>
    %dma_start3A_794 = arith.constant 0 : i32
    %dma_start3A_795 = arith.constant 0 : i32
    %dma_start3A_796 = tpu.memref_slice %arg9[%dma_start3A_794, %dma_start3A_795] : memref<10240x16xf32, #tpu.memory_space<vmem_shared>> -> memref<10240x16xf32, #tpu.memory_space<vmem_shared>>
    tpu.enqueue_indirect_dma source(%dma_start3A_790 : memref<128x16xf32, #tpu.memory_space<vmem>>) target(%dma_start3A_796 : memref<10240x16xf32, #tpu.memory_space<vmem_shared>>) offsets(%dma_start3A_793 : memref<128xi32, #tpu.memory_space<vmem>>) semaphore(%arg12 : memref<!tpu.dma_semaphore, #tpu.memory_space<semaphore_mem>>) {add = true}
    %dma_start3A_797 = arith.constant 26 : i32
    %dma_start3A_798 = arith.constant 3328 : i32
    %dma_start3A_799 = arith.constant 0 : i32
    %dma_start3A_800 = tpu.memref_slice %arg6[%dma_start3A_798, %dma_start3A_799] : memref<5000x16xf32, #tpu.memory_space<vmem>> -> memref<128x16xf32, #tpu.memory_space<vmem>>
    %dma_start3A_801 = arith.constant 0 : i32
    %dma_start3A_802 = tpu.memref_slice %arg8[%dma_start3A_797, %dma_start3A_801] : memref<40x128xi32, #tpu.memory_space<vmem>> -> memref<1x128xi32, #tpu.memory_space<vmem>>
    %dma_start3A_803 = tpu.memref_squeeze %dma_start3A_802 : memref<1x128xi32, #tpu.memory_space<vmem>> -> memref<128xi32, #tpu.memory_space<vmem>>
    %dma_start3A_804 = arith.constant 0 : i32
    %dma_start3A_805 = arith.constant 0 : i32
    %dma_start3A_806 = tpu.memref_slice %arg9[%dma_start3A_804, %dma_start3A_805] : memref<10240x16xf32, #tpu.memory_space<vmem_shared>> -> memref<10240x16xf32, #tpu.memory_space<vmem_shared>>
    tpu.enqueue_indirect_dma source(%dma_start3A_800 : memref<128x16xf32, #tpu.memory_space<vmem>>) target(%dma_start3A_806 : memref<10240x16xf32, #tpu.memory_space<vmem_shared>>) offsets(%dma_start3A_803 : memref<128xi32, #tpu.memory_space<vmem>>) semaphore(%arg12 : memref<!tpu.dma_semaphore, #tpu.memory_space<semaphore_mem>>) {add = true}
    %dma_start3A_807 = arith.constant 27 : i32
    %dma_start3A_808 = arith.constant 3456 : i32
    %dma_start3A_809 = arith.constant 0 : i32
    %dma_start3A_810 = tpu.memref_slice %arg6[%dma_start3A_808, %dma_start3A_809] : memref<5000x16xf32, #tpu.memory_space<vmem>> -> memref<128x16xf32, #tpu.memory_space<vmem>>
    %dma_start3A_811 = arith.constant 0 : i32
    %dma_start3A_812 = tpu.memref_slice %arg8[%dma_start3A_807, %dma_start3A_811] : memref<40x128xi32, #tpu.memory_space<vmem>> -> memref<1x128xi32, #tpu.memory_space<vmem>>
    %dma_start3A_813 = tpu.memref_squeeze %dma_start3A_812 : memref<1x128xi32, #tpu.memory_space<vmem>> -> memref<128xi32, #tpu.memory_space<vmem>>
    %dma_start3A_814 = arith.constant 0 : i32
    %dma_start3A_815 = arith.constant 0 : i32
    %dma_start3A_816 = tpu.memref_slice %arg9[%dma_start3A_814, %dma_start3A_815] : memref<10240x16xf32, #tpu.memory_space<vmem_shared>> -> memref<10240x16xf32, #tpu.memory_space<vmem_shared>>
    tpu.enqueue_indirect_dma source(%dma_start3A_810 : memref<128x16xf32, #tpu.memory_space<vmem>>) target(%dma_start3A_816 : memref<10240x16xf32, #tpu.memory_space<vmem_shared>>) offsets(%dma_start3A_813 : memref<128xi32, #tpu.memory_space<vmem>>) semaphore(%arg12 : memref<!tpu.dma_semaphore, #tpu.memory_space<semaphore_mem>>) {add = true}
    %dma_start3A_817 = arith.constant 28 : i32
    %dma_start3A_818 = arith.constant 3584 : i32
    %dma_start3A_819 = arith.constant 0 : i32
    %dma_start3A_820 = tpu.memref_slice %arg6[%dma_start3A_818, %dma_start3A_819] : memref<5000x16xf32, #tpu.memory_space<vmem>> -> memref<128x16xf32, #tpu.memory_space<vmem>>
    %dma_start3A_821 = arith.constant 0 : i32
    %dma_start3A_822 = tpu.memref_slice %arg8[%dma_start3A_817, %dma_start3A_821] : memref<40x128xi32, #tpu.memory_space<vmem>> -> memref<1x128xi32, #tpu.memory_space<vmem>>
    %dma_start3A_823 = tpu.memref_squeeze %dma_start3A_822 : memref<1x128xi32, #tpu.memory_space<vmem>> -> memref<128xi32, #tpu.memory_space<vmem>>
    %dma_start3A_824 = arith.constant 0 : i32
    %dma_start3A_825 = arith.constant 0 : i32
    %dma_start3A_826 = tpu.memref_slice %arg9[%dma_start3A_824, %dma_start3A_825] : memref<10240x16xf32, #tpu.memory_space<vmem_shared>> -> memref<10240x16xf32, #tpu.memory_space<vmem_shared>>
    tpu.enqueue_indirect_dma source(%dma_start3A_820 : memref<128x16xf32, #tpu.memory_space<vmem>>) target(%dma_start3A_826 : memref<10240x16xf32, #tpu.memory_space<vmem_shared>>) offsets(%dma_start3A_823 : memref<128xi32, #tpu.memory_space<vmem>>) semaphore(%arg12 : memref<!tpu.dma_semaphore, #tpu.memory_space<semaphore_mem>>) {add = true}
    %dma_start3A_827 = arith.constant 29 : i32
    %dma_start3A_828 = arith.constant 3712 : i32
    %dma_start3A_829 = arith.constant 0 : i32
    %dma_start3A_830 = tpu.memref_slice %arg6[%dma_start3A_828, %dma_start3A_829] : memref<5000x16xf32, #tpu.memory_space<vmem>> -> memref<128x16xf32, #tpu.memory_space<vmem>>
    %dma_start3A_831 = arith.constant 0 : i32
    %dma_start3A_832 = tpu.memref_slice %arg8[%dma_start3A_827, %dma_start3A_831] : memref<40x128xi32, #tpu.memory_space<vmem>> -> memref<1x128xi32, #tpu.memory_space<vmem>>
    %dma_start3A_833 = tpu.memref_squeeze %dma_start3A_832 : memref<1x128xi32, #tpu.memory_space<vmem>> -> memref<128xi32, #tpu.memory_space<vmem>>
    %dma_start3A_834 = arith.constant 0 : i32
    %dma_start3A_835 = arith.constant 0 : i32
    %dma_start3A_836 = tpu.memref_slice %arg9[%dma_start3A_834, %dma_start3A_835] : memref<10240x16xf32, #tpu.memory_space<vmem_shared>> -> memref<10240x16xf32, #tpu.memory_space<vmem_shared>>
    tpu.enqueue_indirect_dma source(%dma_start3A_830 : memref<128x16xf32, #tpu.memory_space<vmem>>) target(%dma_start3A_836 : memref<10240x16xf32, #tpu.memory_space<vmem_shared>>) offsets(%dma_start3A_833 : memref<128xi32, #tpu.memory_space<vmem>>) semaphore(%arg12 : memref<!tpu.dma_semaphore, #tpu.memory_space<semaphore_mem>>) {add = true}
    %dma_start3A_837 = arith.constant 30 : i32
    %dma_start3A_838 = arith.constant 3840 : i32
    %dma_start3A_839 = arith.constant 0 : i32
    %dma_start3A_840 = tpu.memref_slice %arg6[%dma_start3A_838, %dma_start3A_839] : memref<5000x16xf32, #tpu.memory_space<vmem>> -> memref<128x16xf32, #tpu.memory_space<vmem>>
    %dma_start3A_841 = arith.constant 0 : i32
    %dma_start3A_842 = tpu.memref_slice %arg8[%dma_start3A_837, %dma_start3A_841] : memref<40x128xi32, #tpu.memory_space<vmem>> -> memref<1x128xi32, #tpu.memory_space<vmem>>
    %dma_start3A_843 = tpu.memref_squeeze %dma_start3A_842 : memref<1x128xi32, #tpu.memory_space<vmem>> -> memref<128xi32, #tpu.memory_space<vmem>>
    %dma_start3A_844 = arith.constant 0 : i32
    %dma_start3A_845 = arith.constant 0 : i32
    %dma_start3A_846 = tpu.memref_slice %arg9[%dma_start3A_844, %dma_start3A_845] : memref<10240x16xf32, #tpu.memory_space<vmem_shared>> -> memref<10240x16xf32, #tpu.memory_space<vmem_shared>>
    tpu.enqueue_indirect_dma source(%dma_start3A_840 : memref<128x16xf32, #tpu.memory_space<vmem>>) target(%dma_start3A_846 : memref<10240x16xf32, #tpu.memory_space<vmem_shared>>) offsets(%dma_start3A_843 : memref<128xi32, #tpu.memory_space<vmem>>) semaphore(%arg12 : memref<!tpu.dma_semaphore, #tpu.memory_space<semaphore_mem>>) {add = true}
    %dma_start3A_847 = arith.constant 31 : i32
    %dma_start3A_848 = arith.constant 3968 : i32
    %dma_start3A_849 = arith.constant 0 : i32
    %dma_start3A_850 = tpu.memref_slice %arg6[%dma_start3A_848, %dma_start3A_849] : memref<5000x16xf32, #tpu.memory_space<vmem>> -> memref<128x16xf32, #tpu.memory_space<vmem>>
    %dma_start3A_851 = arith.constant 0 : i32
    %dma_start3A_852 = tpu.memref_slice %arg8[%dma_start3A_847, %dma_start3A_851] : memref<40x128xi32, #tpu.memory_space<vmem>> -> memref<1x128xi32, #tpu.memory_space<vmem>>
    %dma_start3A_853 = tpu.memref_squeeze %dma_start3A_852 : memref<1x128xi32, #tpu.memory_space<vmem>> -> memref<128xi32, #tpu.memory_space<vmem>>
    %dma_start3A_854 = arith.constant 0 : i32
    %dma_start3A_855 = arith.constant 0 : i32
    %dma_start3A_856 = tpu.memref_slice %arg9[%dma_start3A_854, %dma_start3A_855] : memref<10240x16xf32, #tpu.memory_space<vmem_shared>> -> memref<10240x16xf32, #tpu.memory_space<vmem_shared>>
    tpu.enqueue_indirect_dma source(%dma_start3A_850 : memref<128x16xf32, #tpu.memory_space<vmem>>) target(%dma_start3A_856 : memref<10240x16xf32, #tpu.memory_space<vmem_shared>>) offsets(%dma_start3A_853 : memref<128xi32, #tpu.memory_space<vmem>>) semaphore(%arg12 : memref<!tpu.dma_semaphore, #tpu.memory_space<semaphore_mem>>) {add = true}
    %dma_start3A_857 = arith.constant 32 : i32
    %dma_start3A_858 = arith.constant 4096 : i32
    %dma_start3A_859 = arith.constant 0 : i32
    %dma_start3A_860 = tpu.memref_slice %arg6[%dma_start3A_858, %dma_start3A_859] : memref<5000x16xf32, #tpu.memory_space<vmem>> -> memref<128x16xf32, #tpu.memory_space<vmem>>
    %dma_start3A_861 = arith.constant 0 : i32
    %dma_start3A_862 = tpu.memref_slice %arg8[%dma_start3A_857, %dma_start3A_861] : memref<40x128xi32, #tpu.memory_space<vmem>> -> memref<1x128xi32, #tpu.memory_space<vmem>>
    %dma_start3A_863 = tpu.memref_squeeze %dma_start3A_862 : memref<1x128xi32, #tpu.memory_space<vmem>> -> memref<128xi32, #tpu.memory_space<vmem>>
    %dma_start3A_864 = arith.constant 0 : i32
    %dma_start3A_865 = arith.constant 0 : i32
    %dma_start3A_866 = tpu.memref_slice %arg9[%dma_start3A_864, %dma_start3A_865] : memref<10240x16xf32, #tpu.memory_space<vmem_shared>> -> memref<10240x16xf32, #tpu.memory_space<vmem_shared>>
    tpu.enqueue_indirect_dma source(%dma_start3A_860 : memref<128x16xf32, #tpu.memory_space<vmem>>) target(%dma_start3A_866 : memref<10240x16xf32, #tpu.memory_space<vmem_shared>>) offsets(%dma_start3A_863 : memref<128xi32, #tpu.memory_space<vmem>>) semaphore(%arg12 : memref<!tpu.dma_semaphore, #tpu.memory_space<semaphore_mem>>) {add = true}
    %dma_start3A_867 = arith.constant 33 : i32
    %dma_start3A_868 = arith.constant 4224 : i32
    %dma_start3A_869 = arith.constant 0 : i32
    %dma_start3A_870 = tpu.memref_slice %arg6[%dma_start3A_868, %dma_start3A_869] : memref<5000x16xf32, #tpu.memory_space<vmem>> -> memref<128x16xf32, #tpu.memory_space<vmem>>
    %dma_start3A_871 = arith.constant 0 : i32
    %dma_start3A_872 = tpu.memref_slice %arg8[%dma_start3A_867, %dma_start3A_871] : memref<40x128xi32, #tpu.memory_space<vmem>> -> memref<1x128xi32, #tpu.memory_space<vmem>>
    %dma_start3A_873 = tpu.memref_squeeze %dma_start3A_872 : memref<1x128xi32, #tpu.memory_space<vmem>> -> memref<128xi32, #tpu.memory_space<vmem>>
    %dma_start3A_874 = arith.constant 0 : i32
    %dma_start3A_875 = arith.constant 0 : i32
    %dma_start3A_876 = tpu.memref_slice %arg9[%dma_start3A_874, %dma_start3A_875] : memref<10240x16xf32, #tpu.memory_space<vmem_shared>> -> memref<10240x16xf32, #tpu.memory_space<vmem_shared>>
    tpu.enqueue_indirect_dma source(%dma_start3A_870 : memref<128x16xf32, #tpu.memory_space<vmem>>) target(%dma_start3A_876 : memref<10240x16xf32, #tpu.memory_space<vmem_shared>>) offsets(%dma_start3A_873 : memref<128xi32, #tpu.memory_space<vmem>>) semaphore(%arg12 : memref<!tpu.dma_semaphore, #tpu.memory_space<semaphore_mem>>) {add = true}
    %dma_start3A_877 = arith.constant 34 : i32
    %dma_start3A_878 = arith.constant 4352 : i32
    %dma_start3A_879 = arith.constant 0 : i32
    %dma_start3A_880 = tpu.memref_slice %arg6[%dma_start3A_878, %dma_start3A_879] : memref<5000x16xf32, #tpu.memory_space<vmem>> -> memref<128x16xf32, #tpu.memory_space<vmem>>
    %dma_start3A_881 = arith.constant 0 : i32
    %dma_start3A_882 = tpu.memref_slice %arg8[%dma_start3A_877, %dma_start3A_881] : memref<40x128xi32, #tpu.memory_space<vmem>> -> memref<1x128xi32, #tpu.memory_space<vmem>>
    %dma_start3A_883 = tpu.memref_squeeze %dma_start3A_882 : memref<1x128xi32, #tpu.memory_space<vmem>> -> memref<128xi32, #tpu.memory_space<vmem>>
    %dma_start3A_884 = arith.constant 0 : i32
    %dma_start3A_885 = arith.constant 0 : i32
    %dma_start3A_886 = tpu.memref_slice %arg9[%dma_start3A_884, %dma_start3A_885] : memref<10240x16xf32, #tpu.memory_space<vmem_shared>> -> memref<10240x16xf32, #tpu.memory_space<vmem_shared>>
    tpu.enqueue_indirect_dma source(%dma_start3A_880 : memref<128x16xf32, #tpu.memory_space<vmem>>) target(%dma_start3A_886 : memref<10240x16xf32, #tpu.memory_space<vmem_shared>>) offsets(%dma_start3A_883 : memref<128xi32, #tpu.memory_space<vmem>>) semaphore(%arg12 : memref<!tpu.dma_semaphore, #tpu.memory_space<semaphore_mem>>) {add = true}
    %dma_start3A_887 = arith.constant 35 : i32
    %dma_start3A_888 = arith.constant 4480 : i32
    %dma_start3A_889 = arith.constant 0 : i32
    %dma_start3A_890 = tpu.memref_slice %arg6[%dma_start3A_888, %dma_start3A_889] : memref<5000x16xf32, #tpu.memory_space<vmem>> -> memref<128x16xf32, #tpu.memory_space<vmem>>
    %dma_start3A_891 = arith.constant 0 : i32
    %dma_start3A_892 = tpu.memref_slice %arg8[%dma_start3A_887, %dma_start3A_891] : memref<40x128xi32, #tpu.memory_space<vmem>> -> memref<1x128xi32, #tpu.memory_space<vmem>>
    %dma_start3A_893 = tpu.memref_squeeze %dma_start3A_892 : memref<1x128xi32, #tpu.memory_space<vmem>> -> memref<128xi32, #tpu.memory_space<vmem>>
    %dma_start3A_894 = arith.constant 0 : i32
    %dma_start3A_895 = arith.constant 0 : i32
    %dma_start3A_896 = tpu.memref_slice %arg9[%dma_start3A_894, %dma_start3A_895] : memref<10240x16xf32, #tpu.memory_space<vmem_shared>> -> memref<10240x16xf32, #tpu.memory_space<vmem_shared>>
    tpu.enqueue_indirect_dma source(%dma_start3A_890 : memref<128x16xf32, #tpu.memory_space<vmem>>) target(%dma_start3A_896 : memref<10240x16xf32, #tpu.memory_space<vmem_shared>>) offsets(%dma_start3A_893 : memref<128xi32, #tpu.memory_space<vmem>>) semaphore(%arg12 : memref<!tpu.dma_semaphore, #tpu.memory_space<semaphore_mem>>) {add = true}
    %dma_start3A_897 = arith.constant 36 : i32
    %dma_start3A_898 = arith.constant 4608 : i32
    %dma_start3A_899 = arith.constant 0 : i32
    %dma_start3A_900 = tpu.memref_slice %arg6[%dma_start3A_898, %dma_start3A_899] : memref<5000x16xf32, #tpu.memory_space<vmem>> -> memref<128x16xf32, #tpu.memory_space<vmem>>
    %dma_start3A_901 = arith.constant 0 : i32
    %dma_start3A_902 = tpu.memref_slice %arg8[%dma_start3A_897, %dma_start3A_901] : memref<40x128xi32, #tpu.memory_space<vmem>> -> memref<1x128xi32, #tpu.memory_space<vmem>>
    %dma_start3A_903 = tpu.memref_squeeze %dma_start3A_902 : memref<1x128xi32, #tpu.memory_space<vmem>> -> memref<128xi32, #tpu.memory_space<vmem>>
    %dma_start3A_904 = arith.constant 0 : i32
    %dma_start3A_905 = arith.constant 0 : i32
    %dma_start3A_906 = tpu.memref_slice %arg9[%dma_start3A_904, %dma_start3A_905] : memref<10240x16xf32, #tpu.memory_space<vmem_shared>> -> memref<10240x16xf32, #tpu.memory_space<vmem_shared>>
    tpu.enqueue_indirect_dma source(%dma_start3A_900 : memref<128x16xf32, #tpu.memory_space<vmem>>) target(%dma_start3A_906 : memref<10240x16xf32, #tpu.memory_space<vmem_shared>>) offsets(%dma_start3A_903 : memref<128xi32, #tpu.memory_space<vmem>>) semaphore(%arg12 : memref<!tpu.dma_semaphore, #tpu.memory_space<semaphore_mem>>) {add = true}
    %dma_start3A_907 = arith.constant 37 : i32
    %dma_start3A_908 = arith.constant 4736 : i32
    %dma_start3A_909 = arith.constant 0 : i32
    %dma_start3A_910 = tpu.memref_slice %arg6[%dma_start3A_908, %dma_start3A_909] : memref<5000x16xf32, #tpu.memory_space<vmem>> -> memref<128x16xf32, #tpu.memory_space<vmem>>
    %dma_start3A_911 = arith.constant 0 : i32
    %dma_start3A_912 = tpu.memref_slice %arg8[%dma_start3A_907, %dma_start3A_911] : memref<40x128xi32, #tpu.memory_space<vmem>> -> memref<1x128xi32, #tpu.memory_space<vmem>>
    %dma_start3A_913 = tpu.memref_squeeze %dma_start3A_912 : memref<1x128xi32, #tpu.memory_space<vmem>> -> memref<128xi32, #tpu.memory_space<vmem>>
    %dma_start3A_914 = arith.constant 0 : i32
    %dma_start3A_915 = arith.constant 0 : i32
    %dma_start3A_916 = tpu.memref_slice %arg9[%dma_start3A_914, %dma_start3A_915] : memref<10240x16xf32, #tpu.memory_space<vmem_shared>> -> memref<10240x16xf32, #tpu.memory_space<vmem_shared>>
    tpu.enqueue_indirect_dma source(%dma_start3A_910 : memref<128x16xf32, #tpu.memory_space<vmem>>) target(%dma_start3A_916 : memref<10240x16xf32, #tpu.memory_space<vmem_shared>>) offsets(%dma_start3A_913 : memref<128xi32, #tpu.memory_space<vmem>>) semaphore(%arg12 : memref<!tpu.dma_semaphore, #tpu.memory_space<semaphore_mem>>) {add = true}
    %dma_start3A_917 = arith.constant 38 : i32
    %dma_start3A_918 = arith.constant 4864 : i32
    %dma_start3A_919 = arith.constant 0 : i32
    %dma_start3A_920 = tpu.memref_slice %arg6[%dma_start3A_918, %dma_start3A_919] : memref<5000x16xf32, #tpu.memory_space<vmem>> -> memref<128x16xf32, #tpu.memory_space<vmem>>
    %dma_start3A_921 = arith.constant 0 : i32
    %dma_start3A_922 = tpu.memref_slice %arg8[%dma_start3A_917, %dma_start3A_921] : memref<40x128xi32, #tpu.memory_space<vmem>> -> memref<1x128xi32, #tpu.memory_space<vmem>>
    %dma_start3A_923 = tpu.memref_squeeze %dma_start3A_922 : memref<1x128xi32, #tpu.memory_space<vmem>> -> memref<128xi32, #tpu.memory_space<vmem>>
    %dma_start3A_924 = arith.constant 0 : i32
    %dma_start3A_925 = arith.constant 0 : i32
    %dma_start3A_926 = tpu.memref_slice %arg9[%dma_start3A_924, %dma_start3A_925] : memref<10240x16xf32, #tpu.memory_space<vmem_shared>> -> memref<10240x16xf32, #tpu.memory_space<vmem_shared>>
    tpu.enqueue_indirect_dma source(%dma_start3A_920 : memref<128x16xf32, #tpu.memory_space<vmem>>) target(%dma_start3A_926 : memref<10240x16xf32, #tpu.memory_space<vmem_shared>>) offsets(%dma_start3A_923 : memref<128xi32, #tpu.memory_space<vmem>>) semaphore(%arg12 : memref<!tpu.dma_semaphore, #tpu.memory_space<semaphore_mem>>) {add = true}
    %dma_start3A_927 = arith.constant 39 : i32
    %dma_start3A_928 = arith.constant 4992 : i32
    %dma_start3A_929 = arith.constant 0 : i32
    %dma_start3A_930 = tpu.memref_slice %arg6[%dma_start3A_928, %dma_start3A_929] : memref<5000x16xf32, #tpu.memory_space<vmem>> -> memref<8x16xf32, #tpu.memory_space<vmem>>
    %dma_start3A_931 = arith.constant 0 : i32
    %dma_start3A_932 = tpu.memref_slice %arg8[%dma_start3A_927, %dma_start3A_931] : memref<40x128xi32, #tpu.memory_space<vmem>> -> memref<1x8xi32, #tpu.memory_space<vmem>>
    %dma_start3A_933 = tpu.memref_squeeze %dma_start3A_932 : memref<1x8xi32, #tpu.memory_space<vmem>> -> memref<8xi32, #tpu.memory_space<vmem>>
    %dma_start3A_934 = arith.constant 0 : i32
    %dma_start3A_935 = arith.constant 0 : i32
    %dma_start3A_936 = tpu.memref_slice %arg9[%dma_start3A_934, %dma_start3A_935] : memref<10240x16xf32, #tpu.memory_space<vmem_shared>> -> memref<10240x16xf32, #tpu.memory_space<vmem_shared>>
    tpu.enqueue_indirect_dma source(%dma_start3A_930 : memref<8x16xf32, #tpu.memory_space<vmem>>) target(%dma_start3A_936 : memref<10240x16xf32, #tpu.memory_space<vmem_shared>>) offsets(%dma_start3A_933 : memref<8xi32, #tpu.memory_space<vmem>>) semaphore(%arg12 : memref<!tpu.dma_semaphore, #tpu.memory_space<semaphore_mem>>) {add = true}
    %dma_wait3A_937 = arith.constant 0 : i32
    %dma_wait3A_938 = arith.constant 0 : i32
    %dma_wait3A_939 = arith.constant 0 : i32
    %dma_wait3A_940 = tpu.memref_slice %arg6[%dma_wait3A_938, %dma_wait3A_939] : memref<5000x16xf32, #tpu.memory_space<vmem>> -> memref<128x16xf32, #tpu.memory_space<vmem>>
    %dma_wait3A_941 = arith.constant 0 : i32
    %dma_wait3A_942 = tpu.memref_slice %arg8[%dma_wait3A_937, %dma_wait3A_941] : memref<40x128xi32, #tpu.memory_space<vmem>> -> memref<1x128xi32, #tpu.memory_space<vmem>>
    %dma_wait3A_943 = tpu.memref_squeeze %dma_wait3A_942 : memref<1x128xi32, #tpu.memory_space<vmem>> -> memref<128xi32, #tpu.memory_space<vmem>>
    %dma_wait3A_944 = arith.constant 0 : i32
    %dma_wait3A_945 = arith.constant 0 : i32
    %dma_wait3A_946 = tpu.memref_slice %arg9[%dma_wait3A_944, %dma_wait3A_945] : memref<10240x16xf32, #tpu.memory_space<vmem_shared>> -> memref<10240x16xf32, #tpu.memory_space<vmem_shared>>
    tpu.wait_indirect_dma semaphore(%arg12 : memref<!tpu.dma_semaphore, #tpu.memory_space<semaphore_mem>>) src(%dma_wait3A_940 : memref<128x16xf32, #tpu.memory_space<vmem>>) dst(%dma_wait3A_946 : memref<10240x16xf32, #tpu.memory_space<vmem_shared>>)
    %dma_wait3A_947 = arith.constant 1 : i32
    %dma_wait3A_948 = arith.constant 128 : i32
    %dma_wait3A_949 = arith.constant 0 : i32
    %dma_wait3A_950 = tpu.memref_slice %arg6[%dma_wait3A_948, %dma_wait3A_949] : memref<5000x16xf32, #tpu.memory_space<vmem>> -> memref<128x16xf32, #tpu.memory_space<vmem>>
    %dma_wait3A_951 = arith.constant 0 : i32
    %dma_wait3A_952 = tpu.memref_slice %arg8[%dma_wait3A_947, %dma_wait3A_951] : memref<40x128xi32, #tpu.memory_space<vmem>> -> memref<1x128xi32, #tpu.memory_space<vmem>>
    %dma_wait3A_953 = tpu.memref_squeeze %dma_wait3A_952 : memref<1x128xi32, #tpu.memory_space<vmem>> -> memref<128xi32, #tpu.memory_space<vmem>>
    %dma_wait3A_954 = arith.constant 0 : i32
    %dma_wait3A_955 = arith.constant 0 : i32
    %dma_wait3A_956 = tpu.memref_slice %arg9[%dma_wait3A_954, %dma_wait3A_955] : memref<10240x16xf32, #tpu.memory_space<vmem_shared>> -> memref<10240x16xf32, #tpu.memory_space<vmem_shared>>
    tpu.wait_indirect_dma semaphore(%arg12 : memref<!tpu.dma_semaphore, #tpu.memory_space<semaphore_mem>>) src(%dma_wait3A_950 : memref<128x16xf32, #tpu.memory_space<vmem>>) dst(%dma_wait3A_956 : memref<10240x16xf32, #tpu.memory_space<vmem_shared>>)
    %dma_wait3A_957 = arith.constant 2 : i32
    %dma_wait3A_958 = arith.constant 256 : i32
    %dma_wait3A_959 = arith.constant 0 : i32
    %dma_wait3A_960 = tpu.memref_slice %arg6[%dma_wait3A_958, %dma_wait3A_959] : memref<5000x16xf32, #tpu.memory_space<vmem>> -> memref<128x16xf32, #tpu.memory_space<vmem>>
    %dma_wait3A_961 = arith.constant 0 : i32
    %dma_wait3A_962 = tpu.memref_slice %arg8[%dma_wait3A_957, %dma_wait3A_961] : memref<40x128xi32, #tpu.memory_space<vmem>> -> memref<1x128xi32, #tpu.memory_space<vmem>>
    %dma_wait3A_963 = tpu.memref_squeeze %dma_wait3A_962 : memref<1x128xi32, #tpu.memory_space<vmem>> -> memref<128xi32, #tpu.memory_space<vmem>>
    %dma_wait3A_964 = arith.constant 0 : i32
    %dma_wait3A_965 = arith.constant 0 : i32
    %dma_wait3A_966 = tpu.memref_slice %arg9[%dma_wait3A_964, %dma_wait3A_965] : memref<10240x16xf32, #tpu.memory_space<vmem_shared>> -> memref<10240x16xf32, #tpu.memory_space<vmem_shared>>
    tpu.wait_indirect_dma semaphore(%arg12 : memref<!tpu.dma_semaphore, #tpu.memory_space<semaphore_mem>>) src(%dma_wait3A_960 : memref<128x16xf32, #tpu.memory_space<vmem>>) dst(%dma_wait3A_966 : memref<10240x16xf32, #tpu.memory_space<vmem_shared>>)
    %dma_wait3A_967 = arith.constant 3 : i32
    %dma_wait3A_968 = arith.constant 384 : i32
    %dma_wait3A_969 = arith.constant 0 : i32
    %dma_wait3A_970 = tpu.memref_slice %arg6[%dma_wait3A_968, %dma_wait3A_969] : memref<5000x16xf32, #tpu.memory_space<vmem>> -> memref<128x16xf32, #tpu.memory_space<vmem>>
    %dma_wait3A_971 = arith.constant 0 : i32
    %dma_wait3A_972 = tpu.memref_slice %arg8[%dma_wait3A_967, %dma_wait3A_971] : memref<40x128xi32, #tpu.memory_space<vmem>> -> memref<1x128xi32, #tpu.memory_space<vmem>>
    %dma_wait3A_973 = tpu.memref_squeeze %dma_wait3A_972 : memref<1x128xi32, #tpu.memory_space<vmem>> -> memref<128xi32, #tpu.memory_space<vmem>>
    %dma_wait3A_974 = arith.constant 0 : i32
    %dma_wait3A_975 = arith.constant 0 : i32
    %dma_wait3A_976 = tpu.memref_slice %arg9[%dma_wait3A_974, %dma_wait3A_975] : memref<10240x16xf32, #tpu.memory_space<vmem_shared>> -> memref<10240x16xf32, #tpu.memory_space<vmem_shared>>
    tpu.wait_indirect_dma semaphore(%arg12 : memref<!tpu.dma_semaphore, #tpu.memory_space<semaphore_mem>>) src(%dma_wait3A_970 : memref<128x16xf32, #tpu.memory_space<vmem>>) dst(%dma_wait3A_976 : memref<10240x16xf32, #tpu.memory_space<vmem_shared>>)
    %dma_wait3A_977 = arith.constant 4 : i32
    %dma_wait3A_978 = arith.constant 512 : i32
    %dma_wait3A_979 = arith.constant 0 : i32
    %dma_wait3A_980 = tpu.memref_slice %arg6[%dma_wait3A_978, %dma_wait3A_979] : memref<5000x16xf32, #tpu.memory_space<vmem>> -> memref<128x16xf32, #tpu.memory_space<vmem>>
    %dma_wait3A_981 = arith.constant 0 : i32
    %dma_wait3A_982 = tpu.memref_slice %arg8[%dma_wait3A_977, %dma_wait3A_981] : memref<40x128xi32, #tpu.memory_space<vmem>> -> memref<1x128xi32, #tpu.memory_space<vmem>>
    %dma_wait3A_983 = tpu.memref_squeeze %dma_wait3A_982 : memref<1x128xi32, #tpu.memory_space<vmem>> -> memref<128xi32, #tpu.memory_space<vmem>>
    %dma_wait3A_984 = arith.constant 0 : i32
    %dma_wait3A_985 = arith.constant 0 : i32
    %dma_wait3A_986 = tpu.memref_slice %arg9[%dma_wait3A_984, %dma_wait3A_985] : memref<10240x16xf32, #tpu.memory_space<vmem_shared>> -> memref<10240x16xf32, #tpu.memory_space<vmem_shared>>
    tpu.wait_indirect_dma semaphore(%arg12 : memref<!tpu.dma_semaphore, #tpu.memory_space<semaphore_mem>>) src(%dma_wait3A_980 : memref<128x16xf32, #tpu.memory_space<vmem>>) dst(%dma_wait3A_986 : memref<10240x16xf32, #tpu.memory_space<vmem_shared>>)
    %dma_wait3A_987 = arith.constant 5 : i32
    %dma_wait3A_988 = arith.constant 640 : i32
    %dma_wait3A_989 = arith.constant 0 : i32
    %dma_wait3A_990 = tpu.memref_slice %arg6[%dma_wait3A_988, %dma_wait3A_989] : memref<5000x16xf32, #tpu.memory_space<vmem>> -> memref<128x16xf32, #tpu.memory_space<vmem>>
    %dma_wait3A_991 = arith.constant 0 : i32
    %dma_wait3A_992 = tpu.memref_slice %arg8[%dma_wait3A_987, %dma_wait3A_991] : memref<40x128xi32, #tpu.memory_space<vmem>> -> memref<1x128xi32, #tpu.memory_space<vmem>>
    %dma_wait3A_993 = tpu.memref_squeeze %dma_wait3A_992 : memref<1x128xi32, #tpu.memory_space<vmem>> -> memref<128xi32, #tpu.memory_space<vmem>>
    %dma_wait3A_994 = arith.constant 0 : i32
    %dma_wait3A_995 = arith.constant 0 : i32
    %dma_wait3A_996 = tpu.memref_slice %arg9[%dma_wait3A_994, %dma_wait3A_995] : memref<10240x16xf32, #tpu.memory_space<vmem_shared>> -> memref<10240x16xf32, #tpu.memory_space<vmem_shared>>
    tpu.wait_indirect_dma semaphore(%arg12 : memref<!tpu.dma_semaphore, #tpu.memory_space<semaphore_mem>>) src(%dma_wait3A_990 : memref<128x16xf32, #tpu.memory_space<vmem>>) dst(%dma_wait3A_996 : memref<10240x16xf32, #tpu.memory_space<vmem_shared>>)
    %dma_wait3A_997 = arith.constant 6 : i32
    %dma_wait3A_998 = arith.constant 768 : i32
    %dma_wait3A_999 = arith.constant 0 : i32
    %dma_wait3A_1000 = tpu.memref_slice %arg6[%dma_wait3A_998, %dma_wait3A_999] : memref<5000x16xf32, #tpu.memory_space<vmem>> -> memref<128x16xf32, #tpu.memory_space<vmem>>
    %dma_wait3A_1001 = arith.constant 0 : i32
    %dma_wait3A_1002 = tpu.memref_slice %arg8[%dma_wait3A_997, %dma_wait3A_1001] : memref<40x128xi32, #tpu.memory_space<vmem>> -> memref<1x128xi32, #tpu.memory_space<vmem>>
    %dma_wait3A_1003 = tpu.memref_squeeze %dma_wait3A_1002 : memref<1x128xi32, #tpu.memory_space<vmem>> -> memref<128xi32, #tpu.memory_space<vmem>>
    %dma_wait3A_1004 = arith.constant 0 : i32
    %dma_wait3A_1005 = arith.constant 0 : i32
    %dma_wait3A_1006 = tpu.memref_slice %arg9[%dma_wait3A_1004, %dma_wait3A_1005] : memref<10240x16xf32, #tpu.memory_space<vmem_shared>> -> memref<10240x16xf32, #tpu.memory_space<vmem_shared>>
    tpu.wait_indirect_dma semaphore(%arg12 : memref<!tpu.dma_semaphore, #tpu.memory_space<semaphore_mem>>) src(%dma_wait3A_1000 : memref<128x16xf32, #tpu.memory_space<vmem>>) dst(%dma_wait3A_1006 : memref<10240x16xf32, #tpu.memory_space<vmem_shared>>)
    %dma_wait3A_1007 = arith.constant 7 : i32
    %dma_wait3A_1008 = arith.constant 896 : i32
    %dma_wait3A_1009 = arith.constant 0 : i32
    %dma_wait3A_1010 = tpu.memref_slice %arg6[%dma_wait3A_1008, %dma_wait3A_1009] : memref<5000x16xf32, #tpu.memory_space<vmem>> -> memref<128x16xf32, #tpu.memory_space<vmem>>
    %dma_wait3A_1011 = arith.constant 0 : i32
    %dma_wait3A_1012 = tpu.memref_slice %arg8[%dma_wait3A_1007, %dma_wait3A_1011] : memref<40x128xi32, #tpu.memory_space<vmem>> -> memref<1x128xi32, #tpu.memory_space<vmem>>
    %dma_wait3A_1013 = tpu.memref_squeeze %dma_wait3A_1012 : memref<1x128xi32, #tpu.memory_space<vmem>> -> memref<128xi32, #tpu.memory_space<vmem>>
    %dma_wait3A_1014 = arith.constant 0 : i32
    %dma_wait3A_1015 = arith.constant 0 : i32
    %dma_wait3A_1016 = tpu.memref_slice %arg9[%dma_wait3A_1014, %dma_wait3A_1015] : memref<10240x16xf32, #tpu.memory_space<vmem_shared>> -> memref<10240x16xf32, #tpu.memory_space<vmem_shared>>
    tpu.wait_indirect_dma semaphore(%arg12 : memref<!tpu.dma_semaphore, #tpu.memory_space<semaphore_mem>>) src(%dma_wait3A_1010 : memref<128x16xf32, #tpu.memory_space<vmem>>) dst(%dma_wait3A_1016 : memref<10240x16xf32, #tpu.memory_space<vmem_shared>>)
    %dma_wait3A_1017 = arith.constant 8 : i32
    %dma_wait3A_1018 = arith.constant 1024 : i32
    %dma_wait3A_1019 = arith.constant 0 : i32
    %dma_wait3A_1020 = tpu.memref_slice %arg6[%dma_wait3A_1018, %dma_wait3A_1019] : memref<5000x16xf32, #tpu.memory_space<vmem>> -> memref<128x16xf32, #tpu.memory_space<vmem>>
    %dma_wait3A_1021 = arith.constant 0 : i32
    %dma_wait3A_1022 = tpu.memref_slice %arg8[%dma_wait3A_1017, %dma_wait3A_1021] : memref<40x128xi32, #tpu.memory_space<vmem>> -> memref<1x128xi32, #tpu.memory_space<vmem>>
    %dma_wait3A_1023 = tpu.memref_squeeze %dma_wait3A_1022 : memref<1x128xi32, #tpu.memory_space<vmem>> -> memref<128xi32, #tpu.memory_space<vmem>>
    %dma_wait3A_1024 = arith.constant 0 : i32
    %dma_wait3A_1025 = arith.constant 0 : i32
    %dma_wait3A_1026 = tpu.memref_slice %arg9[%dma_wait3A_1024, %dma_wait3A_1025] : memref<10240x16xf32, #tpu.memory_space<vmem_shared>> -> memref<10240x16xf32, #tpu.memory_space<vmem_shared>>
    tpu.wait_indirect_dma semaphore(%arg12 : memref<!tpu.dma_semaphore, #tpu.memory_space<semaphore_mem>>) src(%dma_wait3A_1020 : memref<128x16xf32, #tpu.memory_space<vmem>>) dst(%dma_wait3A_1026 : memref<10240x16xf32, #tpu.memory_space<vmem_shared>>)
    %dma_wait3A_1027 = arith.constant 9 : i32
    %dma_wait3A_1028 = arith.constant 1152 : i32
    %dma_wait3A_1029 = arith.constant 0 : i32
    %dma_wait3A_1030 = tpu.memref_slice %arg6[%dma_wait3A_1028, %dma_wait3A_1029] : memref<5000x16xf32, #tpu.memory_space<vmem>> -> memref<128x16xf32, #tpu.memory_space<vmem>>
    %dma_wait3A_1031 = arith.constant 0 : i32
    %dma_wait3A_1032 = tpu.memref_slice %arg8[%dma_wait3A_1027, %dma_wait3A_1031] : memref<40x128xi32, #tpu.memory_space<vmem>> -> memref<1x128xi32, #tpu.memory_space<vmem>>
    %dma_wait3A_1033 = tpu.memref_squeeze %dma_wait3A_1032 : memref<1x128xi32, #tpu.memory_space<vmem>> -> memref<128xi32, #tpu.memory_space<vmem>>
    %dma_wait3A_1034 = arith.constant 0 : i32
    %dma_wait3A_1035 = arith.constant 0 : i32
    %dma_wait3A_1036 = tpu.memref_slice %arg9[%dma_wait3A_1034, %dma_wait3A_1035] : memref<10240x16xf32, #tpu.memory_space<vmem_shared>> -> memref<10240x16xf32, #tpu.memory_space<vmem_shared>>
    tpu.wait_indirect_dma semaphore(%arg12 : memref<!tpu.dma_semaphore, #tpu.memory_space<semaphore_mem>>) src(%dma_wait3A_1030 : memref<128x16xf32, #tpu.memory_space<vmem>>) dst(%dma_wait3A_1036 : memref<10240x16xf32, #tpu.memory_space<vmem_shared>>)
    %dma_wait3A_1037 = arith.constant 10 : i32
    %dma_wait3A_1038 = arith.constant 1280 : i32
    %dma_wait3A_1039 = arith.constant 0 : i32
    %dma_wait3A_1040 = tpu.memref_slice %arg6[%dma_wait3A_1038, %dma_wait3A_1039] : memref<5000x16xf32, #tpu.memory_space<vmem>> -> memref<128x16xf32, #tpu.memory_space<vmem>>
    %dma_wait3A_1041 = arith.constant 0 : i32
    %dma_wait3A_1042 = tpu.memref_slice %arg8[%dma_wait3A_1037, %dma_wait3A_1041] : memref<40x128xi32, #tpu.memory_space<vmem>> -> memref<1x128xi32, #tpu.memory_space<vmem>>
    %dma_wait3A_1043 = tpu.memref_squeeze %dma_wait3A_1042 : memref<1x128xi32, #tpu.memory_space<vmem>> -> memref<128xi32, #tpu.memory_space<vmem>>
    %dma_wait3A_1044 = arith.constant 0 : i32
    %dma_wait3A_1045 = arith.constant 0 : i32
    %dma_wait3A_1046 = tpu.memref_slice %arg9[%dma_wait3A_1044, %dma_wait3A_1045] : memref<10240x16xf32, #tpu.memory_space<vmem_shared>> -> memref<10240x16xf32, #tpu.memory_space<vmem_shared>>
    tpu.wait_indirect_dma semaphore(%arg12 : memref<!tpu.dma_semaphore, #tpu.memory_space<semaphore_mem>>) src(%dma_wait3A_1040 : memref<128x16xf32, #tpu.memory_space<vmem>>) dst(%dma_wait3A_1046 : memref<10240x16xf32, #tpu.memory_space<vmem_shared>>)
    %dma_wait3A_1047 = arith.constant 11 : i32
    %dma_wait3A_1048 = arith.constant 1408 : i32
    %dma_wait3A_1049 = arith.constant 0 : i32
    %dma_wait3A_1050 = tpu.memref_slice %arg6[%dma_wait3A_1048, %dma_wait3A_1049] : memref<5000x16xf32, #tpu.memory_space<vmem>> -> memref<128x16xf32, #tpu.memory_space<vmem>>
    %dma_wait3A_1051 = arith.constant 0 : i32
    %dma_wait3A_1052 = tpu.memref_slice %arg8[%dma_wait3A_1047, %dma_wait3A_1051] : memref<40x128xi32, #tpu.memory_space<vmem>> -> memref<1x128xi32, #tpu.memory_space<vmem>>
    %dma_wait3A_1053 = tpu.memref_squeeze %dma_wait3A_1052 : memref<1x128xi32, #tpu.memory_space<vmem>> -> memref<128xi32, #tpu.memory_space<vmem>>
    %dma_wait3A_1054 = arith.constant 0 : i32
    %dma_wait3A_1055 = arith.constant 0 : i32
    %dma_wait3A_1056 = tpu.memref_slice %arg9[%dma_wait3A_1054, %dma_wait3A_1055] : memref<10240x16xf32, #tpu.memory_space<vmem_shared>> -> memref<10240x16xf32, #tpu.memory_space<vmem_shared>>
    tpu.wait_indirect_dma semaphore(%arg12 : memref<!tpu.dma_semaphore, #tpu.memory_space<semaphore_mem>>) src(%dma_wait3A_1050 : memref<128x16xf32, #tpu.memory_space<vmem>>) dst(%dma_wait3A_1056 : memref<10240x16xf32, #tpu.memory_space<vmem_shared>>)
    %dma_wait3A_1057 = arith.constant 12 : i32
    %dma_wait3A_1058 = arith.constant 1536 : i32
    %dma_wait3A_1059 = arith.constant 0 : i32
    %dma_wait3A_1060 = tpu.memref_slice %arg6[%dma_wait3A_1058, %dma_wait3A_1059] : memref<5000x16xf32, #tpu.memory_space<vmem>> -> memref<128x16xf32, #tpu.memory_space<vmem>>
    %dma_wait3A_1061 = arith.constant 0 : i32
    %dma_wait3A_1062 = tpu.memref_slice %arg8[%dma_wait3A_1057, %dma_wait3A_1061] : memref<40x128xi32, #tpu.memory_space<vmem>> -> memref<1x128xi32, #tpu.memory_space<vmem>>
    %dma_wait3A_1063 = tpu.memref_squeeze %dma_wait3A_1062 : memref<1x128xi32, #tpu.memory_space<vmem>> -> memref<128xi32, #tpu.memory_space<vmem>>
    %dma_wait3A_1064 = arith.constant 0 : i32
    %dma_wait3A_1065 = arith.constant 0 : i32
    %dma_wait3A_1066 = tpu.memref_slice %arg9[%dma_wait3A_1064, %dma_wait3A_1065] : memref<10240x16xf32, #tpu.memory_space<vmem_shared>> -> memref<10240x16xf32, #tpu.memory_space<vmem_shared>>
    tpu.wait_indirect_dma semaphore(%arg12 : memref<!tpu.dma_semaphore, #tpu.memory_space<semaphore_mem>>) src(%dma_wait3A_1060 : memref<128x16xf32, #tpu.memory_space<vmem>>) dst(%dma_wait3A_1066 : memref<10240x16xf32, #tpu.memory_space<vmem_shared>>)
    %dma_wait3A_1067 = arith.constant 13 : i32
    %dma_wait3A_1068 = arith.constant 1664 : i32
    %dma_wait3A_1069 = arith.constant 0 : i32
    %dma_wait3A_1070 = tpu.memref_slice %arg6[%dma_wait3A_1068, %dma_wait3A_1069] : memref<5000x16xf32, #tpu.memory_space<vmem>> -> memref<128x16xf32, #tpu.memory_space<vmem>>
    %dma_wait3A_1071 = arith.constant 0 : i32
    %dma_wait3A_1072 = tpu.memref_slice %arg8[%dma_wait3A_1067, %dma_wait3A_1071] : memref<40x128xi32, #tpu.memory_space<vmem>> -> memref<1x128xi32, #tpu.memory_space<vmem>>
    %dma_wait3A_1073 = tpu.memref_squeeze %dma_wait3A_1072 : memref<1x128xi32, #tpu.memory_space<vmem>> -> memref<128xi32, #tpu.memory_space<vmem>>
    %dma_wait3A_1074 = arith.constant 0 : i32
    %dma_wait3A_1075 = arith.constant 0 : i32
    %dma_wait3A_1076 = tpu.memref_slice %arg9[%dma_wait3A_1074, %dma_wait3A_1075] : memref<10240x16xf32, #tpu.memory_space<vmem_shared>> -> memref<10240x16xf32, #tpu.memory_space<vmem_shared>>
    tpu.wait_indirect_dma semaphore(%arg12 : memref<!tpu.dma_semaphore, #tpu.memory_space<semaphore_mem>>) src(%dma_wait3A_1070 : memref<128x16xf32, #tpu.memory_space<vmem>>) dst(%dma_wait3A_1076 : memref<10240x16xf32, #tpu.memory_space<vmem_shared>>)
    %dma_wait3A_1077 = arith.constant 14 : i32
    %dma_wait3A_1078 = arith.constant 1792 : i32
    %dma_wait3A_1079 = arith.constant 0 : i32
    %dma_wait3A_1080 = tpu.memref_slice %arg6[%dma_wait3A_1078, %dma_wait3A_1079] : memref<5000x16xf32, #tpu.memory_space<vmem>> -> memref<128x16xf32, #tpu.memory_space<vmem>>
    %dma_wait3A_1081 = arith.constant 0 : i32
    %dma_wait3A_1082 = tpu.memref_slice %arg8[%dma_wait3A_1077, %dma_wait3A_1081] : memref<40x128xi32, #tpu.memory_space<vmem>> -> memref<1x128xi32, #tpu.memory_space<vmem>>
    %dma_wait3A_1083 = tpu.memref_squeeze %dma_wait3A_1082 : memref<1x128xi32, #tpu.memory_space<vmem>> -> memref<128xi32, #tpu.memory_space<vmem>>
    %dma_wait3A_1084 = arith.constant 0 : i32
    %dma_wait3A_1085 = arith.constant 0 : i32
    %dma_wait3A_1086 = tpu.memref_slice %arg9[%dma_wait3A_1084, %dma_wait3A_1085] : memref<10240x16xf32, #tpu.memory_space<vmem_shared>> -> memref<10240x16xf32, #tpu.memory_space<vmem_shared>>
    tpu.wait_indirect_dma semaphore(%arg12 : memref<!tpu.dma_semaphore, #tpu.memory_space<semaphore_mem>>) src(%dma_wait3A_1080 : memref<128x16xf32, #tpu.memory_space<vmem>>) dst(%dma_wait3A_1086 : memref<10240x16xf32, #tpu.memory_space<vmem_shared>>)
    %dma_wait3A_1087 = arith.constant 15 : i32
    %dma_wait3A_1088 = arith.constant 1920 : i32
    %dma_wait3A_1089 = arith.constant 0 : i32
    %dma_wait3A_1090 = tpu.memref_slice %arg6[%dma_wait3A_1088, %dma_wait3A_1089] : memref<5000x16xf32, #tpu.memory_space<vmem>> -> memref<128x16xf32, #tpu.memory_space<vmem>>
    %dma_wait3A_1091 = arith.constant 0 : i32
    %dma_wait3A_1092 = tpu.memref_slice %arg8[%dma_wait3A_1087, %dma_wait3A_1091] : memref<40x128xi32, #tpu.memory_space<vmem>> -> memref<1x128xi32, #tpu.memory_space<vmem>>
    %dma_wait3A_1093 = tpu.memref_squeeze %dma_wait3A_1092 : memref<1x128xi32, #tpu.memory_space<vmem>> -> memref<128xi32, #tpu.memory_space<vmem>>
    %dma_wait3A_1094 = arith.constant 0 : i32
    %dma_wait3A_1095 = arith.constant 0 : i32
    %dma_wait3A_1096 = tpu.memref_slice %arg9[%dma_wait3A_1094, %dma_wait3A_1095] : memref<10240x16xf32, #tpu.memory_space<vmem_shared>> -> memref<10240x16xf32, #tpu.memory_space<vmem_shared>>
    tpu.wait_indirect_dma semaphore(%arg12 : memref<!tpu.dma_semaphore, #tpu.memory_space<semaphore_mem>>) src(%dma_wait3A_1090 : memref<128x16xf32, #tpu.memory_space<vmem>>) dst(%dma_wait3A_1096 : memref<10240x16xf32, #tpu.memory_space<vmem_shared>>)
    %dma_wait3A_1097 = arith.constant 16 : i32
    %dma_wait3A_1098 = arith.constant 2048 : i32
    %dma_wait3A_1099 = arith.constant 0 : i32
    %dma_wait3A_1100 = tpu.memref_slice %arg6[%dma_wait3A_1098, %dma_wait3A_1099] : memref<5000x16xf32, #tpu.memory_space<vmem>> -> memref<128x16xf32, #tpu.memory_space<vmem>>
    %dma_wait3A_1101 = arith.constant 0 : i32
    %dma_wait3A_1102 = tpu.memref_slice %arg8[%dma_wait3A_1097, %dma_wait3A_1101] : memref<40x128xi32, #tpu.memory_space<vmem>> -> memref<1x128xi32, #tpu.memory_space<vmem>>
    %dma_wait3A_1103 = tpu.memref_squeeze %dma_wait3A_1102 : memref<1x128xi32, #tpu.memory_space<vmem>> -> memref<128xi32, #tpu.memory_space<vmem>>
    %dma_wait3A_1104 = arith.constant 0 : i32
    %dma_wait3A_1105 = arith.constant 0 : i32
    %dma_wait3A_1106 = tpu.memref_slice %arg9[%dma_wait3A_1104, %dma_wait3A_1105] : memref<10240x16xf32, #tpu.memory_space<vmem_shared>> -> memref<10240x16xf32, #tpu.memory_space<vmem_shared>>
    tpu.wait_indirect_dma semaphore(%arg12 : memref<!tpu.dma_semaphore, #tpu.memory_space<semaphore_mem>>) src(%dma_wait3A_1100 : memref<128x16xf32, #tpu.memory_space<vmem>>) dst(%dma_wait3A_1106 : memref<10240x16xf32, #tpu.memory_space<vmem_shared>>)
    %dma_wait3A_1107 = arith.constant 17 : i32
    %dma_wait3A_1108 = arith.constant 2176 : i32
    %dma_wait3A_1109 = arith.constant 0 : i32
    %dma_wait3A_1110 = tpu.memref_slice %arg6[%dma_wait3A_1108, %dma_wait3A_1109] : memref<5000x16xf32, #tpu.memory_space<vmem>> -> memref<128x16xf32, #tpu.memory_space<vmem>>
    %dma_wait3A_1111 = arith.constant 0 : i32
    %dma_wait3A_1112 = tpu.memref_slice %arg8[%dma_wait3A_1107, %dma_wait3A_1111] : memref<40x128xi32, #tpu.memory_space<vmem>> -> memref<1x128xi32, #tpu.memory_space<vmem>>
    %dma_wait3A_1113 = tpu.memref_squeeze %dma_wait3A_1112 : memref<1x128xi32, #tpu.memory_space<vmem>> -> memref<128xi32, #tpu.memory_space<vmem>>
    %dma_wait3A_1114 = arith.constant 0 : i32
    %dma_wait3A_1115 = arith.constant 0 : i32
    %dma_wait3A_1116 = tpu.memref_slice %arg9[%dma_wait3A_1114, %dma_wait3A_1115] : memref<10240x16xf32, #tpu.memory_space<vmem_shared>> -> memref<10240x16xf32, #tpu.memory_space<vmem_shared>>
    tpu.wait_indirect_dma semaphore(%arg12 : memref<!tpu.dma_semaphore, #tpu.memory_space<semaphore_mem>>) src(%dma_wait3A_1110 : memref<128x16xf32, #tpu.memory_space<vmem>>) dst(%dma_wait3A_1116 : memref<10240x16xf32, #tpu.memory_space<vmem_shared>>)
    %dma_wait3A_1117 = arith.constant 18 : i32
    %dma_wait3A_1118 = arith.constant 2304 : i32
    %dma_wait3A_1119 = arith.constant 0 : i32
    %dma_wait3A_1120 = tpu.memref_slice %arg6[%dma_wait3A_1118, %dma_wait3A_1119] : memref<5000x16xf32, #tpu.memory_space<vmem>> -> memref<128x16xf32, #tpu.memory_space<vmem>>
    %dma_wait3A_1121 = arith.constant 0 : i32
    %dma_wait3A_1122 = tpu.memref_slice %arg8[%dma_wait3A_1117, %dma_wait3A_1121] : memref<40x128xi32, #tpu.memory_space<vmem>> -> memref<1x128xi32, #tpu.memory_space<vmem>>
    %dma_wait3A_1123 = tpu.memref_squeeze %dma_wait3A_1122 : memref<1x128xi32, #tpu.memory_space<vmem>> -> memref<128xi32, #tpu.memory_space<vmem>>
    %dma_wait3A_1124 = arith.constant 0 : i32
    %dma_wait3A_1125 = arith.constant 0 : i32
    %dma_wait3A_1126 = tpu.memref_slice %arg9[%dma_wait3A_1124, %dma_wait3A_1125] : memref<10240x16xf32, #tpu.memory_space<vmem_shared>> -> memref<10240x16xf32, #tpu.memory_space<vmem_shared>>
    tpu.wait_indirect_dma semaphore(%arg12 : memref<!tpu.dma_semaphore, #tpu.memory_space<semaphore_mem>>) src(%dma_wait3A_1120 : memref<128x16xf32, #tpu.memory_space<vmem>>) dst(%dma_wait3A_1126 : memref<10240x16xf32, #tpu.memory_space<vmem_shared>>)
    %dma_wait3A_1127 = arith.constant 19 : i32
    %dma_wait3A_1128 = arith.constant 2432 : i32
    %dma_wait3A_1129 = arith.constant 0 : i32
    %dma_wait3A_1130 = tpu.memref_slice %arg6[%dma_wait3A_1128, %dma_wait3A_1129] : memref<5000x16xf32, #tpu.memory_space<vmem>> -> memref<128x16xf32, #tpu.memory_space<vmem>>
    %dma_wait3A_1131 = arith.constant 0 : i32
    %dma_wait3A_1132 = tpu.memref_slice %arg8[%dma_wait3A_1127, %dma_wait3A_1131] : memref<40x128xi32, #tpu.memory_space<vmem>> -> memref<1x128xi32, #tpu.memory_space<vmem>>
    %dma_wait3A_1133 = tpu.memref_squeeze %dma_wait3A_1132 : memref<1x128xi32, #tpu.memory_space<vmem>> -> memref<128xi32, #tpu.memory_space<vmem>>
    %dma_wait3A_1134 = arith.constant 0 : i32
    %dma_wait3A_1135 = arith.constant 0 : i32
    %dma_wait3A_1136 = tpu.memref_slice %arg9[%dma_wait3A_1134, %dma_wait3A_1135] : memref<10240x16xf32, #tpu.memory_space<vmem_shared>> -> memref<10240x16xf32, #tpu.memory_space<vmem_shared>>
    tpu.wait_indirect_dma semaphore(%arg12 : memref<!tpu.dma_semaphore, #tpu.memory_space<semaphore_mem>>) src(%dma_wait3A_1130 : memref<128x16xf32, #tpu.memory_space<vmem>>) dst(%dma_wait3A_1136 : memref<10240x16xf32, #tpu.memory_space<vmem_shared>>)
    %dma_wait3A_1137 = arith.constant 20 : i32
    %dma_wait3A_1138 = arith.constant 2560 : i32
    %dma_wait3A_1139 = arith.constant 0 : i32
    %dma_wait3A_1140 = tpu.memref_slice %arg6[%dma_wait3A_1138, %dma_wait3A_1139] : memref<5000x16xf32, #tpu.memory_space<vmem>> -> memref<128x16xf32, #tpu.memory_space<vmem>>
    %dma_wait3A_1141 = arith.constant 0 : i32
    %dma_wait3A_1142 = tpu.memref_slice %arg8[%dma_wait3A_1137, %dma_wait3A_1141] : memref<40x128xi32, #tpu.memory_space<vmem>> -> memref<1x128xi32, #tpu.memory_space<vmem>>
    %dma_wait3A_1143 = tpu.memref_squeeze %dma_wait3A_1142 : memref<1x128xi32, #tpu.memory_space<vmem>> -> memref<128xi32, #tpu.memory_space<vmem>>
    %dma_wait3A_1144 = arith.constant 0 : i32
    %dma_wait3A_1145 = arith.constant 0 : i32
    %dma_wait3A_1146 = tpu.memref_slice %arg9[%dma_wait3A_1144, %dma_wait3A_1145] : memref<10240x16xf32, #tpu.memory_space<vmem_shared>> -> memref<10240x16xf32, #tpu.memory_space<vmem_shared>>
    tpu.wait_indirect_dma semaphore(%arg12 : memref<!tpu.dma_semaphore, #tpu.memory_space<semaphore_mem>>) src(%dma_wait3A_1140 : memref<128x16xf32, #tpu.memory_space<vmem>>) dst(%dma_wait3A_1146 : memref<10240x16xf32, #tpu.memory_space<vmem_shared>>)
    %dma_wait3A_1147 = arith.constant 21 : i32
    %dma_wait3A_1148 = arith.constant 2688 : i32
    %dma_wait3A_1149 = arith.constant 0 : i32
    %dma_wait3A_1150 = tpu.memref_slice %arg6[%dma_wait3A_1148, %dma_wait3A_1149] : memref<5000x16xf32, #tpu.memory_space<vmem>> -> memref<128x16xf32, #tpu.memory_space<vmem>>
    %dma_wait3A_1151 = arith.constant 0 : i32
    %dma_wait3A_1152 = tpu.memref_slice %arg8[%dma_wait3A_1147, %dma_wait3A_1151] : memref<40x128xi32, #tpu.memory_space<vmem>> -> memref<1x128xi32, #tpu.memory_space<vmem>>
    %dma_wait3A_1153 = tpu.memref_squeeze %dma_wait3A_1152 : memref<1x128xi32, #tpu.memory_space<vmem>> -> memref<128xi32, #tpu.memory_space<vmem>>
    %dma_wait3A_1154 = arith.constant 0 : i32
    %dma_wait3A_1155 = arith.constant 0 : i32
    %dma_wait3A_1156 = tpu.memref_slice %arg9[%dma_wait3A_1154, %dma_wait3A_1155] : memref<10240x16xf32, #tpu.memory_space<vmem_shared>> -> memref<10240x16xf32, #tpu.memory_space<vmem_shared>>
    tpu.wait_indirect_dma semaphore(%arg12 : memref<!tpu.dma_semaphore, #tpu.memory_space<semaphore_mem>>) src(%dma_wait3A_1150 : memref<128x16xf32, #tpu.memory_space<vmem>>) dst(%dma_wait3A_1156 : memref<10240x16xf32, #tpu.memory_space<vmem_shared>>)
    %dma_wait3A_1157 = arith.constant 22 : i32
    %dma_wait3A_1158 = arith.constant 2816 : i32
    %dma_wait3A_1159 = arith.constant 0 : i32
    %dma_wait3A_1160 = tpu.memref_slice %arg6[%dma_wait3A_1158, %dma_wait3A_1159] : memref<5000x16xf32, #tpu.memory_space<vmem>> -> memref<128x16xf32, #tpu.memory_space<vmem>>
    %dma_wait3A_1161 = arith.constant 0 : i32
    %dma_wait3A_1162 = tpu.memref_slice %arg8[%dma_wait3A_1157, %dma_wait3A_1161] : memref<40x128xi32, #tpu.memory_space<vmem>> -> memref<1x128xi32, #tpu.memory_space<vmem>>
    %dma_wait3A_1163 = tpu.memref_squeeze %dma_wait3A_1162 : memref<1x128xi32, #tpu.memory_space<vmem>> -> memref<128xi32, #tpu.memory_space<vmem>>
    %dma_wait3A_1164 = arith.constant 0 : i32
    %dma_wait3A_1165 = arith.constant 0 : i32
    %dma_wait3A_1166 = tpu.memref_slice %arg9[%dma_wait3A_1164, %dma_wait3A_1165] : memref<10240x16xf32, #tpu.memory_space<vmem_shared>> -> memref<10240x16xf32, #tpu.memory_space<vmem_shared>>
    tpu.wait_indirect_dma semaphore(%arg12 : memref<!tpu.dma_semaphore, #tpu.memory_space<semaphore_mem>>) src(%dma_wait3A_1160 : memref<128x16xf32, #tpu.memory_space<vmem>>) dst(%dma_wait3A_1166 : memref<10240x16xf32, #tpu.memory_space<vmem_shared>>)
    %dma_wait3A_1167 = arith.constant 23 : i32
    %dma_wait3A_1168 = arith.constant 2944 : i32
    %dma_wait3A_1169 = arith.constant 0 : i32
    %dma_wait3A_1170 = tpu.memref_slice %arg6[%dma_wait3A_1168, %dma_wait3A_1169] : memref<5000x16xf32, #tpu.memory_space<vmem>> -> memref<128x16xf32, #tpu.memory_space<vmem>>
    %dma_wait3A_1171 = arith.constant 0 : i32
    %dma_wait3A_1172 = tpu.memref_slice %arg8[%dma_wait3A_1167, %dma_wait3A_1171] : memref<40x128xi32, #tpu.memory_space<vmem>> -> memref<1x128xi32, #tpu.memory_space<vmem>>
    %dma_wait3A_1173 = tpu.memref_squeeze %dma_wait3A_1172 : memref<1x128xi32, #tpu.memory_space<vmem>> -> memref<128xi32, #tpu.memory_space<vmem>>
    %dma_wait3A_1174 = arith.constant 0 : i32
    %dma_wait3A_1175 = arith.constant 0 : i32
    %dma_wait3A_1176 = tpu.memref_slice %arg9[%dma_wait3A_1174, %dma_wait3A_1175] : memref<10240x16xf32, #tpu.memory_space<vmem_shared>> -> memref<10240x16xf32, #tpu.memory_space<vmem_shared>>
    tpu.wait_indirect_dma semaphore(%arg12 : memref<!tpu.dma_semaphore, #tpu.memory_space<semaphore_mem>>) src(%dma_wait3A_1170 : memref<128x16xf32, #tpu.memory_space<vmem>>) dst(%dma_wait3A_1176 : memref<10240x16xf32, #tpu.memory_space<vmem_shared>>)
    %dma_wait3A_1177 = arith.constant 24 : i32
    %dma_wait3A_1178 = arith.constant 3072 : i32
    %dma_wait3A_1179 = arith.constant 0 : i32
    %dma_wait3A_1180 = tpu.memref_slice %arg6[%dma_wait3A_1178, %dma_wait3A_1179] : memref<5000x16xf32, #tpu.memory_space<vmem>> -> memref<128x16xf32, #tpu.memory_space<vmem>>
    %dma_wait3A_1181 = arith.constant 0 : i32
    %dma_wait3A_1182 = tpu.memref_slice %arg8[%dma_wait3A_1177, %dma_wait3A_1181] : memref<40x128xi32, #tpu.memory_space<vmem>> -> memref<1x128xi32, #tpu.memory_space<vmem>>
    %dma_wait3A_1183 = tpu.memref_squeeze %dma_wait3A_1182 : memref<1x128xi32, #tpu.memory_space<vmem>> -> memref<128xi32, #tpu.memory_space<vmem>>
    %dma_wait3A_1184 = arith.constant 0 : i32
    %dma_wait3A_1185 = arith.constant 0 : i32
    %dma_wait3A_1186 = tpu.memref_slice %arg9[%dma_wait3A_1184, %dma_wait3A_1185] : memref<10240x16xf32, #tpu.memory_space<vmem_shared>> -> memref<10240x16xf32, #tpu.memory_space<vmem_shared>>
    tpu.wait_indirect_dma semaphore(%arg12 : memref<!tpu.dma_semaphore, #tpu.memory_space<semaphore_mem>>) src(%dma_wait3A_1180 : memref<128x16xf32, #tpu.memory_space<vmem>>) dst(%dma_wait3A_1186 : memref<10240x16xf32, #tpu.memory_space<vmem_shared>>)
    %dma_wait3A_1187 = arith.constant 25 : i32
    %dma_wait3A_1188 = arith.constant 3200 : i32
    %dma_wait3A_1189 = arith.constant 0 : i32
    %dma_wait3A_1190 = tpu.memref_slice %arg6[%dma_wait3A_1188, %dma_wait3A_1189] : memref<5000x16xf32, #tpu.memory_space<vmem>> -> memref<128x16xf32, #tpu.memory_space<vmem>>
    %dma_wait3A_1191 = arith.constant 0 : i32
    %dma_wait3A_1192 = tpu.memref_slice %arg8[%dma_wait3A_1187, %dma_wait3A_1191] : memref<40x128xi32, #tpu.memory_space<vmem>> -> memref<1x128xi32, #tpu.memory_space<vmem>>
    %dma_wait3A_1193 = tpu.memref_squeeze %dma_wait3A_1192 : memref<1x128xi32, #tpu.memory_space<vmem>> -> memref<128xi32, #tpu.memory_space<vmem>>
    %dma_wait3A_1194 = arith.constant 0 : i32
    %dma_wait3A_1195 = arith.constant 0 : i32
    %dma_wait3A_1196 = tpu.memref_slice %arg9[%dma_wait3A_1194, %dma_wait3A_1195] : memref<10240x16xf32, #tpu.memory_space<vmem_shared>> -> memref<10240x16xf32, #tpu.memory_space<vmem_shared>>
    tpu.wait_indirect_dma semaphore(%arg12 : memref<!tpu.dma_semaphore, #tpu.memory_space<semaphore_mem>>) src(%dma_wait3A_1190 : memref<128x16xf32, #tpu.memory_space<vmem>>) dst(%dma_wait3A_1196 : memref<10240x16xf32, #tpu.memory_space<vmem_shared>>)
    %dma_wait3A_1197 = arith.constant 26 : i32
    %dma_wait3A_1198 = arith.constant 3328 : i32
    %dma_wait3A_1199 = arith.constant 0 : i32
    %dma_wait3A_1200 = tpu.memref_slice %arg6[%dma_wait3A_1198, %dma_wait3A_1199] : memref<5000x16xf32, #tpu.memory_space<vmem>> -> memref<128x16xf32, #tpu.memory_space<vmem>>
    %dma_wait3A_1201 = arith.constant 0 : i32
    %dma_wait3A_1202 = tpu.memref_slice %arg8[%dma_wait3A_1197, %dma_wait3A_1201] : memref<40x128xi32, #tpu.memory_space<vmem>> -> memref<1x128xi32, #tpu.memory_space<vmem>>
    %dma_wait3A_1203 = tpu.memref_squeeze %dma_wait3A_1202 : memref<1x128xi32, #tpu.memory_space<vmem>> -> memref<128xi32, #tpu.memory_space<vmem>>
    %dma_wait3A_1204 = arith.constant 0 : i32
    %dma_wait3A_1205 = arith.constant 0 : i32
    %dma_wait3A_1206 = tpu.memref_slice %arg9[%dma_wait3A_1204, %dma_wait3A_1205] : memref<10240x16xf32, #tpu.memory_space<vmem_shared>> -> memref<10240x16xf32, #tpu.memory_space<vmem_shared>>
    tpu.wait_indirect_dma semaphore(%arg12 : memref<!tpu.dma_semaphore, #tpu.memory_space<semaphore_mem>>) src(%dma_wait3A_1200 : memref<128x16xf32, #tpu.memory_space<vmem>>) dst(%dma_wait3A_1206 : memref<10240x16xf32, #tpu.memory_space<vmem_shared>>)
    %dma_wait3A_1207 = arith.constant 27 : i32
    %dma_wait3A_1208 = arith.constant 3456 : i32
    %dma_wait3A_1209 = arith.constant 0 : i32
    %dma_wait3A_1210 = tpu.memref_slice %arg6[%dma_wait3A_1208, %dma_wait3A_1209] : memref<5000x16xf32, #tpu.memory_space<vmem>> -> memref<128x16xf32, #tpu.memory_space<vmem>>
    %dma_wait3A_1211 = arith.constant 0 : i32
    %dma_wait3A_1212 = tpu.memref_slice %arg8[%dma_wait3A_1207, %dma_wait3A_1211] : memref<40x128xi32, #tpu.memory_space<vmem>> -> memref<1x128xi32, #tpu.memory_space<vmem>>
    %dma_wait3A_1213 = tpu.memref_squeeze %dma_wait3A_1212 : memref<1x128xi32, #tpu.memory_space<vmem>> -> memref<128xi32, #tpu.memory_space<vmem>>
    %dma_wait3A_1214 = arith.constant 0 : i32
    %dma_wait3A_1215 = arith.constant 0 : i32
    %dma_wait3A_1216 = tpu.memref_slice %arg9[%dma_wait3A_1214, %dma_wait3A_1215] : memref<10240x16xf32, #tpu.memory_space<vmem_shared>> -> memref<10240x16xf32, #tpu.memory_space<vmem_shared>>
    tpu.wait_indirect_dma semaphore(%arg12 : memref<!tpu.dma_semaphore, #tpu.memory_space<semaphore_mem>>) src(%dma_wait3A_1210 : memref<128x16xf32, #tpu.memory_space<vmem>>) dst(%dma_wait3A_1216 : memref<10240x16xf32, #tpu.memory_space<vmem_shared>>)
    %dma_wait3A_1217 = arith.constant 28 : i32
    %dma_wait3A_1218 = arith.constant 3584 : i32
    %dma_wait3A_1219 = arith.constant 0 : i32
    %dma_wait3A_1220 = tpu.memref_slice %arg6[%dma_wait3A_1218, %dma_wait3A_1219] : memref<5000x16xf32, #tpu.memory_space<vmem>> -> memref<128x16xf32, #tpu.memory_space<vmem>>
    %dma_wait3A_1221 = arith.constant 0 : i32
    %dma_wait3A_1222 = tpu.memref_slice %arg8[%dma_wait3A_1217, %dma_wait3A_1221] : memref<40x128xi32, #tpu.memory_space<vmem>> -> memref<1x128xi32, #tpu.memory_space<vmem>>
    %dma_wait3A_1223 = tpu.memref_squeeze %dma_wait3A_1222 : memref<1x128xi32, #tpu.memory_space<vmem>> -> memref<128xi32, #tpu.memory_space<vmem>>
    %dma_wait3A_1224 = arith.constant 0 : i32
    %dma_wait3A_1225 = arith.constant 0 : i32
    %dma_wait3A_1226 = tpu.memref_slice %arg9[%dma_wait3A_1224, %dma_wait3A_1225] : memref<10240x16xf32, #tpu.memory_space<vmem_shared>> -> memref<10240x16xf32, #tpu.memory_space<vmem_shared>>
    tpu.wait_indirect_dma semaphore(%arg12 : memref<!tpu.dma_semaphore, #tpu.memory_space<semaphore_mem>>) src(%dma_wait3A_1220 : memref<128x16xf32, #tpu.memory_space<vmem>>) dst(%dma_wait3A_1226 : memref<10240x16xf32, #tpu.memory_space<vmem_shared>>)
    %dma_wait3A_1227 = arith.constant 29 : i32
    %dma_wait3A_1228 = arith.constant 3712 : i32
    %dma_wait3A_1229 = arith.constant 0 : i32
    %dma_wait3A_1230 = tpu.memref_slice %arg6[%dma_wait3A_1228, %dma_wait3A_1229] : memref<5000x16xf32, #tpu.memory_space<vmem>> -> memref<128x16xf32, #tpu.memory_space<vmem>>
    %dma_wait3A_1231 = arith.constant 0 : i32
    %dma_wait3A_1232 = tpu.memref_slice %arg8[%dma_wait3A_1227, %dma_wait3A_1231] : memref<40x128xi32, #tpu.memory_space<vmem>> -> memref<1x128xi32, #tpu.memory_space<vmem>>
    %dma_wait3A_1233 = tpu.memref_squeeze %dma_wait3A_1232 : memref<1x128xi32, #tpu.memory_space<vmem>> -> memref<128xi32, #tpu.memory_space<vmem>>
    %dma_wait3A_1234 = arith.constant 0 : i32
    %dma_wait3A_1235 = arith.constant 0 : i32
    %dma_wait3A_1236 = tpu.memref_slice %arg9[%dma_wait3A_1234, %dma_wait3A_1235] : memref<10240x16xf32, #tpu.memory_space<vmem_shared>> -> memref<10240x16xf32, #tpu.memory_space<vmem_shared>>
    tpu.wait_indirect_dma semaphore(%arg12 : memref<!tpu.dma_semaphore, #tpu.memory_space<semaphore_mem>>) src(%dma_wait3A_1230 : memref<128x16xf32, #tpu.memory_space<vmem>>) dst(%dma_wait3A_1236 : memref<10240x16xf32, #tpu.memory_space<vmem_shared>>)
    %dma_wait3A_1237 = arith.constant 30 : i32
    %dma_wait3A_1238 = arith.constant 3840 : i32
    %dma_wait3A_1239 = arith.constant 0 : i32
    %dma_wait3A_1240 = tpu.memref_slice %arg6[%dma_wait3A_1238, %dma_wait3A_1239] : memref<5000x16xf32, #tpu.memory_space<vmem>> -> memref<128x16xf32, #tpu.memory_space<vmem>>
    %dma_wait3A_1241 = arith.constant 0 : i32
    %dma_wait3A_1242 = tpu.memref_slice %arg8[%dma_wait3A_1237, %dma_wait3A_1241] : memref<40x128xi32, #tpu.memory_space<vmem>> -> memref<1x128xi32, #tpu.memory_space<vmem>>
    %dma_wait3A_1243 = tpu.memref_squeeze %dma_wait3A_1242 : memref<1x128xi32, #tpu.memory_space<vmem>> -> memref<128xi32, #tpu.memory_space<vmem>>
    %dma_wait3A_1244 = arith.constant 0 : i32
    %dma_wait3A_1245 = arith.constant 0 : i32
    %dma_wait3A_1246 = tpu.memref_slice %arg9[%dma_wait3A_1244, %dma_wait3A_1245] : memref<10240x16xf32, #tpu.memory_space<vmem_shared>> -> memref<10240x16xf32, #tpu.memory_space<vmem_shared>>
    tpu.wait_indirect_dma semaphore(%arg12 : memref<!tpu.dma_semaphore, #tpu.memory_space<semaphore_mem>>) src(%dma_wait3A_1240 : memref<128x16xf32, #tpu.memory_space<vmem>>) dst(%dma_wait3A_1246 : memref<10240x16xf32, #tpu.memory_space<vmem_shared>>)
    %dma_wait3A_1247 = arith.constant 31 : i32
    %dma_wait3A_1248 = arith.constant 3968 : i32
    %dma_wait3A_1249 = arith.constant 0 : i32
    %dma_wait3A_1250 = tpu.memref_slice %arg6[%dma_wait3A_1248, %dma_wait3A_1249] : memref<5000x16xf32, #tpu.memory_space<vmem>> -> memref<128x16xf32, #tpu.memory_space<vmem>>
    %dma_wait3A_1251 = arith.constant 0 : i32
    %dma_wait3A_1252 = tpu.memref_slice %arg8[%dma_wait3A_1247, %dma_wait3A_1251] : memref<40x128xi32, #tpu.memory_space<vmem>> -> memref<1x128xi32, #tpu.memory_space<vmem>>
    %dma_wait3A_1253 = tpu.memref_squeeze %dma_wait3A_1252 : memref<1x128xi32, #tpu.memory_space<vmem>> -> memref<128xi32, #tpu.memory_space<vmem>>
    %dma_wait3A_1254 = arith.constant 0 : i32
    %dma_wait3A_1255 = arith.constant 0 : i32
    %dma_wait3A_1256 = tpu.memref_slice %arg9[%dma_wait3A_1254, %dma_wait3A_1255] : memref<10240x16xf32, #tpu.memory_space<vmem_shared>> -> memref<10240x16xf32, #tpu.memory_space<vmem_shared>>
    tpu.wait_indirect_dma semaphore(%arg12 : memref<!tpu.dma_semaphore, #tpu.memory_space<semaphore_mem>>) src(%dma_wait3A_1250 : memref<128x16xf32, #tpu.memory_space<vmem>>) dst(%dma_wait3A_1256 : memref<10240x16xf32, #tpu.memory_space<vmem_shared>>)
    %dma_wait3A_1257 = arith.constant 32 : i32
    %dma_wait3A_1258 = arith.constant 4096 : i32
    %dma_wait3A_1259 = arith.constant 0 : i32
    %dma_wait3A_1260 = tpu.memref_slice %arg6[%dma_wait3A_1258, %dma_wait3A_1259] : memref<5000x16xf32, #tpu.memory_space<vmem>> -> memref<128x16xf32, #tpu.memory_space<vmem>>
    %dma_wait3A_1261 = arith.constant 0 : i32
    %dma_wait3A_1262 = tpu.memref_slice %arg8[%dma_wait3A_1257, %dma_wait3A_1261] : memref<40x128xi32, #tpu.memory_space<vmem>> -> memref<1x128xi32, #tpu.memory_space<vmem>>
    %dma_wait3A_1263 = tpu.memref_squeeze %dma_wait3A_1262 : memref<1x128xi32, #tpu.memory_space<vmem>> -> memref<128xi32, #tpu.memory_space<vmem>>
    %dma_wait3A_1264 = arith.constant 0 : i32
    %dma_wait3A_1265 = arith.constant 0 : i32
    %dma_wait3A_1266 = tpu.memref_slice %arg9[%dma_wait3A_1264, %dma_wait3A_1265] : memref<10240x16xf32, #tpu.memory_space<vmem_shared>> -> memref<10240x16xf32, #tpu.memory_space<vmem_shared>>
    tpu.wait_indirect_dma semaphore(%arg12 : memref<!tpu.dma_semaphore, #tpu.memory_space<semaphore_mem>>) src(%dma_wait3A_1260 : memref<128x16xf32, #tpu.memory_space<vmem>>) dst(%dma_wait3A_1266 : memref<10240x16xf32, #tpu.memory_space<vmem_shared>>)
    %dma_wait3A_1267 = arith.constant 33 : i32
    %dma_wait3A_1268 = arith.constant 4224 : i32
    %dma_wait3A_1269 = arith.constant 0 : i32
    %dma_wait3A_1270 = tpu.memref_slice %arg6[%dma_wait3A_1268, %dma_wait3A_1269] : memref<5000x16xf32, #tpu.memory_space<vmem>> -> memref<128x16xf32, #tpu.memory_space<vmem>>
    %dma_wait3A_1271 = arith.constant 0 : i32
    %dma_wait3A_1272 = tpu.memref_slice %arg8[%dma_wait3A_1267, %dma_wait3A_1271] : memref<40x128xi32, #tpu.memory_space<vmem>> -> memref<1x128xi32, #tpu.memory_space<vmem>>
    %dma_wait3A_1273 = tpu.memref_squeeze %dma_wait3A_1272 : memref<1x128xi32, #tpu.memory_space<vmem>> -> memref<128xi32, #tpu.memory_space<vmem>>
    %dma_wait3A_1274 = arith.constant 0 : i32
    %dma_wait3A_1275 = arith.constant 0 : i32
    %dma_wait3A_1276 = tpu.memref_slice %arg9[%dma_wait3A_1274, %dma_wait3A_1275] : memref<10240x16xf32, #tpu.memory_space<vmem_shared>> -> memref<10240x16xf32, #tpu.memory_space<vmem_shared>>
    tpu.wait_indirect_dma semaphore(%arg12 : memref<!tpu.dma_semaphore, #tpu.memory_space<semaphore_mem>>) src(%dma_wait3A_1270 : memref<128x16xf32, #tpu.memory_space<vmem>>) dst(%dma_wait3A_1276 : memref<10240x16xf32, #tpu.memory_space<vmem_shared>>)
    %dma_wait3A_1277 = arith.constant 34 : i32
    %dma_wait3A_1278 = arith.constant 4352 : i32
    %dma_wait3A_1279 = arith.constant 0 : i32
    %dma_wait3A_1280 = tpu.memref_slice %arg6[%dma_wait3A_1278, %dma_wait3A_1279] : memref<5000x16xf32, #tpu.memory_space<vmem>> -> memref<128x16xf32, #tpu.memory_space<vmem>>
    %dma_wait3A_1281 = arith.constant 0 : i32
    %dma_wait3A_1282 = tpu.memref_slice %arg8[%dma_wait3A_1277, %dma_wait3A_1281] : memref<40x128xi32, #tpu.memory_space<vmem>> -> memref<1x128xi32, #tpu.memory_space<vmem>>
    %dma_wait3A_1283 = tpu.memref_squeeze %dma_wait3A_1282 : memref<1x128xi32, #tpu.memory_space<vmem>> -> memref<128xi32, #tpu.memory_space<vmem>>
    %dma_wait3A_1284 = arith.constant 0 : i32
    %dma_wait3A_1285 = arith.constant 0 : i32
    %dma_wait3A_1286 = tpu.memref_slice %arg9[%dma_wait3A_1284, %dma_wait3A_1285] : memref<10240x16xf32, #tpu.memory_space<vmem_shared>> -> memref<10240x16xf32, #tpu.memory_space<vmem_shared>>
    tpu.wait_indirect_dma semaphore(%arg12 : memref<!tpu.dma_semaphore, #tpu.memory_space<semaphore_mem>>) src(%dma_wait3A_1280 : memref<128x16xf32, #tpu.memory_space<vmem>>) dst(%dma_wait3A_1286 : memref<10240x16xf32, #tpu.memory_space<vmem_shared>>)
    %dma_wait3A_1287 = arith.constant 35 : i32
    %dma_wait3A_1288 = arith.constant 4480 : i32
    %dma_wait3A_1289 = arith.constant 0 : i32
    %dma_wait3A_1290 = tpu.memref_slice %arg6[%dma_wait3A_1288, %dma_wait3A_1289] : memref<5000x16xf32, #tpu.memory_space<vmem>> -> memref<128x16xf32, #tpu.memory_space<vmem>>
    %dma_wait3A_1291 = arith.constant 0 : i32
    %dma_wait3A_1292 = tpu.memref_slice %arg8[%dma_wait3A_1287, %dma_wait3A_1291] : memref<40x128xi32, #tpu.memory_space<vmem>> -> memref<1x128xi32, #tpu.memory_space<vmem>>
    %dma_wait3A_1293 = tpu.memref_squeeze %dma_wait3A_1292 : memref<1x128xi32, #tpu.memory_space<vmem>> -> memref<128xi32, #tpu.memory_space<vmem>>
    %dma_wait3A_1294 = arith.constant 0 : i32
    %dma_wait3A_1295 = arith.constant 0 : i32
    %dma_wait3A_1296 = tpu.memref_slice %arg9[%dma_wait3A_1294, %dma_wait3A_1295] : memref<10240x16xf32, #tpu.memory_space<vmem_shared>> -> memref<10240x16xf32, #tpu.memory_space<vmem_shared>>
    tpu.wait_indirect_dma semaphore(%arg12 : memref<!tpu.dma_semaphore, #tpu.memory_space<semaphore_mem>>) src(%dma_wait3A_1290 : memref<128x16xf32, #tpu.memory_space<vmem>>) dst(%dma_wait3A_1296 : memref<10240x16xf32, #tpu.memory_space<vmem_shared>>)
    %dma_wait3A_1297 = arith.constant 36 : i32
    %dma_wait3A_1298 = arith.constant 4608 : i32
    %dma_wait3A_1299 = arith.constant 0 : i32
    %dma_wait3A_1300 = tpu.memref_slice %arg6[%dma_wait3A_1298, %dma_wait3A_1299] : memref<5000x16xf32, #tpu.memory_space<vmem>> -> memref<128x16xf32, #tpu.memory_space<vmem>>
    %dma_wait3A_1301 = arith.constant 0 : i32
    %dma_wait3A_1302 = tpu.memref_slice %arg8[%dma_wait3A_1297, %dma_wait3A_1301] : memref<40x128xi32, #tpu.memory_space<vmem>> -> memref<1x128xi32, #tpu.memory_space<vmem>>
    %dma_wait3A_1303 = tpu.memref_squeeze %dma_wait3A_1302 : memref<1x128xi32, #tpu.memory_space<vmem>> -> memref<128xi32, #tpu.memory_space<vmem>>
    %dma_wait3A_1304 = arith.constant 0 : i32
    %dma_wait3A_1305 = arith.constant 0 : i32
    %dma_wait3A_1306 = tpu.memref_slice %arg9[%dma_wait3A_1304, %dma_wait3A_1305] : memref<10240x16xf32, #tpu.memory_space<vmem_shared>> -> memref<10240x16xf32, #tpu.memory_space<vmem_shared>>
    tpu.wait_indirect_dma semaphore(%arg12 : memref<!tpu.dma_semaphore, #tpu.memory_space<semaphore_mem>>) src(%dma_wait3A_1300 : memref<128x16xf32, #tpu.memory_space<vmem>>) dst(%dma_wait3A_1306 : memref<10240x16xf32, #tpu.memory_space<vmem_shared>>)
    %dma_wait3A_1307 = arith.constant 37 : i32
    %dma_wait3A_1308 = arith.constant 4736 : i32
    %dma_wait3A_1309 = arith.constant 0 : i32
    %dma_wait3A_1310 = tpu.memref_slice %arg6[%dma_wait3A_1308, %dma_wait3A_1309] : memref<5000x16xf32, #tpu.memory_space<vmem>> -> memref<128x16xf32, #tpu.memory_space<vmem>>
    %dma_wait3A_1311 = arith.constant 0 : i32
    %dma_wait3A_1312 = tpu.memref_slice %arg8[%dma_wait3A_1307, %dma_wait3A_1311] : memref<40x128xi32, #tpu.memory_space<vmem>> -> memref<1x128xi32, #tpu.memory_space<vmem>>
    %dma_wait3A_1313 = tpu.memref_squeeze %dma_wait3A_1312 : memref<1x128xi32, #tpu.memory_space<vmem>> -> memref<128xi32, #tpu.memory_space<vmem>>
    %dma_wait3A_1314 = arith.constant 0 : i32
    %dma_wait3A_1315 = arith.constant 0 : i32
    %dma_wait3A_1316 = tpu.memref_slice %arg9[%dma_wait3A_1314, %dma_wait3A_1315] : memref<10240x16xf32, #tpu.memory_space<vmem_shared>> -> memref<10240x16xf32, #tpu.memory_space<vmem_shared>>
    tpu.wait_indirect_dma semaphore(%arg12 : memref<!tpu.dma_semaphore, #tpu.memory_space<semaphore_mem>>) src(%dma_wait3A_1310 : memref<128x16xf32, #tpu.memory_space<vmem>>) dst(%dma_wait3A_1316 : memref<10240x16xf32, #tpu.memory_space<vmem_shared>>)
    %dma_wait3A_1317 = arith.constant 38 : i32
    %dma_wait3A_1318 = arith.constant 4864 : i32
    %dma_wait3A_1319 = arith.constant 0 : i32
    %dma_wait3A_1320 = tpu.memref_slice %arg6[%dma_wait3A_1318, %dma_wait3A_1319] : memref<5000x16xf32, #tpu.memory_space<vmem>> -> memref<128x16xf32, #tpu.memory_space<vmem>>
    %dma_wait3A_1321 = arith.constant 0 : i32
    %dma_wait3A_1322 = tpu.memref_slice %arg8[%dma_wait3A_1317, %dma_wait3A_1321] : memref<40x128xi32, #tpu.memory_space<vmem>> -> memref<1x128xi32, #tpu.memory_space<vmem>>
    %dma_wait3A_1323 = tpu.memref_squeeze %dma_wait3A_1322 : memref<1x128xi32, #tpu.memory_space<vmem>> -> memref<128xi32, #tpu.memory_space<vmem>>
    %dma_wait3A_1324 = arith.constant 0 : i32
    %dma_wait3A_1325 = arith.constant 0 : i32
    %dma_wait3A_1326 = tpu.memref_slice %arg9[%dma_wait3A_1324, %dma_wait3A_1325] : memref<10240x16xf32, #tpu.memory_space<vmem_shared>> -> memref<10240x16xf32, #tpu.memory_space<vmem_shared>>
    tpu.wait_indirect_dma semaphore(%arg12 : memref<!tpu.dma_semaphore, #tpu.memory_space<semaphore_mem>>) src(%dma_wait3A_1320 : memref<128x16xf32, #tpu.memory_space<vmem>>) dst(%dma_wait3A_1326 : memref<10240x16xf32, #tpu.memory_space<vmem_shared>>)
    %dma_wait3A_1327 = arith.constant 39 : i32
    %dma_wait3A_1328 = arith.constant 4992 : i32
    %dma_wait3A_1329 = arith.constant 0 : i32
    %dma_wait3A_1330 = tpu.memref_slice %arg6[%dma_wait3A_1328, %dma_wait3A_1329] : memref<5000x16xf32, #tpu.memory_space<vmem>> -> memref<8x16xf32, #tpu.memory_space<vmem>>
    %dma_wait3A_1331 = arith.constant 0 : i32
    %dma_wait3A_1332 = tpu.memref_slice %arg8[%dma_wait3A_1327, %dma_wait3A_1331] : memref<40x128xi32, #tpu.memory_space<vmem>> -> memref<1x8xi32, #tpu.memory_space<vmem>>
    %dma_wait3A_1333 = tpu.memref_squeeze %dma_wait3A_1332 : memref<1x8xi32, #tpu.memory_space<vmem>> -> memref<8xi32, #tpu.memory_space<vmem>>
    %dma_wait3A_1334 = arith.constant 0 : i32
    %dma_wait3A_1335 = arith.constant 0 : i32
    %dma_wait3A_1336 = tpu.memref_slice %arg9[%dma_wait3A_1334, %dma_wait3A_1335] : memref<10240x16xf32, #tpu.memory_space<vmem_shared>> -> memref<10240x16xf32, #tpu.memory_space<vmem_shared>>
    tpu.wait_indirect_dma semaphore(%arg12 : memref<!tpu.dma_semaphore, #tpu.memory_space<semaphore_mem>>) src(%dma_wait3A_1330 : memref<8x16xf32, #tpu.memory_space<vmem>>) dst(%dma_wait3A_1336 : memref<10240x16xf32, #tpu.memory_space<vmem_shared>>)
    %barrier3A_1337 = arith.constant 0 : index
    tpu.barrier barrier_id(%barrier3A_1337)
    %mul3A_1338 = arith.constant 640 : i32
    %mul3A_1339 = arith.muli %arg1, %mul3A_1338 : i32
    %mul3A_1340 = arith.constant 640 : i32
    %mul3A_1341 = arith.muli %arg1, %mul3A_1340 : i32
    "tpu.region"() ({
      %run_scoped3A = tpu.sem_alloc : memref<!tpu.dma_semaphore, #tpu.memory_space<semaphore_mem>>
      %dma_start3A_1342 = arith.constant 0 : i32
      %dma_start3A_1343 = tpu.memref_slice %arg5[%arg0, %mul3A_1341, %dma_start3A_1342] : memref<2x10240x16xf32, #tpu.memory_space<hbm>> -> memref<1x640x16xf32, #tpu.memory_space<hbm>>
      %dma_start3A_1344 = tpu.memref_squeeze %dma_start3A_1343 : memref<1x640x16xf32, #tpu.memory_space<hbm>> -> memref<640x16xf32, #tpu.memory_space<hbm>>
      %dma_start3A_1345 = arith.constant 0 : i32
      %dma_start3A_1346 = tpu.memref_slice %arg9[%mul3A_1339, %dma_start3A_1345] : memref<10240x16xf32, #tpu.memory_space<vmem_shared>> -> memref<640x16xf32, #tpu.memory_space<vmem_shared>>
      tpu.enqueue_dma source(%dma_start3A_1346 : memref<640x16xf32, #tpu.memory_space<vmem_shared>>) target(%dma_start3A_1344 : memref<640x16xf32, #tpu.memory_space<hbm>>) target_semaphore(%run_scoped3A : memref<!tpu.dma_semaphore, #tpu.memory_space<semaphore_mem>>)
      %dma_wait3A_1347 = arith.constant 0 : i32
      %dma_wait3A_1348 = tpu.memref_slice %arg5[%arg0, %mul3A_1341, %dma_wait3A_1347] : memref<2x10240x16xf32, #tpu.memory_space<hbm>> -> memref<1x640x16xf32, #tpu.memory_space<hbm>>
      %dma_wait3A_1349 = tpu.memref_squeeze %dma_wait3A_1348 : memref<1x640x16xf32, #tpu.memory_space<hbm>> -> memref<640x16xf32, #tpu.memory_space<hbm>>
      %dma_wait3A_1350 = arith.constant 0 : i32
      %dma_wait3A_1351 = tpu.memref_slice %arg9[%mul3A_1339, %dma_wait3A_1350] : memref<10240x16xf32, #tpu.memory_space<vmem_shared>> -> memref<640x16xf32, #tpu.memory_space<vmem_shared>>
      tpu.wait_dma2 semaphore(%run_scoped3A : memref<!tpu.dma_semaphore, #tpu.memory_space<semaphore_mem>>) src(%dma_wait3A_1351 : memref<640x16xf32, #tpu.memory_space<vmem_shared>>) dst(%dma_wait3A_1349 : memref<640x16xf32, #tpu.memory_space<hbm>>)
      tpu.yield
    }) : () -> ()
    return
  }
}

module attributes {stable_mosaic.version = 14 : i64} {
  func.func @_edge_mlp_body(%arg0: i32, %arg1: memref<16x80000xf32, #tpu.memory_space<vmem>>, %arg2: memref<16x16xf32, #tpu.memory_space<vmem>>, %arg3: memref<1x16xf32, #tpu.memory_space<vmem>>, %arg4: memref<16x16xf32, #tpu.memory_space<vmem>>, %arg5: memref<1x16xf32, #tpu.memory_space<vmem>>, %arg6: memref<16x16xf32, #tpu.memory_space<vmem>>, %arg7: memref<1x16xf32, #tpu.memory_space<vmem>>, %arg8: memref<10000x128xf32, #tpu.memory_space<vmem>>) attributes {dimension_semantics = [#tpu.dimension_semantics<arbitrary>], iteration_bounds = array<i64: 2>, scalar_prefetch = 0 : i64, scratch_operands = 0 : i64, tpu.core_type = #tpu.core_type<tc>, window_params = [{transform_indices = @transform_0, window_bounds = array<i64: 16, 80000>}, {pipeline_mode = #tpu.pipeline_mode<synchronous>, transform_indices = @transform_1, window_bounds = array<i64: 16, 16>}, {pipeline_mode = #tpu.pipeline_mode<synchronous>, transform_indices = @transform_2, window_bounds = array<i64: 1, 16>}, {pipeline_mode = #tpu.pipeline_mode<synchronous>, transform_indices = @transform_3, window_bounds = array<i64: 16, 16>}, {pipeline_mode = #tpu.pipeline_mode<synchronous>, transform_indices = @transform_4, window_bounds = array<i64: 1, 16>}, {pipeline_mode = #tpu.pipeline_mode<synchronous>, transform_indices = @transform_5, window_bounds = array<i64: 16, 16>}, {pipeline_mode = #tpu.pipeline_mode<synchronous>, transform_indices = @transform_6, window_bounds = array<i64: 1, 16>}, {transform_indices = @transform_7, window_bounds = array<i64: 10000, 128>}]} {
    %iota3A = tpu.iota {dimensions = array<i32: 0>} : vector<128x128xi32>
    %jit3A = arith.constant 16 : i32
    %div3A = vector.broadcast %jit3A : i32 to vector<128x128xi32>
    %div3A_0 = arith.divsi %iota3A, %div3A : vector<128x128xi32>
    %sign3A = arith.constant 0 : i32
    %sign3A_1 = vector.broadcast %sign3A : i32 to vector<128x128xi32>
    %sign3A_2 = arith.cmpi sgt, %iota3A, %sign3A_1 : vector<128x128xi32>
    %sign3A_3 = arith.extui %sign3A_2 : vector<128x128xi1> to vector<128x128xi32>
    %sign3A_4 = arith.constant 0 : i32
    %sign3A_5 = vector.broadcast %sign3A_4 : i32 to vector<128x128xi32>
    %sign3A_6 = arith.cmpi slt, %iota3A, %sign3A_5 : vector<128x128xi32>
    %sign3A_7 = arith.extui %sign3A_6 : vector<128x128xi1> to vector<128x128xi32>
    %sign3A_8 = arith.subi %sign3A_3, %sign3A_7 : vector<128x128xi32>
    %sign3A_9 = arith.constant 0 : i32
    %sign3A_10 = arith.cmpi sgt, %jit3A, %sign3A_9 : i32
    %sign3A_11 = arith.extui %sign3A_10 : i1 to i32
    %sign3A_12 = arith.constant 0 : i32
    %sign3A_13 = arith.cmpi slt, %jit3A, %sign3A_12 : i32
    %sign3A_14 = arith.extui %sign3A_13 : i1 to i32
    %sign3A_15 = arith.subi %sign3A_11, %sign3A_14 : i32
    %ne3A = vector.broadcast %sign3A_15 : i32 to vector<128x128xi32>
    %ne3A_16 = arith.cmpi ne, %sign3A_8, %ne3A : vector<128x128xi32>
    %rem3A = vector.broadcast %jit3A : i32 to vector<128x128xi32>
    %rem3A_17 = arith.remsi %iota3A, %rem3A : vector<128x128xi32>
    %ne3A_18 = arith.constant 0 : i32
    %ne3A_19 = vector.broadcast %ne3A_18 : i32 to vector<128x128xi32>
    %ne3A_20 = arith.cmpi ne, %rem3A_17, %ne3A_19 : vector<128x128xi32>
    %and3A = arith.andi %ne3A_16, %ne3A_20 : vector<128x128xi1>
    %sub3A = arith.constant 1 : i32
    %sub3A_21 = vector.broadcast %sub3A : i32 to vector<128x128xi32>
    %sub3A_22 = arith.subi %div3A_0, %sub3A_21 : vector<128x128xi32>
    %select_n3A = arith.select %and3A, %sub3A_22, %div3A_0 : vector<128x128xi1>, vector<128x128xi32>
    %iota3A_23 = tpu.iota {dimensions = array<i32: 1>} : vector<128x128xi32>
    %jit3A_24 = arith.constant 16 : i32
    %div3A_25 = vector.broadcast %jit3A_24 : i32 to vector<128x128xi32>
    %div3A_26 = arith.divsi %iota3A_23, %div3A_25 : vector<128x128xi32>
    %sign3A_27 = arith.constant 0 : i32
    %sign3A_28 = vector.broadcast %sign3A_27 : i32 to vector<128x128xi32>
    %sign3A_29 = arith.cmpi sgt, %iota3A_23, %sign3A_28 : vector<128x128xi32>
    %sign3A_30 = arith.extui %sign3A_29 : vector<128x128xi1> to vector<128x128xi32>
    %sign3A_31 = arith.constant 0 : i32
    %sign3A_32 = vector.broadcast %sign3A_31 : i32 to vector<128x128xi32>
    %sign3A_33 = arith.cmpi slt, %iota3A_23, %sign3A_32 : vector<128x128xi32>
    %sign3A_34 = arith.extui %sign3A_33 : vector<128x128xi1> to vector<128x128xi32>
    %sign3A_35 = arith.subi %sign3A_30, %sign3A_34 : vector<128x128xi32>
    %sign3A_36 = arith.constant 0 : i32
    %sign3A_37 = arith.cmpi sgt, %jit3A_24, %sign3A_36 : i32
    %sign3A_38 = arith.extui %sign3A_37 : i1 to i32
    %sign3A_39 = arith.constant 0 : i32
    %sign3A_40 = arith.cmpi slt, %jit3A_24, %sign3A_39 : i32
    %sign3A_41 = arith.extui %sign3A_40 : i1 to i32
    %sign3A_42 = arith.subi %sign3A_38, %sign3A_41 : i32
    %ne3A_43 = vector.broadcast %sign3A_42 : i32 to vector<128x128xi32>
    %ne3A_44 = arith.cmpi ne, %sign3A_35, %ne3A_43 : vector<128x128xi32>
    %rem3A_45 = vector.broadcast %jit3A_24 : i32 to vector<128x128xi32>
    %rem3A_46 = arith.remsi %iota3A_23, %rem3A_45 : vector<128x128xi32>
    %ne3A_47 = arith.constant 0 : i32
    %ne3A_48 = vector.broadcast %ne3A_47 : i32 to vector<128x128xi32>
    %ne3A_49 = arith.cmpi ne, %rem3A_46, %ne3A_48 : vector<128x128xi32>
    %and3A_50 = arith.andi %ne3A_44, %ne3A_49 : vector<128x128xi1>
    %sub3A_51 = arith.constant 1 : i32
    %sub3A_52 = vector.broadcast %sub3A_51 : i32 to vector<128x128xi32>
    %sub3A_53 = arith.subi %div3A_26, %sub3A_52 : vector<128x128xi32>
    %select_n3A_54 = arith.select %and3A_50, %sub3A_53, %div3A_26 : vector<128x128xi1>, vector<128x128xi32>
    %eq3A = arith.cmpi eq, %select_n3A, %select_n3A_54 : vector<128x128xi32>
    %convert_element_type3A = arith.extui %eq3A : vector<128x128xi1> to vector<128x128xi32>
    %convert_element_type3A_55 = arith.sitofp %convert_element_type3A : vector<128x128xi32> to vector<128x128xf32>
    %get3A = arith.constant 0 : index
    %get3A_56 = arith.constant 0 : index
    %get3A_57 = vector.load %arg2[%get3A, %get3A_56] : memref<16x16xf32, #tpu.memory_space<vmem>>, vector<16x16xf32>
    %tile3A = tpu.concatenate %get3A_57, %get3A_57, %get3A_57, %get3A_57, %get3A_57, %get3A_57, %get3A_57, %get3A_57 in 0 : vector<16x16xf32>, vector<16x16xf32>, vector<16x16xf32>, vector<16x16xf32>, vector<16x16xf32>, vector<16x16xf32>, vector<16x16xf32>, vector<16x16xf32> -> vector<128x16xf32>
    %tile3A_58 = tpu.concatenate %tile3A, %tile3A, %tile3A, %tile3A, %tile3A, %tile3A, %tile3A, %tile3A in 1 : vector<128x16xf32>, vector<128x16xf32>, vector<128x16xf32>, vector<128x16xf32>, vector<128x16xf32>, vector<128x16xf32>, vector<128x16xf32>, vector<128x16xf32> -> vector<128x128xf32>
    %mul3A = arith.mulf %tile3A_58, %convert_element_type3A_55 : vector<128x128xf32>
    %get3A_59 = arith.constant 0 : index
    %get3A_60 = arith.constant 0 : index
    %get3A_61 = vector.load %arg4[%get3A_59, %get3A_60] : memref<16x16xf32, #tpu.memory_space<vmem>>, vector<16x16xf32>
    %tile3A_62 = tpu.concatenate %get3A_61, %get3A_61, %get3A_61, %get3A_61, %get3A_61, %get3A_61, %get3A_61, %get3A_61 in 0 : vector<16x16xf32>, vector<16x16xf32>, vector<16x16xf32>, vector<16x16xf32>, vector<16x16xf32>, vector<16x16xf32>, vector<16x16xf32>, vector<16x16xf32> -> vector<128x16xf32>
    %tile3A_63 = tpu.concatenate %tile3A_62, %tile3A_62, %tile3A_62, %tile3A_62, %tile3A_62, %tile3A_62, %tile3A_62, %tile3A_62 in 1 : vector<128x16xf32>, vector<128x16xf32>, vector<128x16xf32>, vector<128x16xf32>, vector<128x16xf32>, vector<128x16xf32>, vector<128x16xf32>, vector<128x16xf32> -> vector<128x128xf32>
    %mul3A_64 = arith.mulf %tile3A_63, %convert_element_type3A_55 : vector<128x128xf32>
    %get3A_65 = arith.constant 0 : index
    %get3A_66 = arith.constant 0 : index
    %get3A_67 = vector.load %arg6[%get3A_65, %get3A_66] : memref<16x16xf32, #tpu.memory_space<vmem>>, vector<16x16xf32>
    %tile3A_68 = tpu.concatenate %get3A_67, %get3A_67, %get3A_67, %get3A_67, %get3A_67, %get3A_67, %get3A_67, %get3A_67 in 0 : vector<16x16xf32>, vector<16x16xf32>, vector<16x16xf32>, vector<16x16xf32>, vector<16x16xf32>, vector<16x16xf32>, vector<16x16xf32>, vector<16x16xf32> -> vector<128x16xf32>
    %tile3A_69 = tpu.concatenate %tile3A_68, %tile3A_68, %tile3A_68, %tile3A_68, %tile3A_68, %tile3A_68, %tile3A_68, %tile3A_68 in 1 : vector<128x16xf32>, vector<128x16xf32>, vector<128x16xf32>, vector<128x16xf32>, vector<128x16xf32>, vector<128x16xf32>, vector<128x16xf32>, vector<128x16xf32> -> vector<128x128xf32>
    %mul3A_70 = arith.mulf %tile3A_69, %convert_element_type3A_55 : vector<128x128xf32>
    %get3A_71 = arith.constant 0 : index
    %get3A_72 = arith.constant 0 : index
    %get3A_73 = vector.load %arg3[%get3A_71, %get3A_72] : memref<1x16xf32, #tpu.memory_space<vmem>>, vector<1x16xf32>
    %tile3A_74 = tpu.concatenate %get3A_73, %get3A_73, %get3A_73, %get3A_73, %get3A_73, %get3A_73, %get3A_73, %get3A_73 in 1 : vector<1x16xf32>, vector<1x16xf32>, vector<1x16xf32>, vector<1x16xf32>, vector<1x16xf32>, vector<1x16xf32>, vector<1x16xf32>, vector<1x16xf32> -> vector<1x128xf32>
    %get3A_75 = arith.constant 0 : index
    %get3A_76 = arith.constant 0 : index
    %get3A_77 = vector.load %arg5[%get3A_75, %get3A_76] : memref<1x16xf32, #tpu.memory_space<vmem>>, vector<1x16xf32>
    %tile3A_78 = tpu.concatenate %get3A_77, %get3A_77, %get3A_77, %get3A_77, %get3A_77, %get3A_77, %get3A_77, %get3A_77 in 1 : vector<1x16xf32>, vector<1x16xf32>, vector<1x16xf32>, vector<1x16xf32>, vector<1x16xf32>, vector<1x16xf32>, vector<1x16xf32>, vector<1x16xf32> -> vector<1x128xf32>
    %get3A_79 = arith.constant 0 : index
    %get3A_80 = arith.constant 0 : index
    %get3A_81 = vector.load %arg7[%get3A_79, %get3A_80] : memref<1x16xf32, #tpu.memory_space<vmem>>, vector<1x16xf32>
    %tile3A_82 = tpu.concatenate %get3A_81, %get3A_81, %get3A_81, %get3A_81, %get3A_81, %get3A_81, %get3A_81, %get3A_81 in 1 : vector<1x16xf32>, vector<1x16xf32>, vector<1x16xf32>, vector<1x16xf32>, vector<1x16xf32>, vector<1x16xf32>, vector<1x16xf32>, vector<1x16xf32> -> vector<1x128xf32>
    %get3A_83 = arith.constant 0 : index
    %get3A_84 = arith.constant 0 : index
    %get3A_85 = vector.load %arg1[%get3A_83, %get3A_84] : memref<16x80000xf32, #tpu.memory_space<vmem>>, vector<16x80000xf32>
    %slice3A = vector.extract_strided_slice %get3A_85 {offsets = [0, 0], sizes = [16, 10000], strides = [1, 1]} : vector<16x80000xf32> to vector<16x10000xf32>
    %slice3A_86 = vector.extract_strided_slice %get3A_85 {offsets = [0, 10000], sizes = [16, 10000], strides = [1, 1]} : vector<16x80000xf32> to vector<16x10000xf32>
    %slice3A_87 = vector.extract_strided_slice %get3A_85 {offsets = [0, 20000], sizes = [16, 10000], strides = [1, 1]} : vector<16x80000xf32> to vector<16x10000xf32>
    %slice3A_88 = vector.extract_strided_slice %get3A_85 {offsets = [0, 30000], sizes = [16, 10000], strides = [1, 1]} : vector<16x80000xf32> to vector<16x10000xf32>
    %slice3A_89 = vector.extract_strided_slice %get3A_85 {offsets = [0, 40000], sizes = [16, 10000], strides = [1, 1]} : vector<16x80000xf32> to vector<16x10000xf32>
    %slice3A_90 = vector.extract_strided_slice %get3A_85 {offsets = [0, 50000], sizes = [16, 10000], strides = [1, 1]} : vector<16x80000xf32> to vector<16x10000xf32>
    %slice3A_91 = vector.extract_strided_slice %get3A_85 {offsets = [0, 60000], sizes = [16, 10000], strides = [1, 1]} : vector<16x80000xf32> to vector<16x10000xf32>
    %slice3A_92 = vector.extract_strided_slice %get3A_85 {offsets = [0, 70000], sizes = [16, 10000], strides = [1, 1]} : vector<16x80000xf32> to vector<16x10000xf32>
    %concatenate3A = tpu.concatenate %slice3A, %slice3A_86, %slice3A_87, %slice3A_88, %slice3A_89, %slice3A_90, %slice3A_91, %slice3A_92 in 0 : vector<16x10000xf32>, vector<16x10000xf32>, vector<16x10000xf32>, vector<16x10000xf32>, vector<16x10000xf32>, vector<16x10000xf32>, vector<16x10000xf32>, vector<16x10000xf32> -> vector<128x10000xf32>
    %dot_general3A = arith.constant dense<0.000000e+00> : vector<10000x128xf32>
    %dot_general3A_93 = tpu.matmul %concatenate3A, %mul3A, %dot_general3A {dimension_numbers = #tpu.dot_dimension_numbers<[0], [0], [1], [1], [0, 1, 1, 1], [], []>, transpose_lhs_hint = false} : vector<128x10000xf32>, vector<128x128xf32>, vector<10000x128xf32> -> vector<10000x128xf32>
    %add3A = vector.broadcast %tile3A_74 : vector<1x128xf32> to vector<10000x128xf32>
    %add3A_94 = arith.addf %dot_general3A_93, %add3A : vector<10000x128xf32>
    %max3A = arith.constant 0.000000e+00 : f32
    %max3A_95 = vector.broadcast %max3A : f32 to vector<10000x128xf32>
    %max3A_96 = arith.maximumf %add3A_94, %max3A_95 : vector<10000x128xf32>
    %dot_general3A_97 = arith.constant dense<0.000000e+00> : vector<10000x128xf32>
    %dot_general3A_98 = tpu.matmul %max3A_96, %mul3A_64, %dot_general3A_97 {dimension_numbers = #tpu.dot_dimension_numbers<[1], [0], [0], [1], [0, 0, 1, 1], [], []>, transpose_lhs_hint = false} : vector<10000x128xf32>, vector<128x128xf32>, vector<10000x128xf32> -> vector<10000x128xf32>
    %add3A_99 = vector.broadcast %tile3A_78 : vector<1x128xf32> to vector<10000x128xf32>
    %add3A_100 = arith.addf %dot_general3A_98, %add3A_99 : vector<10000x128xf32>
    %max3A_101 = arith.constant 0.000000e+00 : f32
    %max3A_102 = vector.broadcast %max3A_101 : f32 to vector<10000x128xf32>
    %max3A_103 = arith.maximumf %add3A_100, %max3A_102 : vector<10000x128xf32>
    %dot_general3A_104 = arith.constant dense<0.000000e+00> : vector<10000x128xf32>
    %dot_general3A_105 = tpu.matmul %max3A_103, %mul3A_70, %dot_general3A_104 {dimension_numbers = #tpu.dot_dimension_numbers<[1], [0], [0], [1], [0, 0, 1, 1], [], []>, transpose_lhs_hint = false} : vector<10000x128xf32>, vector<128x128xf32>, vector<10000x128xf32> -> vector<10000x128xf32>
    %add3A_106 = vector.broadcast %tile3A_82 : vector<1x128xf32> to vector<10000x128xf32>
    %add3A_107 = arith.addf %dot_general3A_105, %add3A_106 : vector<10000x128xf32>
    %swap3A = arith.constant 0 : index
    %swap3A_108 = arith.constant 0 : index
    %swap3A_109 = vector.load %arg8[%swap3A, %swap3A_108] : memref<10000x128xf32, #tpu.memory_space<vmem>>, vector<10000x128xf32>
    tpu.vector_store %arg8[%swap3A, %swap3A_108], %add3A_107 {strides = array<i32>} : memref<10000x128xf32, #tpu.memory_space<vmem>>, vector<10000x128xf32>,
    return
  }
  func.func @transform_0(%arg0: i32) -> (i32, i32) {
    %c0_i32 = arith.constant 0 : i32
    %c0_i32_0 = arith.constant 0 : i32
    return %c0_i32, %arg0 : i32, i32
  }
  func.func @transform_1(%arg0: i32) -> (i32, i32) {
    %c0_i32 = arith.constant 0 : i32
    %c0_i32_0 = arith.constant 0 : i32
    %c0_i32_1 = arith.constant 0 : i32
    return %c0_i32, %c0_i32_0 : i32, i32
  }
  func.func @transform_2(%arg0: i32) -> (i32, i32) {
    %c0_i32 = arith.constant 0 : i32
    %c0_i32_0 = arith.constant 0 : i32
    %c0_i32_1 = arith.constant 0 : i32
    return %c0_i32, %c0_i32_0 : i32, i32
  }
  func.func @transform_3(%arg0: i32) -> (i32, i32) {
    %c0_i32 = arith.constant 0 : i32
    %c0_i32_0 = arith.constant 0 : i32
    %c0_i32_1 = arith.constant 0 : i32
    return %c0_i32, %c0_i32_0 : i32, i32
  }
  func.func @transform_4(%arg0: i32) -> (i32, i32) {
    %c0_i32 = arith.constant 0 : i32
    %c0_i32_0 = arith.constant 0 : i32
    %c0_i32_1 = arith.constant 0 : i32
    return %c0_i32, %c0_i32_0 : i32, i32
  }
  func.func @transform_5(%arg0: i32) -> (i32, i32) {
    %c0_i32 = arith.constant 0 : i32
    %c0_i32_0 = arith.constant 0 : i32
    %c0_i32_1 = arith.constant 0 : i32
    return %c0_i32, %c0_i32_0 : i32, i32
  }
  func.func @transform_6(%arg0: i32) -> (i32, i32) {
    %c0_i32 = arith.constant 0 : i32
    %c0_i32_0 = arith.constant 0 : i32
    %c0_i32_1 = arith.constant 0 : i32
    return %c0_i32, %c0_i32_0 : i32, i32
  }
  func.func @transform_7(%arg0: i32) -> (i32, i32) {
    %c0_i32 = arith.constant 0 : i32
    %c0_i32_0 = arith.constant 0 : i32
    return %arg0, %c0_i32 : i32, i32
  }
}

module attributes {stable_mosaic.version = 14 : i64} {
  func.func @_pool_head_body(%arg0: i32, %arg1: memref<2x1280x128xf32, #tpu.memory_space<vmem>>, %arg2: memref<8x1280xi32, #tpu.memory_space<vmem>>, %arg3: memref<1x16xf32, #tpu.memory_space<vmem>>, %arg4: memref<16x16xf32, #tpu.memory_space<vmem>>, %arg5: memref<1x16xf32, #tpu.memory_space<vmem>>, %arg6: memref<16x32xf32, #tpu.memory_space<vmem>>, %arg7: memref<1x32xf32, #tpu.memory_space<vmem>>, %arg8: memref<32x10xf32, #tpu.memory_space<vmem>>, %arg9: memref<1x10xf32, #tpu.memory_space<vmem>>, %arg10: memref<64x10xf32, #tpu.memory_space<vmem>>, %arg11: memref<64x16xf32, #tpu.memory_space<vmem>>, %arg12: memref<64x1xf32, #tpu.memory_space<vmem>>) attributes {dimension_semantics = [#tpu.dimension_semantics<arbitrary>], iteration_bounds = array<i64: 1>, scalar_prefetch = 0 : i64, scratch_operands = 2 : i64, tpu.core_type = #tpu.core_type<tc>, window_params = [{transform_indices = @transform_0, window_bounds = array<i64: 2, 1280, 128>}, {transform_indices = @transform_1, window_bounds = array<i64: 8, 1280>}, {pipeline_mode = #tpu.pipeline_mode<synchronous>, transform_indices = @transform_2, window_bounds = array<i64: 1, 16>}, {pipeline_mode = #tpu.pipeline_mode<synchronous>, transform_indices = @transform_3, window_bounds = array<i64: 16, 16>}, {pipeline_mode = #tpu.pipeline_mode<synchronous>, transform_indices = @transform_4, window_bounds = array<i64: 1, 16>}, {pipeline_mode = #tpu.pipeline_mode<synchronous>, transform_indices = @transform_5, window_bounds = array<i64: 16, 32>}, {pipeline_mode = #tpu.pipeline_mode<synchronous>, transform_indices = @transform_6, window_bounds = array<i64: 1, 32>}, {pipeline_mode = #tpu.pipeline_mode<synchronous>, transform_indices = @transform_7, window_bounds = array<i64: 32, 10>}, {pipeline_mode = #tpu.pipeline_mode<synchronous>, transform_indices = @transform_8, window_bounds = array<i64: 1, 10>}, {pipeline_mode = #tpu.pipeline_mode<synchronous>, transform_indices = @transform_9, window_bounds = array<i64: 64, 10>}]} {
    %eq3A = arith.constant 0 : i32
    %eq3A_0 = arith.cmpi eq, %arg0, %eq3A : i32
    %convert_element_type3A = arith.extui %eq3A_0 : i1 to i32
    %cond3A = arith.constant 0 : i32
    %cond3A_1 = arith.cmpi ne, %convert_element_type3A, %cond3A : i32
    scf.if %cond3A_1 {
      %broadcast_in_dim3A_266 = arith.constant 0.000000e+00 : f32
      %broadcast_in_dim3A_267 = vector.broadcast %broadcast_in_dim3A_266 : f32 to vector<64x16xf32>
      %swap3A_268 = arith.constant 0 : index
      %swap3A_269 = arith.constant 0 : index
      %swap3A_270 = vector.load %arg11[%swap3A_268, %swap3A_269] : memref<64x16xf32, #tpu.memory_space<vmem>>, vector<64x16xf32>
      tpu.vector_store %arg11[%swap3A_268, %swap3A_269], %broadcast_in_dim3A_267 {strides = array<i32>} : memref<64x16xf32, #tpu.memory_space<vmem>>, vector<64x16xf32>,
      %broadcast_in_dim3A_271 = arith.constant 0.000000e+00 : f32
      %broadcast_in_dim3A_272 = vector.broadcast %broadcast_in_dim3A_271 : f32 to vector<64x1xf32>
      %swap3A_273 = arith.constant 0 : index
      %swap3A_274 = arith.constant 0 : index
      %swap3A_275 = vector.load %arg12[%swap3A_273, %swap3A_274] : memref<64x1xf32, #tpu.memory_space<vmem>>, vector<64x1xf32>
      tpu.vector_store %arg12[%swap3A_273, %swap3A_274], %broadcast_in_dim3A_272 {strides = array<i32>} : memref<64x1xf32, #tpu.memory_space<vmem>>, vector<64x1xf32>,
    } else {
    }
    %get3A = arith.constant 0 : index
    %get3A_2 = arith.constant 0 : index
    %get3A_3 = vector.load %arg3[%get3A, %get3A_2] : memref<1x16xf32, #tpu.memory_space<vmem>>, vector<1x16xf32>
    %get3A_4 = arith.constant 0 : index
    %get3A_5 = arith.constant 0 : index
    %get3A_6 = vector.load %arg4[%get3A_4, %get3A_5] : memref<16x16xf32, #tpu.memory_space<vmem>>, vector<16x16xf32>
    %dot_general3A = arith.constant dense<0.000000e+00> : vector<1x16xf32>
    %dot_general3A_7 = tpu.matmul %get3A_3, %get3A_6, %dot_general3A {dimension_numbers = #tpu.dot_dimension_numbers<[1], [0], [0], [1], [0, 0, 1, 1], [], []>, transpose_lhs_hint = false} : vector<1x16xf32>, vector<16x16xf32>, vector<1x16xf32> -> vector<1x16xf32>
    %get3A_8 = arith.constant 0 : index
    %get3A_9 = arith.constant 0 : index
    %get3A_10 = vector.load %arg5[%get3A_8, %get3A_9] : memref<1x16xf32, #tpu.memory_space<vmem>>, vector<1x16xf32>
    %add3A = arith.addf %dot_general3A_7, %get3A_10 : vector<1x16xf32>
    %concatenate3A = tpu.concatenate %add3A, %add3A, %add3A, %add3A, %add3A, %add3A, %add3A, %add3A in 1 : vector<1x16xf32>, vector<1x16xf32>, vector<1x16xf32>, vector<1x16xf32>, vector<1x16xf32>, vector<1x16xf32>, vector<1x16xf32>, vector<1x16xf32> -> vector<1x128xf32>
    %get3A_11 = arith.constant 0 : index
    %get3A_12 = arith.constant 0 : index
    %get3A_13 = arith.constant 0 : index
    %get3A_14 = vector.load %arg1[%get3A_11, %get3A_12, %get3A_13] : memref<2x1280x128xf32, #tpu.memory_space<vmem>>, vector<1x1280x128xf32>
    %get3A_15 = vector.shape_cast %get3A_14 : vector<1x1280x128xf32> to vector<1280x128xf32>
    %get3A_16 = arith.constant 1 : index
    %get3A_17 = arith.constant 0 : index
    %get3A_18 = arith.constant 0 : index
    %get3A_19 = vector.load %arg1[%get3A_16, %get3A_17, %get3A_18] : memref<2x1280x128xf32, #tpu.memory_space<vmem>>, vector<1x1280x128xf32>
    %get3A_20 = vector.shape_cast %get3A_19 : vector<1x1280x128xf32> to vector<1280x128xf32>
    %add3A_21 = arith.addf %get3A_15, %get3A_20 : vector<1280x128xf32>
    %add3A_22 = vector.broadcast %concatenate3A : vector<1x128xf32> to vector<1280x128xf32>
    %add3A_23 = arith.addf %add3A_21, %add3A_22 : vector<1280x128xf32>
    %max3A = arith.constant 0.000000e+00 : f32
    %max3A_24 = vector.broadcast %max3A : f32 to vector<1280x128xf32>
    %max3A_25 = arith.maximumf %add3A_23, %max3A_24 : vector<1280x128xf32>
    %get3A_26 = arith.constant 0 : index
    %get3A_27 = arith.constant 0 : index
    %get3A_28 = vector.load %arg2[%get3A_26, %get3A_27] : memref<8x1280xi32, #tpu.memory_space<vmem>>, vector<1x1280xi32>
    %get3A_29 = vector.shape_cast %get3A_28 : vector<1x1280xi32> to vector<1280xi32>
    %iota3A = tpu.iota {dimensions = array<i32: 0>} : vector<64x1280xi32>
    %broadcast_in_dim3A = vector.shape_cast %get3A_29 : vector<1280xi32> to vector<1x1280xi32>
    %eq3A_30 = vector.broadcast %broadcast_in_dim3A : vector<1x1280xi32> to vector<64x1280xi32>
    %eq3A_31 = arith.cmpi eq, %iota3A, %eq3A_30 : vector<64x1280xi32>
    %convert_element_type3A_32 = arith.extui %eq3A_31 : vector<64x1280xi1> to vector<64x1280xi32>
    %convert_element_type3A_33 = arith.sitofp %convert_element_type3A_32 : vector<64x1280xi32> to vector<64x1280xf32>
    %slice3A = vector.extract_strided_slice %max3A_25 {offsets = [0, 0], sizes = [1280, 16], strides = [1, 1]} : vector<1280x128xf32> to vector<1280x16xf32>
    %get3A_34 = arith.constant 0 : index
    %get3A_35 = arith.constant 0 : index
    %get3A_36 = vector.load %arg11[%get3A_34, %get3A_35] : memref<64x16xf32, #tpu.memory_space<vmem>>, vector<64x16xf32>
    %dot_general3A_37 = arith.constant dense<0.000000e+00> : vector<64x16xf32>
    %dot_general3A_38 = tpu.matmul %convert_element_type3A_33, %slice3A, %dot_general3A_37 {dimension_numbers = #tpu.dot_dimension_numbers<[1], [0], [0], [1], [0, 0, 1, 1], [], []>, transpose_lhs_hint = false} : vector<64x1280xf32>, vector<1280x16xf32>, vector<64x16xf32> -> vector<64x16xf32>
    %add3A_39 = arith.addf %get3A_36, %dot_general3A_38 : vector<64x16xf32>
    %swap3A = arith.constant 0 : index
    %swap3A_40 = arith.constant 0 : index
    %swap3A_41 = vector.load %arg11[%swap3A, %swap3A_40] : memref<64x16xf32, #tpu.memory_space<vmem>>, vector<64x16xf32>
    tpu.vector_store %arg11[%swap3A, %swap3A_40], %add3A_39 {strides = array<i32>} : memref<64x16xf32, #tpu.memory_space<vmem>>, vector<64x16xf32>,
    %get3A_42 = arith.constant 0 : index
    %get3A_43 = arith.constant 0 : index
    %get3A_44 = vector.load %arg12[%get3A_42, %get3A_43] : memref<64x1xf32, #tpu.memory_space<vmem>>, vector<64x1xf32>
    %reduce_sum3A = arith.constant dense<0.000000e+00> : vector<64xf32>
    %reduce_sum3A_45 = vector.multi_reduction <add>, %convert_element_type3A_33, %reduce_sum3A [1] : vector<64x1280xf32> to vector<64xf32>
    %broadcast_in_dim3A_46 = vector.shape_cast %reduce_sum3A_45 : vector<64xf32> to vector<64x1xf32>
    %add3A_47 = arith.addf %get3A_44, %broadcast_in_dim3A_46 : vector<64x1xf32>
    %swap3A_48 = arith.constant 0 : index
    %swap3A_49 = arith.constant 0 : index
    %swap3A_50 = vector.load %arg12[%swap3A_48, %swap3A_49] : memref<64x1xf32, #tpu.memory_space<vmem>>, vector<64x1xf32>
    tpu.vector_store %arg12[%swap3A_48, %swap3A_49], %add3A_47 {strides = array<i32>} : memref<64x1xf32, #tpu.memory_space<vmem>>, vector<64x1xf32>,
    %get3A_51 = arith.constant 1 : index
    %get3A_52 = arith.constant 0 : index
    %get3A_53 = vector.load %arg2[%get3A_51, %get3A_52] : memref<8x1280xi32, #tpu.memory_space<vmem>>, vector<1x1280xi32>
    %get3A_54 = vector.shape_cast %get3A_53 : vector<1x1280xi32> to vector<1280xi32>
    %iota3A_55 = tpu.iota {dimensions = array<i32: 0>} : vector<64x1280xi32>
    %broadcast_in_dim3A_56 = vector.shape_cast %get3A_54 : vector<1280xi32> to vector<1x1280xi32>
    %eq3A_57 = vector.broadcast %broadcast_in_dim3A_56 : vector<1x1280xi32> to vector<64x1280xi32>
    %eq3A_58 = arith.cmpi eq, %iota3A_55, %eq3A_57 : vector<64x1280xi32>
    %convert_element_type3A_59 = arith.extui %eq3A_58 : vector<64x1280xi1> to vector<64x1280xi32>
    %convert_element_type3A_60 = arith.sitofp %convert_element_type3A_59 : vector<64x1280xi32> to vector<64x1280xf32>
    %slice3A_61 = vector.extract_strided_slice %max3A_25 {offsets = [0, 16], sizes = [1280, 16], strides = [1, 1]} : vector<1280x128xf32> to vector<1280x16xf32>
    %get3A_62 = arith.constant 0 : index
    %get3A_63 = arith.constant 0 : index
    %get3A_64 = vector.load %arg11[%get3A_62, %get3A_63] : memref<64x16xf32, #tpu.memory_space<vmem>>, vector<64x16xf32>
    %dot_general3A_65 = arith.constant dense<0.000000e+00> : vector<64x16xf32>
    %dot_general3A_66 = tpu.matmul %convert_element_type3A_60, %slice3A_61, %dot_general3A_65 {dimension_numbers = #tpu.dot_dimension_numbers<[1], [0], [0], [1], [0, 0, 1, 1], [], []>, transpose_lhs_hint = false} : vector<64x1280xf32>, vector<1280x16xf32>, vector<64x16xf32> -> vector<64x16xf32>
    %add3A_67 = arith.addf %get3A_64, %dot_general3A_66 : vector<64x16xf32>
    %swap3A_68 = arith.constant 0 : index
    %swap3A_69 = arith.constant 0 : index
    %swap3A_70 = vector.load %arg11[%swap3A_68, %swap3A_69] : memref<64x16xf32, #tpu.memory_space<vmem>>, vector<64x16xf32>
    tpu.vector_store %arg11[%swap3A_68, %swap3A_69], %add3A_67 {strides = array<i32>} : memref<64x16xf32, #tpu.memory_space<vmem>>, vector<64x16xf32>,
    %get3A_71 = arith.constant 0 : index
    %get3A_72 = arith.constant 0 : index
    %get3A_73 = vector.load %arg12[%get3A_71, %get3A_72] : memref<64x1xf32, #tpu.memory_space<vmem>>, vector<64x1xf32>
    %reduce_sum3A_74 = arith.constant dense<0.000000e+00> : vector<64xf32>
    %reduce_sum3A_75 = vector.multi_reduction <add>, %convert_element_type3A_60, %reduce_sum3A_74 [1] : vector<64x1280xf32> to vector<64xf32>
    %broadcast_in_dim3A_76 = vector.shape_cast %reduce_sum3A_75 : vector<64xf32> to vector<64x1xf32>
    %add3A_77 = arith.addf %get3A_73, %broadcast_in_dim3A_76 : vector<64x1xf32>
    %swap3A_78 = arith.constant 0 : index
    %swap3A_79 = arith.constant 0 : index
    %swap3A_80 = vector.load %arg12[%swap3A_78, %swap3A_79] : memref<64x1xf32, #tpu.memory_space<vmem>>, vector<64x1xf32>
    tpu.vector_store %arg12[%swap3A_78, %swap3A_79], %add3A_77 {strides = array<i32>} : memref<64x1xf32, #tpu.memory_space<vmem>>, vector<64x1xf32>,
    %get3A_81 = arith.constant 2 : index
    %get3A_82 = arith.constant 0 : index
    %get3A_83 = vector.load %arg2[%get3A_81, %get3A_82] : memref<8x1280xi32, #tpu.memory_space<vmem>>, vector<1x1280xi32>
    %get3A_84 = vector.shape_cast %get3A_83 : vector<1x1280xi32> to vector<1280xi32>
    %iota3A_85 = tpu.iota {dimensions = array<i32: 0>} : vector<64x1280xi32>
    %broadcast_in_dim3A_86 = vector.shape_cast %get3A_84 : vector<1280xi32> to vector<1x1280xi32>
    %eq3A_87 = vector.broadcast %broadcast_in_dim3A_86 : vector<1x1280xi32> to vector<64x1280xi32>
    %eq3A_88 = arith.cmpi eq, %iota3A_85, %eq3A_87 : vector<64x1280xi32>
    %convert_element_type3A_89 = arith.extui %eq3A_88 : vector<64x1280xi1> to vector<64x1280xi32>
    %convert_element_type3A_90 = arith.sitofp %convert_element_type3A_89 : vector<64x1280xi32> to vector<64x1280xf32>
    %slice3A_91 = vector.extract_strided_slice %max3A_25 {offsets = [0, 32], sizes = [1280, 16], strides = [1, 1]} : vector<1280x128xf32> to vector<1280x16xf32>
    %get3A_92 = arith.constant 0 : index
    %get3A_93 = arith.constant 0 : index
    %get3A_94 = vector.load %arg11[%get3A_92, %get3A_93] : memref<64x16xf32, #tpu.memory_space<vmem>>, vector<64x16xf32>
    %dot_general3A_95 = arith.constant dense<0.000000e+00> : vector<64x16xf32>
    %dot_general3A_96 = tpu.matmul %convert_element_type3A_90, %slice3A_91, %dot_general3A_95 {dimension_numbers = #tpu.dot_dimension_numbers<[1], [0], [0], [1], [0, 0, 1, 1], [], []>, transpose_lhs_hint = false} : vector<64x1280xf32>, vector<1280x16xf32>, vector<64x16xf32> -> vector<64x16xf32>
    %add3A_97 = arith.addf %get3A_94, %dot_general3A_96 : vector<64x16xf32>
    %swap3A_98 = arith.constant 0 : index
    %swap3A_99 = arith.constant 0 : index
    %swap3A_100 = vector.load %arg11[%swap3A_98, %swap3A_99] : memref<64x16xf32, #tpu.memory_space<vmem>>, vector<64x16xf32>
    tpu.vector_store %arg11[%swap3A_98, %swap3A_99], %add3A_97 {strides = array<i32>} : memref<64x16xf32, #tpu.memory_space<vmem>>, vector<64x16xf32>,
    %get3A_101 = arith.constant 0 : index
    %get3A_102 = arith.constant 0 : index
    %get3A_103 = vector.load %arg12[%get3A_101, %get3A_102] : memref<64x1xf32, #tpu.memory_space<vmem>>, vector<64x1xf32>
    %reduce_sum3A_104 = arith.constant dense<0.000000e+00> : vector<64xf32>
    %reduce_sum3A_105 = vector.multi_reduction <add>, %convert_element_type3A_90, %reduce_sum3A_104 [1] : vector<64x1280xf32> to vector<64xf32>
    %broadcast_in_dim3A_106 = vector.shape_cast %reduce_sum3A_105 : vector<64xf32> to vector<64x1xf32>
    %add3A_107 = arith.addf %get3A_103, %broadcast_in_dim3A_106 : vector<64x1xf32>
    %swap3A_108 = arith.constant 0 : index
    %swap3A_109 = arith.constant 0 : index
    %swap3A_110 = vector.load %arg12[%swap3A_108, %swap3A_109] : memref<64x1xf32, #tpu.memory_space<vmem>>, vector<64x1xf32>
    tpu.vector_store %arg12[%swap3A_108, %swap3A_109], %add3A_107 {strides = array<i32>} : memref<64x1xf32, #tpu.memory_space<vmem>>, vector<64x1xf32>,
    %get3A_111 = arith.constant 3 : index
    %get3A_112 = arith.constant 0 : index
    %get3A_113 = vector.load %arg2[%get3A_111, %get3A_112] : memref<8x1280xi32, #tpu.memory_space<vmem>>, vector<1x1280xi32>
    %get3A_114 = vector.shape_cast %get3A_113 : vector<1x1280xi32> to vector<1280xi32>
    %iota3A_115 = tpu.iota {dimensions = array<i32: 0>} : vector<64x1280xi32>
    %broadcast_in_dim3A_116 = vector.shape_cast %get3A_114 : vector<1280xi32> to vector<1x1280xi32>
    %eq3A_117 = vector.broadcast %broadcast_in_dim3A_116 : vector<1x1280xi32> to vector<64x1280xi32>
    %eq3A_118 = arith.cmpi eq, %iota3A_115, %eq3A_117 : vector<64x1280xi32>
    %convert_element_type3A_119 = arith.extui %eq3A_118 : vector<64x1280xi1> to vector<64x1280xi32>
    %convert_element_type3A_120 = arith.sitofp %convert_element_type3A_119 : vector<64x1280xi32> to vector<64x1280xf32>
    %slice3A_121 = vector.extract_strided_slice %max3A_25 {offsets = [0, 48], sizes = [1280, 16], strides = [1, 1]} : vector<1280x128xf32> to vector<1280x16xf32>
    %get3A_122 = arith.constant 0 : index
    %get3A_123 = arith.constant 0 : index
    %get3A_124 = vector.load %arg11[%get3A_122, %get3A_123] : memref<64x16xf32, #tpu.memory_space<vmem>>, vector<64x16xf32>
    %dot_general3A_125 = arith.constant dense<0.000000e+00> : vector<64x16xf32>
    %dot_general3A_126 = tpu.matmul %convert_element_type3A_120, %slice3A_121, %dot_general3A_125 {dimension_numbers = #tpu.dot_dimension_numbers<[1], [0], [0], [1], [0, 0, 1, 1], [], []>, transpose_lhs_hint = false} : vector<64x1280xf32>, vector<1280x16xf32>, vector<64x16xf32> -> vector<64x16xf32>
    %add3A_127 = arith.addf %get3A_124, %dot_general3A_126 : vector<64x16xf32>
    %swap3A_128 = arith.constant 0 : index
    %swap3A_129 = arith.constant 0 : index
    %swap3A_130 = vector.load %arg11[%swap3A_128, %swap3A_129] : memref<64x16xf32, #tpu.memory_space<vmem>>, vector<64x16xf32>
    tpu.vector_store %arg11[%swap3A_128, %swap3A_129], %add3A_127 {strides = array<i32>} : memref<64x16xf32, #tpu.memory_space<vmem>>, vector<64x16xf32>,
    %get3A_131 = arith.constant 0 : index
    %get3A_132 = arith.constant 0 : index
    %get3A_133 = vector.load %arg12[%get3A_131, %get3A_132] : memref<64x1xf32, #tpu.memory_space<vmem>>, vector<64x1xf32>
    %reduce_sum3A_134 = arith.constant dense<0.000000e+00> : vector<64xf32>
    %reduce_sum3A_135 = vector.multi_reduction <add>, %convert_element_type3A_120, %reduce_sum3A_134 [1] : vector<64x1280xf32> to vector<64xf32>
    %broadcast_in_dim3A_136 = vector.shape_cast %reduce_sum3A_135 : vector<64xf32> to vector<64x1xf32>
    %add3A_137 = arith.addf %get3A_133, %broadcast_in_dim3A_136 : vector<64x1xf32>
    %swap3A_138 = arith.constant 0 : index
    %swap3A_139 = arith.constant 0 : index
    %swap3A_140 = vector.load %arg12[%swap3A_138, %swap3A_139] : memref<64x1xf32, #tpu.memory_space<vmem>>, vector<64x1xf32>
    tpu.vector_store %arg12[%swap3A_138, %swap3A_139], %add3A_137 {strides = array<i32>} : memref<64x1xf32, #tpu.memory_space<vmem>>, vector<64x1xf32>,
    %get3A_141 = arith.constant 4 : index
    %get3A_142 = arith.constant 0 : index
    %get3A_143 = vector.load %arg2[%get3A_141, %get3A_142] : memref<8x1280xi32, #tpu.memory_space<vmem>>, vector<1x1280xi32>
    %get3A_144 = vector.shape_cast %get3A_143 : vector<1x1280xi32> to vector<1280xi32>
    %iota3A_145 = tpu.iota {dimensions = array<i32: 0>} : vector<64x1280xi32>
    %broadcast_in_dim3A_146 = vector.shape_cast %get3A_144 : vector<1280xi32> to vector<1x1280xi32>
    %eq3A_147 = vector.broadcast %broadcast_in_dim3A_146 : vector<1x1280xi32> to vector<64x1280xi32>
    %eq3A_148 = arith.cmpi eq, %iota3A_145, %eq3A_147 : vector<64x1280xi32>
    %convert_element_type3A_149 = arith.extui %eq3A_148 : vector<64x1280xi1> to vector<64x1280xi32>
    %convert_element_type3A_150 = arith.sitofp %convert_element_type3A_149 : vector<64x1280xi32> to vector<64x1280xf32>
    %slice3A_151 = vector.extract_strided_slice %max3A_25 {offsets = [0, 64], sizes = [1280, 16], strides = [1, 1]} : vector<1280x128xf32> to vector<1280x16xf32>
    %get3A_152 = arith.constant 0 : index
    %get3A_153 = arith.constant 0 : index
    %get3A_154 = vector.load %arg11[%get3A_152, %get3A_153] : memref<64x16xf32, #tpu.memory_space<vmem>>, vector<64x16xf32>
    %dot_general3A_155 = arith.constant dense<0.000000e+00> : vector<64x16xf32>
    %dot_general3A_156 = tpu.matmul %convert_element_type3A_150, %slice3A_151, %dot_general3A_155 {dimension_numbers = #tpu.dot_dimension_numbers<[1], [0], [0], [1], [0, 0, 1, 1], [], []>, transpose_lhs_hint = false} : vector<64x1280xf32>, vector<1280x16xf32>, vector<64x16xf32> -> vector<64x16xf32>
    %add3A_157 = arith.addf %get3A_154, %dot_general3A_156 : vector<64x16xf32>
    %swap3A_158 = arith.constant 0 : index
    %swap3A_159 = arith.constant 0 : index
    %swap3A_160 = vector.load %arg11[%swap3A_158, %swap3A_159] : memref<64x16xf32, #tpu.memory_space<vmem>>, vector<64x16xf32>
    tpu.vector_store %arg11[%swap3A_158, %swap3A_159], %add3A_157 {strides = array<i32>} : memref<64x16xf32, #tpu.memory_space<vmem>>, vector<64x16xf32>,
    %get3A_161 = arith.constant 0 : index
    %get3A_162 = arith.constant 0 : index
    %get3A_163 = vector.load %arg12[%get3A_161, %get3A_162] : memref<64x1xf32, #tpu.memory_space<vmem>>, vector<64x1xf32>
    %reduce_sum3A_164 = arith.constant dense<0.000000e+00> : vector<64xf32>
    %reduce_sum3A_165 = vector.multi_reduction <add>, %convert_element_type3A_150, %reduce_sum3A_164 [1] : vector<64x1280xf32> to vector<64xf32>
    %broadcast_in_dim3A_166 = vector.shape_cast %reduce_sum3A_165 : vector<64xf32> to vector<64x1xf32>
    %add3A_167 = arith.addf %get3A_163, %broadcast_in_dim3A_166 : vector<64x1xf32>
    %swap3A_168 = arith.constant 0 : index
    %swap3A_169 = arith.constant 0 : index
    %swap3A_170 = vector.load %arg12[%swap3A_168, %swap3A_169] : memref<64x1xf32, #tpu.memory_space<vmem>>, vector<64x1xf32>
    tpu.vector_store %arg12[%swap3A_168, %swap3A_169], %add3A_167 {strides = array<i32>} : memref<64x1xf32, #tpu.memory_space<vmem>>, vector<64x1xf32>,
    %get3A_171 = arith.constant 5 : index
    %get3A_172 = arith.constant 0 : index
    %get3A_173 = vector.load %arg2[%get3A_171, %get3A_172] : memref<8x1280xi32, #tpu.memory_space<vmem>>, vector<1x1280xi32>
    %get3A_174 = vector.shape_cast %get3A_173 : vector<1x1280xi32> to vector<1280xi32>
    %iota3A_175 = tpu.iota {dimensions = array<i32: 0>} : vector<64x1280xi32>
    %broadcast_in_dim3A_176 = vector.shape_cast %get3A_174 : vector<1280xi32> to vector<1x1280xi32>
    %eq3A_177 = vector.broadcast %broadcast_in_dim3A_176 : vector<1x1280xi32> to vector<64x1280xi32>
    %eq3A_178 = arith.cmpi eq, %iota3A_175, %eq3A_177 : vector<64x1280xi32>
    %convert_element_type3A_179 = arith.extui %eq3A_178 : vector<64x1280xi1> to vector<64x1280xi32>
    %convert_element_type3A_180 = arith.sitofp %convert_element_type3A_179 : vector<64x1280xi32> to vector<64x1280xf32>
    %slice3A_181 = vector.extract_strided_slice %max3A_25 {offsets = [0, 80], sizes = [1280, 16], strides = [1, 1]} : vector<1280x128xf32> to vector<1280x16xf32>
    %get3A_182 = arith.constant 0 : index
    %get3A_183 = arith.constant 0 : index
    %get3A_184 = vector.load %arg11[%get3A_182, %get3A_183] : memref<64x16xf32, #tpu.memory_space<vmem>>, vector<64x16xf32>
    %dot_general3A_185 = arith.constant dense<0.000000e+00> : vector<64x16xf32>
    %dot_general3A_186 = tpu.matmul %convert_element_type3A_180, %slice3A_181, %dot_general3A_185 {dimension_numbers = #tpu.dot_dimension_numbers<[1], [0], [0], [1], [0, 0, 1, 1], [], []>, transpose_lhs_hint = false} : vector<64x1280xf32>, vector<1280x16xf32>, vector<64x16xf32> -> vector<64x16xf32>
    %add3A_187 = arith.addf %get3A_184, %dot_general3A_186 : vector<64x16xf32>
    %swap3A_188 = arith.constant 0 : index
    %swap3A_189 = arith.constant 0 : index
    %swap3A_190 = vector.load %arg11[%swap3A_188, %swap3A_189] : memref<64x16xf32, #tpu.memory_space<vmem>>, vector<64x16xf32>
    tpu.vector_store %arg11[%swap3A_188, %swap3A_189], %add3A_187 {strides = array<i32>} : memref<64x16xf32, #tpu.memory_space<vmem>>, vector<64x16xf32>,
    %get3A_191 = arith.constant 0 : index
    %get3A_192 = arith.constant 0 : index
    %get3A_193 = vector.load %arg12[%get3A_191, %get3A_192] : memref<64x1xf32, #tpu.memory_space<vmem>>, vector<64x1xf32>
    %reduce_sum3A_194 = arith.constant dense<0.000000e+00> : vector<64xf32>
    %reduce_sum3A_195 = vector.multi_reduction <add>, %convert_element_type3A_180, %reduce_sum3A_194 [1] : vector<64x1280xf32> to vector<64xf32>
    %broadcast_in_dim3A_196 = vector.shape_cast %reduce_sum3A_195 : vector<64xf32> to vector<64x1xf32>
    %add3A_197 = arith.addf %get3A_193, %broadcast_in_dim3A_196 : vector<64x1xf32>
    %swap3A_198 = arith.constant 0 : index
    %swap3A_199 = arith.constant 0 : index
    %swap3A_200 = vector.load %arg12[%swap3A_198, %swap3A_199] : memref<64x1xf32, #tpu.memory_space<vmem>>, vector<64x1xf32>
    tpu.vector_store %arg12[%swap3A_198, %swap3A_199], %add3A_197 {strides = array<i32>} : memref<64x1xf32, #tpu.memory_space<vmem>>, vector<64x1xf32>,
    %get3A_201 = arith.constant 6 : index
    %get3A_202 = arith.constant 0 : index
    %get3A_203 = vector.load %arg2[%get3A_201, %get3A_202] : memref<8x1280xi32, #tpu.memory_space<vmem>>, vector<1x1280xi32>
    %get3A_204 = vector.shape_cast %get3A_203 : vector<1x1280xi32> to vector<1280xi32>
    %iota3A_205 = tpu.iota {dimensions = array<i32: 0>} : vector<64x1280xi32>
    %broadcast_in_dim3A_206 = vector.shape_cast %get3A_204 : vector<1280xi32> to vector<1x1280xi32>
    %eq3A_207 = vector.broadcast %broadcast_in_dim3A_206 : vector<1x1280xi32> to vector<64x1280xi32>
    %eq3A_208 = arith.cmpi eq, %iota3A_205, %eq3A_207 : vector<64x1280xi32>
    %convert_element_type3A_209 = arith.extui %eq3A_208 : vector<64x1280xi1> to vector<64x1280xi32>
    %convert_element_type3A_210 = arith.sitofp %convert_element_type3A_209 : vector<64x1280xi32> to vector<64x1280xf32>
    %slice3A_211 = vector.extract_strided_slice %max3A_25 {offsets = [0, 96], sizes = [1280, 16], strides = [1, 1]} : vector<1280x128xf32> to vector<1280x16xf32>
    %get3A_212 = arith.constant 0 : index
    %get3A_213 = arith.constant 0 : index
    %get3A_214 = vector.load %arg11[%get3A_212, %get3A_213] : memref<64x16xf32, #tpu.memory_space<vmem>>, vector<64x16xf32>
    %dot_general3A_215 = arith.constant dense<0.000000e+00> : vector<64x16xf32>
    %dot_general3A_216 = tpu.matmul %convert_element_type3A_210, %slice3A_211, %dot_general3A_215 {dimension_numbers = #tpu.dot_dimension_numbers<[1], [0], [0], [1], [0, 0, 1, 1], [], []>, transpose_lhs_hint = false} : vector<64x1280xf32>, vector<1280x16xf32>, vector<64x16xf32> -> vector<64x16xf32>
    %add3A_217 = arith.addf %get3A_214, %dot_general3A_216 : vector<64x16xf32>
    %swap3A_218 = arith.constant 0 : index
    %swap3A_219 = arith.constant 0 : index
    %swap3A_220 = vector.load %arg11[%swap3A_218, %swap3A_219] : memref<64x16xf32, #tpu.memory_space<vmem>>, vector<64x16xf32>
    tpu.vector_store %arg11[%swap3A_218, %swap3A_219], %add3A_217 {strides = array<i32>} : memref<64x16xf32, #tpu.memory_space<vmem>>, vector<64x16xf32>,
    %get3A_221 = arith.constant 0 : index
    %get3A_222 = arith.constant 0 : index
    %get3A_223 = vector.load %arg12[%get3A_221, %get3A_222] : memref<64x1xf32, #tpu.memory_space<vmem>>, vector<64x1xf32>
    %reduce_sum3A_224 = arith.constant dense<0.000000e+00> : vector<64xf32>
    %reduce_sum3A_225 = vector.multi_reduction <add>, %convert_element_type3A_210, %reduce_sum3A_224 [1] : vector<64x1280xf32> to vector<64xf32>
    %broadcast_in_dim3A_226 = vector.shape_cast %reduce_sum3A_225 : vector<64xf32> to vector<64x1xf32>
    %add3A_227 = arith.addf %get3A_223, %broadcast_in_dim3A_226 : vector<64x1xf32>
    %swap3A_228 = arith.constant 0 : index
    %swap3A_229 = arith.constant 0 : index
    %swap3A_230 = vector.load %arg12[%swap3A_228, %swap3A_229] : memref<64x1xf32, #tpu.memory_space<vmem>>, vector<64x1xf32>
    tpu.vector_store %arg12[%swap3A_228, %swap3A_229], %add3A_227 {strides = array<i32>} : memref<64x1xf32, #tpu.memory_space<vmem>>, vector<64x1xf32>,
    %get3A_231 = arith.constant 7 : index
    %get3A_232 = arith.constant 0 : index
    %get3A_233 = vector.load %arg2[%get3A_231, %get3A_232] : memref<8x1280xi32, #tpu.memory_space<vmem>>, vector<1x1280xi32>
    %get3A_234 = vector.shape_cast %get3A_233 : vector<1x1280xi32> to vector<1280xi32>
    %iota3A_235 = tpu.iota {dimensions = array<i32: 0>} : vector<64x1280xi32>
    %broadcast_in_dim3A_236 = vector.shape_cast %get3A_234 : vector<1280xi32> to vector<1x1280xi32>
    %eq3A_237 = vector.broadcast %broadcast_in_dim3A_236 : vector<1x1280xi32> to vector<64x1280xi32>
    %eq3A_238 = arith.cmpi eq, %iota3A_235, %eq3A_237 : vector<64x1280xi32>
    %convert_element_type3A_239 = arith.extui %eq3A_238 : vector<64x1280xi1> to vector<64x1280xi32>
    %convert_element_type3A_240 = arith.sitofp %convert_element_type3A_239 : vector<64x1280xi32> to vector<64x1280xf32>
    %slice3A_241 = vector.extract_strided_slice %max3A_25 {offsets = [0, 112], sizes = [1280, 16], strides = [1, 1]} : vector<1280x128xf32> to vector<1280x16xf32>
    %get3A_242 = arith.constant 0 : index
    %get3A_243 = arith.constant 0 : index
    %get3A_244 = vector.load %arg11[%get3A_242, %get3A_243] : memref<64x16xf32, #tpu.memory_space<vmem>>, vector<64x16xf32>
    %dot_general3A_245 = arith.constant dense<0.000000e+00> : vector<64x16xf32>
    %dot_general3A_246 = tpu.matmul %convert_element_type3A_240, %slice3A_241, %dot_general3A_245 {dimension_numbers = #tpu.dot_dimension_numbers<[1], [0], [0], [1], [0, 0, 1, 1], [], []>, transpose_lhs_hint = false} : vector<64x1280xf32>, vector<1280x16xf32>, vector<64x16xf32> -> vector<64x16xf32>
    %add3A_247 = arith.addf %get3A_244, %dot_general3A_246 : vector<64x16xf32>
    %swap3A_248 = arith.constant 0 : index
    %swap3A_249 = arith.constant 0 : index
    %swap3A_250 = vector.load %arg11[%swap3A_248, %swap3A_249] : memref<64x16xf32, #tpu.memory_space<vmem>>, vector<64x16xf32>
    tpu.vector_store %arg11[%swap3A_248, %swap3A_249], %add3A_247 {strides = array<i32>} : memref<64x16xf32, #tpu.memory_space<vmem>>, vector<64x16xf32>,
    %get3A_251 = arith.constant 0 : index
    %get3A_252 = arith.constant 0 : index
    %get3A_253 = vector.load %arg12[%get3A_251, %get3A_252] : memref<64x1xf32, #tpu.memory_space<vmem>>, vector<64x1xf32>
    %reduce_sum3A_254 = arith.constant dense<0.000000e+00> : vector<64xf32>
    %reduce_sum3A_255 = vector.multi_reduction <add>, %convert_element_type3A_240, %reduce_sum3A_254 [1] : vector<64x1280xf32> to vector<64xf32>
    %broadcast_in_dim3A_256 = vector.shape_cast %reduce_sum3A_255 : vector<64xf32> to vector<64x1xf32>
    %add3A_257 = arith.addf %get3A_253, %broadcast_in_dim3A_256 : vector<64x1xf32>
    %swap3A_258 = arith.constant 0 : index
    %swap3A_259 = arith.constant 0 : index
    %swap3A_260 = vector.load %arg12[%swap3A_258, %swap3A_259] : memref<64x1xf32, #tpu.memory_space<vmem>>, vector<64x1xf32>
    tpu.vector_store %arg12[%swap3A_258, %swap3A_259], %add3A_257 {strides = array<i32>} : memref<64x1xf32, #tpu.memory_space<vmem>>, vector<64x1xf32>,
    %eq3A_261 = arith.constant 0 : i32
    %eq3A_262 = arith.cmpi eq, %arg0, %eq3A_261 : i32
    %convert_element_type3A_263 = arith.extui %eq3A_262 : i1 to i32
    %cond3A_264 = arith.constant 0 : i32
    %cond3A_265 = arith.cmpi ne, %convert_element_type3A_263, %cond3A_264 : i32
    scf.if %cond3A_265 {
      %get3A_266 = arith.constant 0 : index
      %get3A_267 = arith.constant 0 : index
      %get3A_268 = vector.load %arg11[%get3A_266, %get3A_267] : memref<64x16xf32, #tpu.memory_space<vmem>>, vector<64x16xf32>
      %get3A_269 = arith.constant 0 : index
      %get3A_270 = arith.constant 0 : index
      %get3A_271 = vector.load %arg12[%get3A_269, %get3A_270] : memref<64x1xf32, #tpu.memory_space<vmem>>, vector<64x1xf32>
      %max3A_272 = arith.constant 1.000000e+00 : f32
      %max3A_273 = vector.broadcast %max3A_272 : f32 to vector<64x1xf32>
      %max3A_274 = arith.maximumf %get3A_271, %max3A_273 : vector<64x1xf32>
      %div3A = vector.broadcast %max3A_274 : vector<64x1xf32> to vector<64x16xf32>
      %div3A_275 = arith.divf %get3A_268, %div3A : vector<64x16xf32>
      %get3A_276 = arith.constant 0 : index
      %get3A_277 = arith.constant 0 : index
      %get3A_278 = vector.load %arg6[%get3A_276, %get3A_277] : memref<16x32xf32, #tpu.memory_space<vmem>>, vector<16x32xf32>
      %dot_general3A_279 = arith.constant dense<0.000000e+00> : vector<64x32xf32>
      %dot_general3A_280 = tpu.matmul %div3A_275, %get3A_278, %dot_general3A_279 {dimension_numbers = #tpu.dot_dimension_numbers<[1], [0], [0], [1], [0, 0, 1, 1], [], []>, transpose_lhs_hint = false} : vector<64x16xf32>, vector<16x32xf32>, vector<64x32xf32> -> vector<64x32xf32>
      %get3A_281 = arith.constant 0 : index
      %get3A_282 = arith.constant 0 : index
      %get3A_283 = vector.load %arg7[%get3A_281, %get3A_282] : memref<1x32xf32, #tpu.memory_space<vmem>>, vector<1x32xf32>
      %add3A_284 = vector.broadcast %get3A_283 : vector<1x32xf32> to vector<64x32xf32>
      %add3A_285 = arith.addf %dot_general3A_280, %add3A_284 : vector<64x32xf32>
      %max3A_286 = arith.constant 0.000000e+00 : f32
      %max3A_287 = vector.broadcast %max3A_286 : f32 to vector<64x32xf32>
      %max3A_288 = arith.maximumf %add3A_285, %max3A_287 : vector<64x32xf32>
      %get3A_289 = arith.constant 0 : index
      %get3A_290 = arith.constant 0 : index
      %get3A_291 = vector.load %arg8[%get3A_289, %get3A_290] : memref<32x10xf32, #tpu.memory_space<vmem>>, vector<32x10xf32>
      %dot_general3A_292 = arith.constant dense<0.000000e+00> : vector<64x10xf32>
      %dot_general3A_293 = tpu.matmul %max3A_288, %get3A_291, %dot_general3A_292 {dimension_numbers = #tpu.dot_dimension_numbers<[1], [0], [0], [1], [0, 0, 1, 1], [], []>, transpose_lhs_hint = false} : vector<64x32xf32>, vector<32x10xf32>, vector<64x10xf32> -> vector<64x10xf32>
      %get3A_294 = arith.constant 0 : index
      %get3A_295 = arith.constant 0 : index
      %get3A_296 = vector.load %arg9[%get3A_294, %get3A_295] : memref<1x10xf32, #tpu.memory_space<vmem>>, vector<1x10xf32>
      %add3A_297 = vector.broadcast %get3A_296 : vector<1x10xf32> to vector<64x10xf32>
      %add3A_298 = arith.addf %dot_general3A_293, %add3A_297 : vector<64x10xf32>
      %swap3A_299 = arith.constant 0 : index
      %swap3A_300 = arith.constant 0 : index
      %swap3A_301 = vector.load %arg10[%swap3A_299, %swap3A_300] : memref<64x10xf32, #tpu.memory_space<vmem>>, vector<64x10xf32>
      tpu.vector_store %arg10[%swap3A_299, %swap3A_300], %add3A_298 {strides = array<i32>} : memref<64x10xf32, #tpu.memory_space<vmem>>, vector<64x10xf32>,
    } else {
    }
    return
  }
  func.func @transform_0(%arg0: i32) -> (i32, i32, i32) {
    %c0_i32 = arith.constant 0 : i32
    %c0_i32_0 = arith.constant 0 : i32
    %c0_i32_1 = arith.constant 0 : i32
    return %c0_i32, %arg0, %c0_i32_0 : i32, i32, i32
  }
  func.func @transform_1(%arg0: i32) -> (i32, i32) {
    %c0_i32 = arith.constant 0 : i32
    %c0_i32_0 = arith.constant 0 : i32
    return %c0_i32, %arg0 : i32, i32
  }
  func.func @transform_2(%arg0: i32) -> (i32, i32) {
    %c0_i32 = arith.constant 0 : i32
    %c0_i32_0 = arith.constant 0 : i32
    %c0_i32_1 = arith.constant 0 : i32
    return %c0_i32, %c0_i32_0 : i32, i32
  }
  func.func @transform_3(%arg0: i32) -> (i32, i32) {
    %c0_i32 = arith.constant 0 : i32
    %c0_i32_0 = arith.constant 0 : i32
    %c0_i32_1 = arith.constant 0 : i32
    return %c0_i32, %c0_i32_0 : i32, i32
  }
  func.func @transform_4(%arg0: i32) -> (i32, i32) {
    %c0_i32 = arith.constant 0 : i32
    %c0_i32_0 = arith.constant 0 : i32
    %c0_i32_1 = arith.constant 0 : i32
    return %c0_i32, %c0_i32_0 : i32, i32
  }
  func.func @transform_5(%arg0: i32) -> (i32, i32) {
    %c0_i32 = arith.constant 0 : i32
    %c0_i32_0 = arith.constant 0 : i32
    %c0_i32_1 = arith.constant 0 : i32
    return %c0_i32, %c0_i32_0 : i32, i32
  }
  func.func @transform_6(%arg0: i32) -> (i32, i32) {
    %c0_i32 = arith.constant 0 : i32
    %c0_i32_0 = arith.constant 0 : i32
    %c0_i32_1 = arith.constant 0 : i32
    return %c0_i32, %c0_i32_0 : i32, i32
  }
  func.func @transform_7(%arg0: i32) -> (i32, i32) {
    %c0_i32 = arith.constant 0 : i32
    %c0_i32_0 = arith.constant 0 : i32
    %c0_i32_1 = arith.constant 0 : i32
    return %c0_i32, %c0_i32_0 : i32, i32
  }
  func.func @transform_8(%arg0: i32) -> (i32, i32) {
    %c0_i32 = arith.constant 0 : i32
    %c0_i32_0 = arith.constant 0 : i32
    %c0_i32_1 = arith.constant 0 : i32
    return %c0_i32, %c0_i32_0 : i32, i32
  }
  func.func @transform_9(%arg0: i32) -> (i32, i32) {
    %c0_i32 = arith.constant 0 : i32
    %c0_i32_0 = arith.constant 0 : i32
    %c0_i32_1 = arith.constant 0 : i32
    return %c0_i32, %c0_i32_0 : i32, i32
  }
}

</mosaic_0001>

<sc_bundles>
// kernel: kernel.5.cloned.1.call-start
scs
__scs_entry_jumppad:
0x0: {  	(pc) =	sbr.rel $0x88, $3  }
0x1: {  	(tag) =	ssettag $0x0;
	lr =	simm.s32 $0x1  }
0x2: {  	[smem:$0x3F91] =	sst lr;
	_ =	strace $0xD0000000  }
0x3: {  	_ = 	snop  }
0x4: {  	_ = 	snop  }
0x5: {  	_ = 	snop  }
0x6: {  	_ = 	snop  }
0x7: {  	_ = 	snop  }
__scs_overlays_trampoline_lowered:
0x8: {  	[smem:$0x3FA0] =	sst s0  }
0x9: {  	[smem:$0x3FA1] =	sst s1  }
0xa: {  	[smem:$0x3FA2] =	sst s2  }
0xb: {  	[smem:$0x3FA3] =	sst s3  }
0xc: {  	[smem:$0x3FA4] =	sst s4  }
0xd: {  	[smem:$0x3FA5] =	sst s5  }
0xe: {  	[smem:$0x3FA6] =	sst s6  }
0xf: {  	[smem:$0x3FA7] =	sst s7  }
0x10: {  	[smem:$0x3FA8] =	sst s8  }
0x11: {  	[smem:$0x3FA9] =	sst s9;
	s0 =	simm.s32 @!p0 $0x0  }
0x12: {  	s1 =	sld [smem:$0x3F8F];
	s0 =	simm.s32 @p0 $0x1  }
0x13: {  	[smem:$0x3FAA] =	sst s0;
	s0 =	simm.s32 @!p1 $0x0  }
0x14: {  	s2 =	sld [smem:$0x3F8E];
	s0 =	simm.s32 @p1 $0x1  }
0x15: {  	[smem:$0x3FAB] =	sst s0;
	s0 =	simm.s32 @!p2 $0x0  }
0x16: {  	s3 =	sld [smem:$0x3FDB];
	s0 =	simm.s32 @p2 $0x1  }
0x17: {  	s4 =	simm.s32 $0x1BF5;
	[smem:$0x3FAD] =	sst s0  }
0x18: {  	s0 =	sld [smem:$0x3F90];
	_ =	swait.ge [sflag:s4], $0x0  }
0x19: {  	s7 =	sld [smem:$0x3F91]  }
0x1a: {  	s8 =	sadd.s32 $0xFFFFE003, lr  }
0x1b: {  	s9 =	sadd.s32 $0xFFFFFEF7, lr;
	s5 =	simm.s32 $0xFFFFFFFF;
	p2 =	slt.u32 s8, $0xFFFFF086  }
0x1c: {  	p1 =	slt.u32 s9, $0xF7A;
	s5 =	simm.s32 @!p2 $0x0  }
0x1d: {  	s5 =	simm.s32 @p1 $0x1;
	p0 =	seq.s32 s7, s2  }
0x1e: {  	s7 =	smul.u32 @!p0 $0xF7A, s2;
	p2 =	seq.s32 @!p0 s5, $0x0  }
0x1f: {  	s9 =	smul.u32 $0xF7A, s1;
	s8 =	simm.s32 @!p0 $0x1BF5;
	p2 =	por !p2, p0  }
0x20: {  	[sflag:s8] =	ssyncset.s32 @!p0 $0xFFFFF086;
	s6 =	sadd.s32 @!p0 s3, s7;
	s7 =	simm.s32 @!p0 $0x108  }
0x21: {  	s3 =	sadd.s32 s3, s9;
	s6 =	sadd.s32 @!p0 $0x88, s6;
	s7 =	simm.s32 @p2 $0x1082  }
0x22: {  	[simem:s7], [sflag:s8] =	dma.local @!p0 [hbm:s6], $0xF7A  }
0x23: {  	s9 =	sor.u32 $0xD0000000, s2;
	s6 =	simm.s32 $0x108;
	_ =	swait.ge @!p0 [sflag:s8], $0x0  }
0x24: {  	s3 =	sadd.s32 $0x88, s3;
	s6 =	simm.s32 @!p1 $0x1082;
	[sflag:s4] =	ssyncset.s32 $0xFFFFF086  }
0x25: {  	[simem:s6], [sflag:s4] =	dma.local [hbm:s3], $0xF7A  }
0x26: {  	[smem:$0x3F91] =	sst s1;
	(tag) =	ssettag s2;
	_ =	strace s9  }
0x27: {  	s1 =	sld [smem:$0x3FA1]  }
0x28: {  	s2 =	sld [smem:$0x3FA2]  }
0x29: {  	s4 =	sld [smem:$0x3FA4]  }
0x2a: {  	p0 =	seq.s32 s5, $0x0;
	s5 =	sld [smem:$0x3FA5]  }
0x2b: {  	s6 =	sld [smem:$0x3FA6]  }
0x2c: {  	s7 =	sld [smem:$0x3FA7]  }
0x2d: {  	s3 =	simm.s32 $0x108;
	s8 =	sld [smem:$0x3FA8]  }
0x2e: {  	s3 =	simm.s32 @!p0 $0x1082;
	s9 =	sld [smem:$0x3FA9]  }
0x2f: {  	lr =	sadd.s32 s0, s3;
	s0 =	sld [smem:$0x3FA0]  }
0x30: {  	s3 =	sld [smem:$0x3FA3]  }
0x31: {  	[smem:$0x3FAC] =	sst s10  }
0x32: {  	s10 =	sld [smem:$0x3FAA];
	_ =	sdelay $0x3  }
0x33: {  	p0 =	seq.s32 s10, $0x1;
	s10 =	sld [smem:$0x3FAC];
	_ =	sdelay $0x3  }
0x34: {  	[smem:$0x3FAC] =	sst s10  }
0x35: {  	s10 =	sld [smem:$0x3FAB];
	_ =	sdelay $0x3  }
0x36: {  	p1 =	seq.s32 s10, $0x1;
	s10 =	sld [smem:$0x3FAC];
	_ =	sdelay $0x3  }
0x37: {  	[smem:$0x3FAC] =	sst s10  }
0x38: {  	s10 =	sld [smem:$0x3FAD]  }
0x39: {  	_ = 	snop;
	(pc) =	sbr.ind lr, $3  }
0x3a: {  	_ = 	snop  }
0x3b: {  	_ = 	snop  }
0x3c: {  	p2 =	seq.s32 s10, $0x1;
	s10 =	sld [smem:$0x3FAC]  }
0x3d: {  	_ =	shalt  }
0x3e: {  	_ =	shalt  }
0x3f: {  	_ =	shalt  }
0x40: {  	_ =	shalt  }
0x41: {  	_ =	shalt  }
0x42: {  	_ =	shalt  }
0x43: {  	_ =	shalt  }
0x44: {  	_ =	shalt  }
0x45: {  	_ =	shalt  }
0x46: {  	_ =	shalt  }
0x47: {  	_ =	shalt  }
0x48: {  	_ =	shalt  }
0x49: {  	_ =	shalt  }
0x4a: {  	_ =	shalt  }
0x4b: {  	_ =	shalt  }
0x4c: {  	_ =	shalt  }
0x4d: {  	_ =	shalt  }
0x4e: {  	_ =	shalt  }
0x4f: {  	_ =	shalt  }
0x50: {  	_ =	shalt  }
0x51: {  	_ =	shalt  }
0x52: {  	_ =	shalt  }
0x53: {  	_ =	shalt  }
0x54: {  	_ =	shalt  }
0x55: {  	_ =	shalt  }
0x56: {  	_ =	shalt  }
0x57: {  	_ =	shalt  }
0x58: {  	_ =	shalt  }
0x59: {  	_ =	shalt  }
0x5a: {  	_ =	shalt  }
0x5b: {  	_ =	shalt  }
0x5c: {  	_ =	shalt  }
0x5d: {  	_ =	shalt  }
0x5e: {  	_ =	shalt  }
0x5f: {  	_ =	shalt  }
0x60: {  	_ =	shalt  }
0x61: {  	_ =	shalt  }
0x62: {  	_ =	shalt  }
0x63: {  	_ =	shalt  }
0x64: {  	_ =	shalt  }
0x65: {  	_ =	shalt  }
0x66: {  	_ =	shalt  }
0x67: {  	_ =	shalt  }
0x68: {  	_ =	shalt  }
0x69: {  	_ =	shalt  }
0x6a: {  	_ =	shalt  }
0x6b: {  	_ =	shalt  }
0x6c: {  	_ =	shalt  }
0x6d: {  	_ =	shalt  }
0x6e: {  	_ =	shalt  }
0x6f: {  	_ =	shalt  }
0x70: {  	_ =	shalt  }
0x71: {  	_ =	shalt  }
0x72: {  	_ =	shalt  }
0x73: {  	_ =	shalt  }
0x74: {  	_ =	shalt  }
0x75: {  	_ =	shalt  }
0x76: {  	_ =	shalt  }
0x77: {  	_ =	shalt  }
0x78: {  	_ =	shalt  }
0x79: {  	_ =	shalt  }
0x7a: {  	_ =	shalt  }
0x7b: {  	_ =	shalt  }
0x7c: {  	_ =	shalt  }
0x7d: {  	_ =	shalt  }
0x7e: {  	_ =	shalt  }
0x7f: {  	_ =	shalt  }
0x80: {  	_ =	shalt  }
0x81: {  	_ =	shalt  }
0x82: {  	_ =	shalt  }
0x83: {  	_ =	shalt  }
0x84: {  	_ =	shalt  }
0x85: {  	_ =	shalt  }
0x86: {  	_ =	shalt  }
0x87: {  	_ =	shalt  }
.Lfunc_end0:
.L_simem_size_0:
called_computation_lowered:
.L_overlay_start_0:
0x88: {  	s2 =	sld [smem:$0x3FD9]  }
0x89: {  	s3 =	sld [smem:$0x3FFE];
	_ =	sdelay $0x1  }
0x8a: {  	s1 =	srdreg.scid  }
0x8b: {  	s0 =	sand.u32 $0x1, s1  }
0x8c: {  	s16 =	sshll.u32 s0, $0xA;
	s2 =	sadd.s32 s3, s2  }
0x8d: {  	s2 =	sadd.s32 s2, s16  }
0x8e: {  	[smem:$0x3FB8] =	sst s2  }
0x8f: {  	_ = 	snop  }
0x90: {  	(tm) =	ssettm $0x1  }
0x91: {  	s17 =	sld [smem:$0x3FFB];
	_ =	sdelay $0x3  }
0x92: {  	_ =	strace s17  }
0x93: {  	s2 =	sld [smem:$0x3FFC];
	_ =	sdelay $0x3  }
0x94: {  	_ =	strace s2  }
0x95: {  	s2 =	sld [smem:$0x3FFD];
	_ =	sdelay $0x3  }
0x96: {  	_ =	strace s2  }
0x97: {  	_ =	strace $0x8FFFFFFF  }
0x98: {  	s18 =	sld [smem:$0x3FDB];
	_ =	sdelay $0x1  }
0x99: {  	s19 =	simm.s32 $_scs_section_size  }
0x9a: {  	s4 =	simm.s32 $_size__tile_overlayer_lowered;
	s5 =	simm.s32 $_tile_overlayer_lowered  }
0x9b: {  	s22 =	simm.s32 $0x1BFF;
	s21 =	sshll.u32 s5, $0x1;
	s2 =	sadd.s32 s19, s18  }
0x9c: {  	s6 =	simm.s32 $0x0;
	s20 =	sshll.u32 s4, $0x1;
	s4 =	sadd.s32 s21, s2  }
0x9d: {  	[timem:s6], [sflag:s22] =	dma.local [hbm:s4], s20  }
0x9e: {  	_ =	swait.ge [sflag:s22], s20  }
0x9f: {  	s3 =	ssub.s32 $0x0, s20;
	[sflag:s22] =	ssyncset.done $0x0  }
0xa0: {  	[sflag:s22] =	ssyncadd.s32 s3;
	_ =	sdelay $0x1  }
0xa1: {  	s23 =	simm.s32 $0x1B8B  }
0xa2: {  	_ =	swait.ge [sflag:s23], $0x1  }
0xa3: {  	[sflag:s23] =	ssyncset.done $0x0  }
0xa4: {  	s25 =	simm.s32 $0x1B8E;
	s24 =	sld [smem:$0x3FFE];
	[sflag:s23] =	ssyncadd.s32 $0xFFFFFFFF  }
0xa5: {  	s26 =	simm.s32 $execute0_lowered;
	[smem:$0x3FD2] =	sst s25  }
0xa6: {  	s4 =	sshll.u32 s26, $0x1;
	_ =	strace $0x80000046;
	[dreg:$0x1] =	wrdreg $0xFFFFFFFF  }
0xa7: {  	s28 =	simm.s32 $_size_execute0_lowered;
	s2 =	sadd.s32 s2, s4;
	[dreg:$0x0] =	wrdreg $0x0  }
0xa8: {  	s4 =	sshll.u32 s28, $0x1;
	[dreg:$0x2] =	wrdreg s2  }
0xa9: {  	[dreg:$0x3] =	wrdreg s4  }
0xaa: {  	[dreg:$0x4] =	wrdreg $0xC0  }
0xab: {  	_ =	task [dreg:s6], $0x5FFFF  }
0xac: {  	[dreg:$0x1] =	wrdreg $0xFFFFFFFF  }
0xad: {  	[dreg:$0x0] =	wrdreg $0x60  }
0xae: {  	[dreg:$0x2] =	wrdreg s24  }
0xaf: {  	[dreg:$0x3] =	wrdreg $0x160C00  }
0xb0: {  	[dreg:$0x4] =	wrdreg $0x9  }
0xb1: {  	_ =	task.clear_ibuf [dreg:s6], $0x5FFFF;
	_ =	strace $0x90000046  }
0xb2: {  	s29 =	simm.s32 $0x9;
	_ =	strace $0x80000048  }
0xb3: {  	_ =	swait.ge [sflag:s29], $0x1  }
0xb4: {  	[sflag:s29] =	ssyncadd.s32 $0xFFFFFFFF  }
0xb5: {  	_ =	strace $0x90000048  }
0xb6: {  	_ =	sfence  }
0xb7: {  	s30 =	sld [smem:$0x0];
	_ =	sdelay $0x2  }
0xb8: {  	s31 =	sshll.u32 s1, $0xD;
	s1 =	sshrl.u32 s1, $0x2  }
0xb9: {  	s3 =	sand.u32 $0x4000, s31;
	s1 =	sadd.s32 s1, s30  }
0xba: {  	s0 =	sor.u32 s3, s0;
	s1 =	sshll.u32 s1, $0x11  }
0xbb: {  	s0 =	sor.u32 s1, s0  }
0xbc: {  	s0 =	sadd.s32 $0x8F2B, s0  }
0xbd: {  	[sflag:s0] =	ssyncadd.remote.s32 $0x1  }
0xbe: {  	_ =	sfence.sel $0xFFFF  }
0xbf: {  	[dreg:$0x0] =	wrdreg $0xFFFFFFFF;
	(pc) =	sbr.abs _section_cstart, $3  }
0xc0: {  	[dreg:$0x1] =	wrdreg $0xFFFFFFFF  }
0xc1: {  	_ =	task.clear_ibuf [dreg:s6], $0x2FFFF;
	_ =	strace $0x9FFFFFFF  }
0xc2: {  	(tm) =	ssettm $0x7FFFFFFF  }
0xc3: {  	_ =	shalt  }
tec
execute0_lowered:
.L_overlay_start_1:
0x0: {  	(tag) =	ssettag $0x1  }
0x1: {  	s0 =	srdreg.scid  }
0x2: {  	s15 =	stileid.u32;
	s5 =	rddreg [dreg:$0x0]  }
0x3: {  	s2 =	rddreg [dreg:$0x1];
	s3 =	simm.s32 $0x0;
	s18 =	simm.s32 $0x13880  }
0x4: {  	s28 =	simm.s32 $0x2;
	s29 =	simm.s32 $0x14CC0;
	s30 =	simm.s32 $0x1  }
0x5: {  	s31 =	simm.s32 $0x80;
	s22 =	simm.s32 $0x16040;
	s6 =	smul.u32 $0x271, s15  }
0x6: {  	s0 =	sand.u32 $0x1, s0;
	s14 =	smul.u32 $0x2800, s15;
	[smem:$0x7FF] =	sst s3  }
0x7: {  	s26 =	sshll.u32 s15, $0x6;
	s1 =	sshll.u32 s0, $0x4;
	s4 =	smul.u32 $0x2710, s0  }
0x8: {  	s8 =	smul.u32 $0x28000, s0;
	_ =	strace $0x80000047;
	s0 =	ssub.s32 $0x2, s0  }
0x9: {  	s1 =	sor.u32 s15, s1;
	s7 =	sshrl.u32 s6, $0x3;
	s24 =	sshrl.u32 s0, $0x1  }
0xa: {  	s25 =	sand.u32 $0x7, s6;
	s15 =	sor.u32 $0x1C04, s26;
	s26 =	simm.s32 $0x4  }
0xb: {  	s1 =	smul.u32 $0x2710, s1;
	s4 =	sadd.s32 s7, s4;
	s23 =	sadd.s32 s14, s8  }
0xc: {  	s17 =	ssub.s32 s0, s24;
	s14 =	sadd.s32 s14, s2;
	s24 =	simm.s32 $0x3  }
0xd: {  	v0 =	vlaneseq.u32;
	v2 =	vmov s25;
	s25 =	simm.s32 $0x0;
	s13 =	sadd.s32 s4, s5;
	s4 =	sadd.s32 $0x55000, s5  }
0xe: {  	v1 =	vmul.u32 $0x8, v0;
	s7 =	sshrl.u32 s23, $0x3;
	s17 =	smax.u32 s17, $0x1;
	s23 =	simm.s32 $0x13800  }
0xf: {  	s1 =	sadd.s32 s1, s5;
	s16 =	sadd.s32 s7, s5;
	s6 =	sadd.s32 $0x1E00, s13  }
0x10: {  	v3 =	vor.u32 $0x1, v1;
	s7 =	sadd.s32 $0x22E2, s13;
	s8 =	sadd.s32 $0x27C4, s13;
	s9 =	sadd.s32 $0x2CA6, s13  }
0x11: {  	v4 =	vor.u32 $0x2, v1;
	v5 =	vor.u32 $0x3, v1;
	v6 =	vor.u32 $0x4, v1;
	s10 =	sadd.s32 $0x3188, s13;
	s11 =	sadd.s32 $0x366A, s13;
	s12 =	sadd.s32 $0x3B4C, s13  }
0x12: {  	v7 =	vor.u32 $0x5, v1;
	v8 =	vor.u32 $0x6, v1;
	v9 =	vor.u32 $0x7, v1;
	s13 =	sadd.s32 $0x402E, s13;
	s5 =	sadd.s32 $0x6E00, s1;
	s16 =	sadd.s32 $0x55600, s16  }
.LBB2_1:
0x13: {  	[tilespmem:s3], [sflag:$0x1] =	stream.linear.gather [hbm4b:s5+s3], $0x13880, $0x38;
	[tilespmem:$0x188C0] =	vst v63  }
0x14: {  	_ = 	snop  }
0x15: {  	[tilespmem:s18], [sflag:$0x2] =	stream.linear.gather [hbm4b:s6+s3], $0x288, $0x38;
	[tilespmem:$0x188C0] =	vst v63  }
0x16: {  	s0 =	simm.s32 $0x13B08  }
0x17: {  	[tilespmem:s0], [sflag:$0x2] =	stream.linear.gather [hbm4b:s7+s3], $0x288, $0x38;
	[tilespmem:$0x188C0] =	vst v63  }
0x18: {  	s20 =	simm.s32 $0x13D90  }
0x19: {  	[tilespmem:s20], [sflag:$0x2] =	stream.linear.gather [hbm4b:s8+s3], $0x288, $0x38;
	[tilespmem:$0x188C0] =	vst v63  }
0x1a: {  	s21 =	simm.s32 $0x14018  }
0x1b: {  	[tilespmem:s21], [sflag:$0x2] =	stream.linear.gather [hbm4b:s9+s3], $0x288, $0x38;
	[tilespmem:$0x188C0] =	vst v63  }
0x1c: {  	s1 =	simm.s32 $0x142A0  }
0x1d: {  	[tilespmem:s1], [sflag:$0x2] =	stream.linear.gather [hbm4b:s10+s3], $0x288, $0x38;
	[tilespmem:$0x188C0] =	vst v63  }
0x1e: {  	s19 =	simm.s32 $0x14528  }
0x1f: {  	[tilespmem:s19], [sflag:$0x2] =	stream.linear.gather [hbm4b:s11+s3], $0x288, $0x38;
	[tilespmem:$0x188C0] =	vst v63  }
0x20: {  	s20 =	simm.s32 $0x147B0  }
0x21: {  	[tilespmem:s20], [sflag:$0x2] =	stream.linear.gather [hbm4b:s12+s3], $0x288, $0x38;
	[tilespmem:$0x188C0] =	vst v63  }
0x22: {  	s21 =	simm.s32 $0x14A38;
	s1 =	sshrl.u32 s14, $0x3  }
0x23: {  	[tilespmem:s21], [sflag:$0x2] =	stream.linear.gather [hbm4b:s13+s3], $0x288, $0x38;
	[tilespmem:$0x188C0] =	vst v63  }
0x24: {  	[spmem:s1], [sflag:s15] =	dma.local [hbm:s4], $0x500  }
0x25: {  	_ =	swait.ge [sflag:s26], $0x500  }
0x26: {  	[sflag:s26] =	ssyncset.done $0x0  }
0x27: {  	[sflag:s26] =	ssyncadd.s32 $0xFFFFFB00  }
0x28: {  	[bflag:$0x0] =	sbarrier.arrive $0xFFFF  }
0x29: {  	_ =	swait.ge [sflag:s28], $0x288  }
0x2a: {  	[sflag:s28] =	ssyncset.done $0x0  }
0x2b: {  	[sflag:s28] =	ssyncadd.s32 $0xFFFFFD78  }
0x2c: {  	_ =	swait.ge [sflag:s28], $0x288  }
0x2d: {  	[sflag:s28] =	ssyncset.done $0x0  }
0x2e: {  	[sflag:s28] =	ssyncadd.s32 $0xFFFFFD78  }
0x2f: {  	_ =	swait.ge [sflag:s28], $0x288  }
0x30: {  	[sflag:s28] =	ssyncset.done $0x0  }
0x31: {  	[sflag:s28] =	ssyncadd.s32 $0xFFFFFD78  }
0x32: {  	_ =	swait.ge [sflag:s28], $0x288  }
0x33: {  	[sflag:s28] =	ssyncset.done $0x0  }
0x34: {  	[sflag:s28] =	ssyncadd.s32 $0xFFFFFD78  }
0x35: {  	_ =	swait.ge [sflag:s28], $0x288  }
0x36: {  	[sflag:s28] =	ssyncset.done $0x0  }
0x37: {  	[sflag:s28] =	ssyncadd.s32 $0xFFFFFD78  }
0x38: {  	_ =	swait.ge [sflag:s28], $0x288  }
0x39: {  	[sflag:s28] =	ssyncset.done $0x0  }
0x3a: {  	v10 =	vor.u32 s3, v0;
	[sflag:s28] =	ssyncadd.s32 $0xFFFFFD78  }
0x3b: {  	vm1 =	vlt.u32 v10, $0x271;
	_ =	swait.ge [sflag:s28], $0x288  }
0x3c: {  	v10 =	vadd.s32 v2, v10;
	[sflag:s28] =	ssyncset.done $0x0  }
0x3d: {  	[sflag:s28] =	ssyncadd.s32 $0xFFFFFD78  }
0x3e: {  	_ =	swait.ge [sflag:s28], $0x288  }
0x3f: {  	[sflag:s28] =	ssyncset.done $0x0  }
0x40: {  	v12 =	vmov s3;
	s0 =	simm.s32 $0x10;
	[sflag:s28] =	ssyncadd.s32 $0xFFFFFD78  }
0x41: {  	v12 =	vshll.u32 v12, $0x3;
	vm0 =	vmmov vm1;
	v11 =	vor.u32 s0, v0;
	s19 =	simm.s32 $0x20;
	v10 =	vld.idx.msk [tilespmem:v10+s18+$0x0], vm1  }
.LBB2_2:
0x42: {  	p0 =	sne.s32 s19, $0x270;
	vm1 =	vlt.u32 v11, $0x271;
	v12 =	vor.u32 v1, v12  }
0x43: {  	v13 =	vadd.s32 v2, v11  }
.Ltmp0:
0x44: {  	(pc) =	sbr.rel @p0 .LBB2_2-.Ltmp0, $3  }
0x45: {  	_ =	sdelay $0x1  }
0x46: {  	v14 =	vmov s0;
	s0 =	smov.u32 s19;
	[tilespmem:v12+s29+$0x0] =	vst.idx.msk vm0, v10;
	vm0 =	vmmov vm1  }
0x47: {  	s19 =	sadd.s32 $0x10, s19;
	v11 =	vor.u32 s0, v0;
	v12 =	vshll.u32 v14, $0x3;
	v10 =	vld.idx.msk [tilespmem:v13+s18+$0x0], vm1  }
0x48: {  	v12 =	vor.u32 v1, v12  }
0x49: {  	vm1 =	vlt.u32 v11, $0x271  }
0x4a: {  	v11 =	vadd.s32 v2, v11;
	_ =	sdelay $0x1  }
0x4b: {  	v13 =	vmov s0  }
0x4c: {  	s19 =	simm.s32 $0x0;
	[tilespmem:v12+s29+$0x0] =	vst.idx.msk vm0, v10;
	v10 =	vshll.u32 v13, $0x3  }
0x4d: {  	v14 =	vor.u32 v1, v10;
	v10 =	vor.u32 s19, v0  }
0x4e: {  	vm0 =	vmmov vm1;
	v13 =	vld.idx.msk [tilespmem:v11+s18+$0x0], vm1;
	v11 =	vadd.s32 v2, v10  }
0x4f: {  	vm1 =	vlt.u32 v10, $0x271;
	v11 =	vand.u32 $0x7FF, v11  }
0x50: {  	v12 =	vadd.s32 $0x288, v11;
	_ =	sdelay $0x2  }
0x51: {  	s0 =	simm.s32 $0x10  }
0x52: {  	s21 =	simm.s32 $0x20;
	s20 =	simm.s32 $0x10;
	[tilespmem:v14+s29+$0x0] =	vst.idx.msk vm0, v13;
	v13 =	vor.u32 s0, v0;
	v14 =	vmov s19;
	vm0 =	vmmov vm1  }
.LBB2_4:
0x53: {  	p0 =	sne.s32 s21, $0x270;
	v15 =	vadd.s32 v2, v13;
	v16 =	vld.idx.msk [tilespmem:v12+s18+$0x0], vm1;
	v12 =	vshll.u32 v14, $0x3  }
0x54: {  	vm1 =	vlt.u32 v13, $0x271;
	v13 =	vand.u32 $0x7FF, v15;
	v15 =	vor.u32 v3, v12  }
.Ltmp1:
0x55: {  	v12 =	vadd.s32 $0x288, v13;
	(pc) =	sbr.rel @p0 .LBB2_4-.Ltmp1, $2  }
0x56: {  	_ =	sdelay $0x2  }
0x57: {  	v14 =	vmov s20;
	s20 =	smov.u32 s21;
	v13 =	vor.u32 s21, v0;
	s21 =	sadd.s32 $0x10, s21;
	[tilespmem:v15+s29+$0x0] =	vst.idx.msk vm0, v16;
	vm0 =	vmmov vm1  }
0x58: {  	_ =	sdelay $0x3  }
0x59: {  	v15 =	vadd.s32 v2, v13;
	v14 =	vshll.u32 v14, $0x3  }
0x5a: {  	v12 =	vld.idx.msk [tilespmem:v12+s18+$0x0], vm1;
	vm1 =	vlt.u32 v13, $0x271;
	v13 =	vand.u32 $0x7FF, v15;
	v14 =	vor.u32 v3, v14  }
0x5b: {  	v13 =	vadd.s32 $0x288, v13;
	_ =	sdelay $0x2  }
0x5c: {  	v15 =	vmov s20  }
0x5d: {  	[tilespmem:v14+s29+$0x0] =	vst.idx.msk vm0, v12;
	vm0 =	vmmov vm1;
	v12 =	vshll.u32 v15, $0x3  }
0x5e: {  	v13 =	vld.idx.msk [tilespmem:v13+s18+$0x0], vm1;
	v12 =	vor.u32 v3, v12;
	vm1 =	vlt.u32 v10, $0x271  }
0x5f: {  	v10 =	vadd.s32 $0x510, v11;
	_ =	sdelay $0x3  }
0x60: {  	s20 =	simm.s32 $0x20;
	v11 =	vor.u32 s0, v0;
	[tilespmem:v12+s29+$0x0] =	vst.idx.msk vm0, v13;
	v12 =	vmov s19;
	vm0 =	vmmov vm1  }
.LBB2_6:
0x61: {  	p0 =	sne.s32 s20, $0x270;
	v13 =	vadd.s32 v2, v11;
	v14 =	vld.idx.msk [tilespmem:v10+s18+$0x0], vm1;
	v10 =	vshll.u32 v12, $0x3  }
0x62: {  	vm1 =	vlt.u32 v11, $0x271;
	v11 =	vand.u32 $0x7FF, v13;
	v13 =	vor.u32 v4, v10  }
.Ltmp2:
0x63: {  	v10 =	vadd.s32 $0x510, v11;
	(pc) =	sbr.rel @p0 .LBB2_6-.Ltmp2, $2  }
0x64: {  	_ =	sdelay $0x2  }
0x65: {  	v12 =	vmov s0;
	s0 =	smov.u32 s20;
	v11 =	vor.u32 s20, v0;
	s20 =	sadd.s32 $0x10, s20;
	[tilespmem:v13+s29+$0x0] =	vst.idx.msk vm0, v14;
	vm0 =	vmmov vm1  }
0x66: {  	_ =	sdelay $0x3  }
0x67: {  	v12 =	vshll.u32 v12, $0x3  }
0x68: {  	v13 =	vadd.s32 v2, v11;
	v10 =	vld.idx.msk [tilespmem:v10+s18+$0x0], vm1;
	v12 =	vor.u32 v4, v12  }
0x69: {  	vm1 =	vlt.u32 v11, $0x271;
	v11 =	vand.u32 $0x7FF, v13  }
0x6a: {  	v11 =	vadd.s32 $0x510, v11;
	_ =	sdelay $0x1  }
0x6b: {  	v13 =	vmov s0  }
0x6c: {  	s19 =	simm.s32 $0x0;
	[tilespmem:v12+s29+$0x0] =	vst.idx.msk vm0, v10;
	v10 =	vshll.u32 v13, $0x3  }
0x6d: {  	v14 =	vor.u32 v4, v10;
	v10 =	vor.u32 s19, v0  }
0x6e: {  	vm0 =	vmmov vm1;
	v13 =	vld.idx.msk [tilespmem:v11+s18+$0x0], vm1;
	v11 =	vadd.s32 v2, v10  }
0x6f: {  	vm1 =	vlt.u32 v10, $0x271;
	v11 =	vand.u32 $0x7FF, v11  }
0x70: {  	v12 =	vadd.s32 $0x798, v11;
	_ =	sdelay $0x2  }
0x71: {  	s0 =	simm.s32 $0x10  }
0x72: {  	s21 =	simm.s32 $0x20;
	s20 =	simm.s32 $0x10;
	[tilespmem:v14+s29+$0x0] =	vst.idx.msk vm0, v13;
	v13 =	vor.u32 s0, v0;
	v14 =	vmov s19;
	vm0 =	vmmov vm1  }
.LBB2_8:
0x73: {  	p0 =	sne.s32 s21, $0x270;
	v15 =	vadd.s32 v2, v13;
	v16 =	vld.idx.msk [tilespmem:v12+s18+$0x0], vm1;
	v12 =	vshll.u32 v14, $0x3  }
0x74: {  	vm1 =	vlt.u32 v13, $0x271;
	v13 =	vand.u32 $0x7FF, v15;
	v15 =	vor.u32 v5, v12  }
.Ltmp3:
0x75: {  	v12 =	vadd.s32 $0x798, v13;
	(pc) =	sbr.rel @p0 .LBB2_8-.Ltmp3, $2  }
0x76: {  	_ =	sdelay $0x2  }
0x77: {  	v14 =	vmov s20;
	s20 =	smov.u32 s21;
	v13 =	vor.u32 s21, v0;
	s21 =	sadd.s32 $0x10, s21;
	[tilespmem:v15+s29+$0x0] =	vst.idx.msk vm0, v16;
	vm0 =	vmmov vm1  }
0x78: {  	_ =	sdelay $0x3  }
0x79: {  	v15 =	vadd.s32 v2, v13;
	v14 =	vshll.u32 v14, $0x3  }
0x7a: {  	v12 =	vld.idx.msk [tilespmem:v12+s18+$0x0], vm1;
	vm1 =	vlt.u32 v13, $0x271;
	v13 =	vand.u32 $0x7FF, v15;
	v14 =	vor.u32 v5, v14  }
0x7b: {  	v13 =	vadd.s32 $0x798, v13;
	_ =	sdelay $0x2  }
0x7c: {  	v15 =	vmov s20  }
0x7d: {  	[tilespmem:v14+s29+$0x0] =	vst.idx.msk vm0, v12;
	vm0 =	vmmov vm1;
	v12 =	vshll.u32 v15, $0x3  }
0x7e: {  	v13 =	vld.idx.msk [tilespmem:v13+s18+$0x0], vm1;
	v12 =	vor.u32 v5, v12;
	vm1 =	vlt.u32 v10, $0x271  }
0x7f: {  	v10 =	vadd.s32 $0xA20, v11;
	_ =	sdelay $0x3  }
0x80: {  	s20 =	simm.s32 $0x20;
	v11 =	vor.u32 s0, v0;
	[tilespmem:v12+s29+$0x0] =	vst.idx.msk vm0, v13;
	v12 =	vmov s19;
	vm0 =	vmmov vm1  }
.LBB2_10:
0x81: {  	p0 =	sne.s32 s20, $0x270;
	v13 =	vadd.s32 v2, v11;
	v14 =	vld.idx.msk [tilespmem:v10+s18+$0x0], vm1;
	v10 =	vshll.u32 v12, $0x3  }
0x82: {  	vm1 =	vlt.u32 v11, $0x271;
	v11 =	vand.u32 $0x7FF, v13;
	v13 =	vor.u32 v6, v10  }
.Ltmp4:
0x83: {  	v10 =	vadd.s32 $0xA20, v11;
	(pc) =	sbr.rel @p0 .LBB2_10-.Ltmp4, $2  }
0x84: {  	_ =	sdelay $0x2  }
0x85: {  	v12 =	vmov s0;
	s0 =	smov.u32 s20;
	v11 =	vor.u32 s20, v0;
	s20 =	sadd.s32 $0x10, s20;
	[tilespmem:v13+s29+$0x0] =	vst.idx.msk vm0, v14;
	vm0 =	vmmov vm1  }
0x86: {  	_ =	sdelay $0x3  }
0x87: {  	v12 =	vshll.u32 v12, $0x3  }
0x88: {  	v13 =	vadd.s32 v2, v11;
	v10 =	vld.idx.msk [tilespmem:v10+s18+$0x0], vm1;
	v12 =	vor.u32 v6, v12  }
0x89: {  	vm1 =	vlt.u32 v11, $0x271;
	v11 =	vand.u32 $0x7FF, v13  }
0x8a: {  	v11 =	vadd.s32 $0xA20, v11;
	_ =	sdelay $0x1  }
0x8b: {  	v13 =	vmov s0  }
0x8c: {  	s19 =	simm.s32 $0x0;
	[tilespmem:v12+s29+$0x0] =	vst.idx.msk vm0, v10;
	v10 =	vshll.u32 v13, $0x3  }
0x8d: {  	v14 =	vor.u32 v6, v10;
	v10 =	vor.u32 s19, v0  }
0x8e: {  	vm0 =	vmmov vm1;
	v13 =	vld.idx.msk [tilespmem:v11+s18+$0x0], vm1;
	v11 =	vadd.s32 v2, v10  }
0x8f: {  	vm1 =	vlt.u32 v10, $0x271;
	v11 =	vand.u32 $0x7FF, v11  }
0x90: {  	v12 =	vadd.s32 $0xCA8, v11;
	_ =	sdelay $0x2  }
0x91: {  	s0 =	simm.s32 $0x10  }
0x92: {  	s21 =	simm.s32 $0x20;
	s20 =	simm.s32 $0x10;
	[tilespmem:v14+s29+$0x0] =	vst.idx.msk vm0, v13;
	v13 =	vor.u32 s0, v0;
	v14 =	vmov s19;
	vm0 =	vmmov vm1  }
.LBB2_12:
0x93: {  	p0 =	sne.s32 s21, $0x270;
	v15 =	vadd.s32 v2, v13;
	v16 =	vld.idx.msk [tilespmem:v12+s18+$0x0], vm1;
	v12 =	vshll.u32 v14, $0x3  }
0x94: {  	vm1 =	vlt.u32 v13, $0x271;
	v13 =	vand.u32 $0x7FF, v15;
	v15 =	vor.u32 v7, v12  }
.Ltmp5:
0x95: {  	v12 =	vadd.s32 $0xCA8, v13;
	(pc) =	sbr.rel @p0 .LBB2_12-.Ltmp5, $2  }
0x96: {  	_ =	sdelay $0x2  }
0x97: {  	v14 =	vmov s20;
	s20 =	smov.u32 s21;
	v13 =	vor.u32 s21, v0;
	s21 =	sadd.s32 $0x10, s21;
	[tilespmem:v15+s29+$0x0] =	vst.idx.msk vm0, v16;
	vm0 =	vmmov vm1  }
0x98: {  	_ =	sdelay $0x3  }
0x99: {  	v15 =	vadd.s32 v2, v13;
	v14 =	vshll.u32 v14, $0x3  }
0x9a: {  	v12 =	vld.idx.msk [tilespmem:v12+s18+$0x0], vm1;
	vm1 =	vlt.u32 v13, $0x271;
	v13 =	vand.u32 $0x7FF, v15;
	v14 =	vor.u32 v7, v14  }
0x9b: {  	v13 =	vadd.s32 $0xCA8, v13;
	_ =	sdelay $0x2  }
0x9c: {  	v15 =	vmov s20  }
0x9d: {  	[tilespmem:v14+s29+$0x0] =	vst.idx.msk vm0, v12;
	vm0 =	vmmov vm1;
	v12 =	vshll.u32 v15, $0x3  }
0x9e: {  	v13 =	vld.idx.msk [tilespmem:v13+s18+$0x0], vm1;
	v12 =	vor.u32 v7, v12;
	vm1 =	vlt.u32 v10, $0x271  }
0x9f: {  	v10 =	vadd.s32 $0xF30, v11;
	_ =	sdelay $0x3  }
0xa0: {  	s20 =	simm.s32 $0x20;
	v11 =	vor.u32 s0, v0;
	[tilespmem:v12+s29+$0x0] =	vst.idx.msk vm0, v13;
	v12 =	vmov s19;
	vm0 =	vmmov vm1  }
.LBB2_14:
0xa1: {  	p0 =	sne.s32 s20, $0x270;
	v13 =	vadd.s32 v2, v11;
	v14 =	vld.idx.msk [tilespmem:v10+s18+$0x0], vm1;
	v10 =	vshll.u32 v12, $0x3  }
0xa2: {  	vm1 =	vlt.u32 v11, $0x271;
	v11 =	vand.u32 $0x7FF, v13;
	v13 =	vor.u32 v8, v10  }
.Ltmp6:
0xa3: {  	v10 =	vadd.s32 $0xF30, v11;
	(pc) =	sbr.rel @p0 .LBB2_14-.Ltmp6, $2  }
0xa4: {  	_ =	sdelay $0x2  }
0xa5: {  	v12 =	vmov s0;
	s0 =	smov.u32 s20;
	v11 =	vor.u32 s20, v0;
	s20 =	sadd.s32 $0x10, s20;
	[tilespmem:v13+s29+$0x0] =	vst.idx.msk vm0, v14;
	vm0 =	vmmov vm1  }
0xa6: {  	_ =	sdelay $0x3  }
0xa7: {  	v12 =	vshll.u32 v12, $0x3  }
0xa8: {  	v10 =	vld.idx.msk [tilespmem:v10+s18+$0x0], vm1;
	v12 =	vor.u32 v8, v12  }
0xa9: {  	v13 =	vadd.s32 v2, v11  }
0xaa: {  	vm1 =	vlt.u32 v11, $0x271;
	v11 =	vand.u32 $0x7FF, v13  }
0xab: {  	v11 =	vadd.s32 $0xF30, v11  }
0xac: {  	v13 =	vmov s0  }
0xad: {  	s20 =	simm.s32 $0x0;
	[tilespmem:v12+s29+$0x0] =	vst.idx.msk vm0, v10;
	v10 =	vshll.u32 v13, $0x3  }
0xae: {  	v12 =	vor.u32 v8, v10;
	v10 =	vor.u32 s20, v0  }
0xaf: {  	vm0 =	vmmov vm1;
	v13 =	vadd.s32 v2, v10  }
0xb0: {  	v11 =	vld.idx.msk [tilespmem:v11+s18+$0x0], vm1;
	vm1 =	vlt.u32 v10, $0x271;
	v13 =	vand.u32 $0x7FF, v13  }
0xb1: {  	v10 =	vadd.s32 $0x11B8, v13;
	_ =	sdelay $0x2  }
0xb2: {  	s0 =	simm.s32 $0x10  }
0xb3: {  	s19 =	simm.s32 $0x20;
	[tilespmem:v12+s29+$0x0] =	vst.idx.msk vm0, v11;
	v11 =	vor.u32 s0, v0;
	v12 =	vmov s20;
	vm0 =	vmmov vm1  }
.LBB2_16:
0xb4: {  	p0 =	sne.s32 s19, $0x270;
	v13 =	vadd.s32 v2, v11;
	v14 =	vld.idx.msk [tilespmem:v10+s18+$0x0], vm1;
	v10 =	vshll.u32 v12, $0x3  }
0xb5: {  	vm1 =	vlt.u32 v11, $0x271;
	v11 =	vand.u32 $0x7FF, v13;
	v13 =	vor.u32 v9, v10  }
.Ltmp7:
0xb6: {  	v10 =	vadd.s32 $0x11B8, v11;
	(pc) =	sbr.rel @p0 .LBB2_16-.Ltmp7, $2  }
0xb7: {  	_ =	sdelay $0x2  }
0xb8: {  	v12 =	vmov s0;
	s0 =	smov.u32 s19;
	v11 =	vor.u32 s19, v0;
	s19 =	sadd.s32 $0x10, s19;
	[tilespmem:v13+s29+$0x0] =	vst.idx.msk vm0, v14;
	vm0 =	vmmov vm1  }
0xb9: {  	_ =	sdelay $0x3  }
0xba: {  	v13 =	vadd.s32 v2, v11;
	v12 =	vshll.u32 v12, $0x3  }
0xbb: {  	v10 =	vld.idx.msk [tilespmem:v10+s18+$0x0], vm1;
	vm14 =	vlt.u32 v11, $0x271;
	v11 =	vand.u32 $0x7FF, v13;
	v12 =	vor.u32 v9, v12  }
0xbc: {  	v11 =	vadd.s32 $0x11B8, v11;
	_ =	sdelay $0x2  }
0xbd: {  	v63 =	vmov s0  }
0xbe: {  	[tilespmem:v12+s29+$0x0] =	vst.idx.msk vm0, v10;
	v10 =	vshll.u32 v63, $0x3  }
0xbf: {  	v11 =	vld.idx.msk [tilespmem:v11+s18+$0x0], vm14;
	v10 =	vor.u32 v9, v10;
	_ =	sdelay $0x4  }
0xc0: {  	[tilespmem:v10+s29+$0x0] =	vst.idx.msk vm14, v11  }
0xc1: {  	_ =	swait.ge [sflag:s30], $0x13880  }
0xc2: {  	[sflag:s30] =	ssyncset.done $0x0  }
0xc3: {  	[sflag:s30] =	ssyncadd.s32 $0xFFFEC780  }
0xc4: {  	[spmem:s2] =	stream.indirect.scatter.add.f32 [tilespmem:s3], [sflag:$0x3], $0x10, s29, s31, $0xb8;
	[tilespmem:$0x188C0] =	vst v63  }
0xc5: {  	s21 =	simm.s32 $0x14D40;
	s19 =	simm.s32 $0x800  }
0xc6: {  	[spmem:s2] =	stream.indirect.scatter.add.f32 [tilespmem:s19], [sflag:$0x3], $0x10, s21, s31, $0xb8;
	[tilespmem:$0x188C0] =	vst v63  }
0xc7: {  	s20 =	simm.s32 $0x14DC0;
	s21 =	simm.s32 $0x1000  }
0xc8: {  	[spmem:s2] =	stream.indirect.scatter.add.f32 [tilespmem:s21], [sflag:$0x3], $0x10, s20, s31, $0xb8;
	[tilespmem:$0x188C0] =	vst v63  }
0xc9: {  	s20 =	simm.s32 $0x14E40;
	s21 =	simm.s32 $0x1800  }
0xca: {  	[spmem:s2] =	stream.indirect.scatter.add.f32 [tilespmem:s21], [sflag:$0x3], $0x10, s20, s31, $0xb8;
	[tilespmem:$0x188C0] =	vst v63  }
0xcb: {  	s20 =	simm.s32 $0x14EC0;
	s21 =	simm.s32 $0x2000  }
0xcc: {  	[spmem:s2] =	stream.indirect.scatter.add.f32 [tilespmem:s21], [sflag:$0x3], $0x10, s20, s31, $0xb8;
	[tilespmem:$0x188C0] =	vst v63  }
0xcd: {  	s20 =	simm.s32 $0x14F40;
	s21 =	simm.s32 $0x2800  }
0xce: {  	[spmem:s2] =	stream.indirect.scatter.add.f32 [tilespmem:s21], [sflag:$0x3], $0x10, s20, s31, $0xb8;
	[tilespmem:$0x188C0] =	vst v63  }
0xcf: {  	s20 =	simm.s32 $0x14FC0;
	s21 =	simm.s32 $0x3000  }
0xd0: {  	[spmem:s2] =	stream.indirect.scatter.add.f32 [tilespmem:s21], [sflag:$0x3], $0x10, s20, s31, $0xb8;
	[tilespmem:$0x188C0] =	vst v63  }
0xd1: {  	s20 =	simm.s32 $0x15040;
	s21 =	simm.s32 $0x3800  }
0xd2: {  	[spmem:s2] =	stream.indirect.scatter.add.f32 [tilespmem:s21], [sflag:$0x3], $0x10, s20, s31, $0xb8;
	[tilespmem:$0x188C0] =	vst v63  }
0xd3: {  	s20 =	simm.s32 $0x150C0;
	s21 =	simm.s32 $0x4000  }
0xd4: {  	[spmem:s2] =	stream.indirect.scatter.add.f32 [tilespmem:s21], [sflag:$0x3], $0x10, s20, s31, $0xb8;
	[tilespmem:$0x188C0] =	vst v63  }
0xd5: {  	s20 =	simm.s32 $0x15140;
	s21 =	simm.s32 $0x4800  }
0xd6: {  	[spmem:s2] =	stream.indirect.scatter.add.f32 [tilespmem:s21], [sflag:$0x3], $0x10, s20, s31, $0xb8;
	[tilespmem:$0x188C0] =	vst v63  }
0xd7: {  	s20 =	simm.s32 $0x151C0;
	s21 =	simm.s32 $0x5000  }
0xd8: {  	[spmem:s2] =	stream.indirect.scatter.add.f32 [tilespmem:s21], [sflag:$0x3], $0x10, s20, s31, $0xb8;
	[tilespmem:$0x188C0] =	vst v63  }
0xd9: {  	s20 =	simm.s32 $0x15240;
	s21 =	simm.s32 $0x5800  }
0xda: {  	[spmem:s2] =	stream.indirect.scatter.add.f32 [tilespmem:s21], [sflag:$0x3], $0x10, s20, s31, $0xb8;
	[tilespmem:$0x188C0] =	vst v63  }
0xdb: {  	s20 =	simm.s32 $0x152C0;
	s21 =	simm.s32 $0x6000  }
0xdc: {  	[spmem:s2] =	stream.indirect.scatter.add.f32 [tilespmem:s21], [sflag:$0x3], $0x10, s20, s31, $0xb8;
	[tilespmem:$0x188C0] =	vst v63  }
0xdd: {  	s20 =	simm.s32 $0x15340;
	s21 =	simm.s32 $0x6800  }
0xde: {  	[spmem:s2] =	stream.indirect.scatter.add.f32 [tilespmem:s21], [sflag:$0x3], $0x10, s20, s31, $0xb8;
	[tilespmem:$0x188C0] =	vst v63  }
0xdf: {  	s20 =	simm.s32 $0x153C0;
	s21 =	simm.s32 $0x7000  }
0xe0: {  	[spmem:s2] =	stream.indirect.scatter.add.f32 [tilespmem:s21], [sflag:$0x3], $0x10, s20, s31, $0xb8;
	[tilespmem:$0x188C0] =	vst v63  }
0xe1: {  	s20 =	simm.s32 $0x15440;
	s21 =	simm.s32 $0x7800  }
0xe2: {  	[spmem:s2] =	stream.indirect.scatter.add.f32 [tilespmem:s21], [sflag:$0x3], $0x10, s20, s31, $0xb8;
	[tilespmem:$0x188C0] =	vst v63  }
0xe3: {  	s20 =	simm.s32 $0x154C0;
	s21 =	simm.s32 $0x8000  }
0xe4: {  	[spmem:s2] =	stream.indirect.scatter.add.f32 [tilespmem:s21], [sflag:$0x3], $0x10, s20, s31, $0xb8;
	[tilespmem:$0x188C0] =	vst v63  }
0xe5: {  	s20 =	simm.s32 $0x15540;
	s21 =	simm.s32 $0x8800  }
0xe6: {  	[spmem:s2] =	stream.indirect.scatter.add.f32 [tilespmem:s21], [sflag:$0x3], $0x10, s20, s31, $0xb8;
	[tilespmem:$0x188C0] =	vst v63  }
0xe7: {  	s20 =	simm.s32 $0x155C0;
	s21 =	simm.s32 $0x9000  }
0xe8: {  	[spmem:s2] =	stream.indirect.scatter.add.f32 [tilespmem:s21], [sflag:$0x3], $0x10, s20, s31, $0xb8;
	[tilespmem:$0x188C0] =	vst v63  }
0xe9: {  	s20 =	simm.s32 $0x15640;
	s21 =	simm.s32 $0x9800  }
0xea: {  	[spmem:s2] =	stream.indirect.scatter.add.f32 [tilespmem:s21], [sflag:$0x3], $0x10, s20, s31, $0xb8;
	[tilespmem:$0x188C0] =	vst v63  }
0xeb: {  	s20 =	simm.s32 $0x156C0;
	s21 =	simm.s32 $0xA000  }
0xec: {  	[spmem:s2] =	stream.indirect.scatter.add.f32 [tilespmem:s21], [sflag:$0x3], $0x10, s20, s31, $0xb8;
	[tilespmem:$0x188C0] =	vst v63  }
0xed: {  	s20 =	simm.s32 $0x15740;
	s21 =	simm.s32 $0xA800  }
0xee: {  	[spmem:s2] =	stream.indirect.scatter.add.f32 [tilespmem:s21], [sflag:$0x3], $0x10, s20, s31, $0xb8;
	[tilespmem:$0x188C0] =	vst v63  }
0xef: {  	s20 =	simm.s32 $0x157C0;
	s21 =	simm.s32 $0xB000  }
0xf0: {  	[spmem:s2] =	stream.indirect.scatter.add.f32 [tilespmem:s21], [sflag:$0x3], $0x10, s20, s31, $0xb8;
	[tilespmem:$0x188C0] =	vst v63  }
0xf1: {  	s20 =	simm.s32 $0x15840;
	s21 =	simm.s32 $0xB800  }
0xf2: {  	[spmem:s2] =	stream.indirect.scatter.add.f32 [tilespmem:s21], [sflag:$0x3], $0x10, s20, s31, $0xb8;
	[tilespmem:$0x188C0] =	vst v63  }
0xf3: {  	s20 =	simm.s32 $0x158C0;
	s21 =	simm.s32 $0xC000  }
0xf4: {  	[spmem:s2] =	stream.indirect.scatter.add.f32 [tilespmem:s21], [sflag:$0x3], $0x10, s20, s31, $0xb8;
	[tilespmem:$0x188C0] =	vst v63  }
0xf5: {  	s20 =	simm.s32 $0x15940;
	s21 =	simm.s32 $0xC800  }
0xf6: {  	[spmem:s2] =	stream.indirect.scatter.add.f32 [tilespmem:s21], [sflag:$0x3], $0x10, s20, s31, $0xb8;
	[tilespmem:$0x188C0] =	vst v63  }
0xf7: {  	s20 =	simm.s32 $0x159C0;
	s21 =	simm.s32 $0xD000  }
0xf8: {  	[spmem:s2] =	stream.indirect.scatter.add.f32 [tilespmem:s21], [sflag:$0x3], $0x10, s20, s31, $0xb8;
	[tilespmem:$0x188C0] =	vst v63  }
0xf9: {  	s20 =	simm.s32 $0x15A40;
	s21 =	simm.s32 $0xD800  }
0xfa: {  	[spmem:s2] =	stream.indirect.scatter.add.f32 [tilespmem:s21], [sflag:$0x3], $0x10, s20, s31, $0xb8;
	[tilespmem:$0x188C0] =	vst v63  }
0xfb: {  	s20 =	simm.s32 $0x15AC0;
	s21 =	simm.s32 $0xE000  }
0xfc: {  	[spmem:s2] =	stream.indirect.scatter.add.f32 [tilespmem:s21], [sflag:$0x3], $0x10, s20, s31, $0xb8;
	[tilespmem:$0x188C0] =	vst v63  }
0xfd: {  	s20 =	simm.s32 $0x15B40;
	s21 =	simm.s32 $0xE800  }
0xfe: {  	[spmem:s2] =	stream.indirect.scatter.add.f32 [tilespmem:s21], [sflag:$0x3], $0x10, s20, s31, $0xb8;
	[tilespmem:$0x188C0] =	vst v63  }
0xff: {  	s20 =	simm.s32 $0x15BC0;
	s21 =	simm.s32 $0xF000  }
0x100: {  	[spmem:s2] =	stream.indirect.scatter.add.f32 [tilespmem:s21], [sflag:$0x3], $0x10, s20, s31, $0xb8;
	[tilespmem:$0x188C0] =	vst v63  }
0x101: {  	s20 =	simm.s32 $0x15C40;
	s21 =	simm.s32 $0xF800  }
0x102: {  	[spmem:s2] =	stream.indirect.scatter.add.f32 [tilespmem:s21], [sflag:$0x3], $0x10, s20, s31, $0xb8;
	[tilespmem:$0x188C0] =	vst v63  }
0x103: {  	s20 =	simm.s32 $0x15CC0;
	s21 =	simm.s32 $0x10000  }
0x104: {  	[spmem:s2] =	stream.indirect.scatter.add.f32 [tilespmem:s21], [sflag:$0x3], $0x10, s20, s31, $0xb8;
	[tilespmem:$0x188C0] =	vst v63  }
0x105: {  	s20 =	simm.s32 $0x15D40;
	s21 =	simm.s32 $0x10800  }
0x106: {  	[spmem:s2] =	stream.indirect.scatter.add.f32 [tilespmem:s21], [sflag:$0x3], $0x10, s20, s31, $0xb8;
	[tilespmem:$0x188C0] =	vst v63  }
0x107: {  	s20 =	simm.s32 $0x15DC0;
	s21 =	simm.s32 $0x11000  }
0x108: {  	[spmem:s2] =	stream.indirect.scatter.add.f32 [tilespmem:s21], [sflag:$0x3], $0x10, s20, s31, $0xb8;
	[tilespmem:$0x188C0] =	vst v63  }
0x109: {  	s20 =	simm.s32 $0x15E40;
	s21 =	simm.s32 $0x11800  }
0x10a: {  	[spmem:s2] =	stream.indirect.scatter.add.f32 [tilespmem:s21], [sflag:$0x3], $0x10, s20, s31, $0xb8;
	[tilespmem:$0x188C0] =	vst v63  }
0x10b: {  	s20 =	simm.s32 $0x15EC0;
	s21 =	simm.s32 $0x12000  }
0x10c: {  	[spmem:s2] =	stream.indirect.scatter.add.f32 [tilespmem:s21], [sflag:$0x3], $0x10, s20, s31, $0xb8;
	[tilespmem:$0x188C0] =	vst v63  }
0x10d: {  	s20 =	simm.s32 $0x15F40;
	s21 =	simm.s32 $0x12800  }
0x10e: {  	[spmem:s2] =	stream.indirect.scatter.add.f32 [tilespmem:s21], [sflag:$0x3], $0x10, s20, s31, $0xb8;
	[tilespmem:$0x188C0] =	vst v63  }
0x10f: {  	s19 =	simm.s32 $0x15FC0;
	s20 =	simm.s32 $0x13000  }
0x110: {  	[spmem:s2] =	stream.indirect.scatter.add.f32 [tilespmem:s20], [sflag:$0x3], $0x10, s19, s31, $0xb8;
	[tilespmem:$0x188C0] =	vst v63  }
0x111: {  	s21 =	simm.s32 $0x8  }
0x112: {  	[spmem:s2] =	stream.indirect.scatter.add.f32 [tilespmem:s23], [sflag:$0x3], $0x10, s22, s21, $0xb8;
	[tilespmem:$0x188C0] =	vst v63  }
0x113: {  	_ =	swait.ge [sflag:s24], $0x800  }
0x114: {  	[sflag:s24] =	ssyncset.done $0x0  }
0x115: {  	[sflag:s24] =	ssyncadd.s32 $0xFFFFF800  }
0x116: {  	_ =	swait.ge [sflag:s24], $0x800  }
0x117: {  	[sflag:s24] =	ssyncset.done $0x0  }
0x118: {  	[sflag:s24] =	ssyncadd.s32 $0xFFFFF800  }
0x119: {  	_ =	swait.ge [sflag:s24], $0x800  }
0x11a: {  	[sflag:s24] =	ssyncset.done $0x0  }
0x11b: {  	[sflag:s24] =	ssyncadd.s32 $0xFFFFF800  }
0x11c: {  	_ =	swait.ge [sflag:s24], $0x800  }
0x11d: {  	[sflag:s24] =	ssyncset.done $0x0  }
0x11e: {  	[sflag:s24] =	ssyncadd.s32 $0xFFFFF800  }
0x11f: {  	_ =	swait.ge [sflag:s24], $0x800  }
0x120: {  	[sflag:s24] =	ssyncset.done $0x0  }
0x121: {  	[sflag:s24] =	ssyncadd.s32 $0xFFFFF800  }
0x122: {  	_ =	swait.ge [sflag:s24], $0x800  }
0x123: {  	[sflag:s24] =	ssyncset.done $0x0  }
0x124: {  	[sflag:s24] =	ssyncadd.s32 $0xFFFFF800  }
0x125: {  	_ =	swait.ge [sflag:s24], $0x800  }
0x126: {  	[sflag:s24] =	ssyncset.done $0x0  }
0x127: {  	[sflag:s24] =	ssyncadd.s32 $0xFFFFF800  }
0x128: {  	_ =	swait.ge [sflag:s24], $0x800  }
0x129: {  	[sflag:s24] =	ssyncset.done $0x0  }
0x12a: {  	[sflag:s24] =	ssyncadd.s32 $0xFFFFF800  }
0x12b: {  	_ =	swait.ge [sflag:s24], $0x800  }
0x12c: {  	[sflag:s24] =	ssyncset.done $0x0  }
0x12d: {  	[sflag:s24] =	ssyncadd.s32 $0xFFFFF800  }
0x12e: {  	_ =	swait.ge [sflag:s24], $0x800  }
0x12f: {  	[sflag:s24] =	ssyncset.done $0x0  }
0x130: {  	[sflag:s24] =	ssyncadd.s32 $0xFFFFF800  }
0x131: {  	_ =	swait.ge [sflag:s24], $0x800  }
0x132: {  	[sflag:s24] =	ssyncset.done $0x0  }
0x133: {  	[sflag:s24] =	ssyncadd.s32 $0xFFFFF800  }
0x134: {  	_ =	swait.ge [sflag:s24], $0x800  }
0x135: {  	[sflag:s24] =	ssyncset.done $0x0  }
0x136: {  	[sflag:s24] =	ssyncadd.s32 $0xFFFFF800  }
0x137: {  	_ =	swait.ge [sflag:s24], $0x800  }
0x138: {  	[sflag:s24] =	ssyncset.done $0x0  }
0x139: {  	[sflag:s24] =	ssyncadd.s32 $0xFFFFF800  }
0x13a: {  	_ =	swait.ge [sflag:s24], $0x800  }
0x13b: {  	[sflag:s24] =	ssyncset.done $0x0  }
0x13c: {  	[sflag:s24] =	ssyncadd.s32 $0xFFFFF800  }
0x13d: {  	_ =	swait.ge [sflag:s24], $0x800  }
0x13e: {  	[sflag:s24] =	ssyncset.done $0x0  }
0x13f: {  	[sflag:s24] =	ssyncadd.s32 $0xFFFFF800  }
0x140: {  	_ =	swait.ge [sflag:s24], $0x800  }
0x141: {  	[sflag:s24] =	ssyncset.done $0x0  }
0x142: {  	[sflag:s24] =	ssyncadd.s32 $0xFFFFF800  }
0x143: {  	_ =	swait.ge [sflag:s24], $0x800  }
0x144: {  	[sflag:s24] =	ssyncset.done $0x0  }
0x145: {  	[sflag:s24] =	ssyncadd.s32 $0xFFFFF800  }
0x146: {  	_ =	swait.ge [sflag:s24], $0x800  }
0x147: {  	[sflag:s24] =	ssyncset.done $0x0  }
0x148: {  	[sflag:s24] =	ssyncadd.s32 $0xFFFFF800  }
0x149: {  	_ =	swait.ge [sflag:s24], $0x800  }
0x14a: {  	[sflag:s24] =	ssyncset.done $0x0  }
0x14b: {  	[sflag:s24] =	ssyncadd.s32 $0xFFFFF800  }
0x14c: {  	_ =	swait.ge [sflag:s24], $0x800  }
0x14d: {  	[sflag:s24] =	ssyncset.done $0x0  }
0x14e: {  	[sflag:s24] =	ssyncadd.s32 $0xFFFFF800  }
0x14f: {  	_ =	swait.ge [sflag:s24], $0x800  }
0x150: {  	[sflag:s24] =	ssyncset.done $0x0  }
0x151: {  	[sflag:s24] =	ssyncadd.s32 $0xFFFFF800  }
0x152: {  	_ =	swait.ge [sflag:s24], $0x800  }
0x153: {  	[sflag:s24] =	ssyncset.done $0x0  }
0x154: {  	[sflag:s24] =	ssyncadd.s32 $0xFFFFF800  }
0x155: {  	_ =	swait.ge [sflag:s24], $0x800  }
0x156: {  	[sflag:s24] =	ssyncset.done $0x0  }
0x157: {  	[sflag:s24] =	ssyncadd.s32 $0xFFFFF800  }
0x158: {  	_ =	swait.ge [sflag:s24], $0x800  }
0x159: {  	[sflag:s24] =	ssyncset.done $0x0  }
0x15a: {  	[sflag:s24] =	ssyncadd.s32 $0xFFFFF800  }
0x15b: {  	_ =	swait.ge [sflag:s24], $0x800  }
0x15c: {  	[sflag:s24] =	ssyncset.done $0x0  }
0x15d: {  	[sflag:s24] =	ssyncadd.s32 $0xFFFFF800  }
0x15e: {  	_ =	swait.ge [sflag:s24], $0x800  }
0x15f: {  	[sflag:s24] =	ssyncset.done $0x0  }
0x160: {  	[sflag:s24] =	ssyncadd.s32 $0xFFFFF800  }
0x161: {  	_ =	swait.ge [sflag:s24], $0x800  }
0x162: {  	[sflag:s24] =	ssyncset.done $0x0  }
0x163: {  	[sflag:s24] =	ssyncadd.s32 $0xFFFFF800  }
0x164: {  	_ =	swait.ge [sflag:s24], $0x800  }
0x165: {  	[sflag:s24] =	ssyncset.done $0x0  }
0x166: {  	[sflag:s24] =	ssyncadd.s32 $0xFFFFF800  }
0x167: {  	_ =	swait.ge [sflag:s24], $0x800  }
0x168: {  	[sflag:s24] =	ssyncset.done $0x0  }
0x169: {  	[sflag:s24] =	ssyncadd.s32 $0xFFFFF800  }
0x16a: {  	_ =	swait.ge [sflag:s24], $0x800  }
0x16b: {  	[sflag:s24] =	ssyncset.done $0x0  }
0x16c: {  	[sflag:s24] =	ssyncadd.s32 $0xFFFFF800  }
0x16d: {  	_ =	swait.ge [sflag:s24], $0x800  }
0x16e: {  	[sflag:s24] =	ssyncset.done $0x0  }
0x16f: {  	[sflag:s24] =	ssyncadd.s32 $0xFFFFF800  }
0x170: {  	_ =	swait.ge [sflag:s24], $0x800  }
0x171: {  	[sflag:s24] =	ssyncset.done $0x0  }
0x172: {  	[sflag:s24] =	ssyncadd.s32 $0xFFFFF800  }
0x173: {  	_ =	swait.ge [sflag:s24], $0x800  }
0x174: {  	[sflag:s24] =	ssyncset.done $0x0  }
0x175: {  	[sflag:s24] =	ssyncadd.s32 $0xFFFFF800  }
0x176: {  	_ =	swait.ge [sflag:s24], $0x800  }
0x177: {  	[sflag:s24] =	ssyncset.done $0x0  }
0x178: {  	[sflag:s24] =	ssyncadd.s32 $0xFFFFF800  }
0x179: {  	_ =	swait.ge [sflag:s24], $0x800  }
0x17a: {  	[sflag:s24] =	ssyncset.done $0x0  }
0x17b: {  	[sflag:s24] =	ssyncadd.s32 $0xFFFFF800  }
0x17c: {  	_ =	swait.ge [sflag:s24], $0x800  }
0x17d: {  	[sflag:s24] =	ssyncset.done $0x0  }
0x17e: {  	[sflag:s24] =	ssyncadd.s32 $0xFFFFF800  }
0x17f: {  	_ =	swait.ge [sflag:s24], $0x800  }
0x180: {  	[sflag:s24] =	ssyncset.done $0x0  }
0x181: {  	[sflag:s24] =	ssyncadd.s32 $0xFFFFF800  }
0x182: {  	_ =	swait.ge [sflag:s24], $0x800  }
0x183: {  	[sflag:s24] =	ssyncset.done $0x0  }
0x184: {  	[sflag:s24] =	ssyncadd.s32 $0xFFFFF800  }
0x185: {  	_ =	swait.ge [sflag:s24], $0x800  }
0x186: {  	[sflag:s24] =	ssyncset.done $0x0  }
0x187: {  	[sflag:s24] =	ssyncadd.s32 $0xFFFFF800  }
0x188: {  	_ =	swait.ge [sflag:s24], $0x80  }
0x189: {  	s25 =	sadd.s32 $0x1, s25;
	[sflag:s24] =	ssyncset.done $0x0  }
0x18a: {  	p0 =	sne.s32 s25, s17;
	[sflag:s24] =	ssyncadd.s32 $0xFFFFFF80  }
.Ltmp8:
0x18b: {  	[bflag:$0x0] =	sbarrier.arrive $0xFFFF;
	(pc) =	sbr.rel @p0 .LBB2_1-.Ltmp8, $4  }
0x18c: {  	[hbm:s16], [sflag:s15] =	dma.local [spmem:s1], $0x500  }
0x18d: {  	_ =	swait.ge [sflag:s26], $0x500  }
0x18e: {  	[sflag:s26] =	ssyncset.done $0x0  }
0x18f: {  	vm15 =	vmmov vm14;
	[sflag:s26] =	ssyncadd.s32 $0xFFFFFB00  }
0x190: {  	_ =	sfence.sel $0x180000  }
0x191: {  	[bflag:$0x0] =	sbarrier.arrive $0xFFFF  }
0x192: {  	_ =	strace $0x90000047  }
0x193: {  	s0 =	stileid.u32;
	[bflag:$0x2] =	sbarrier.arrive $0xFFFF  }
0x194: {  	p0 =	sne.s32 s0, $0x0;
	s0 =	rddreg [dreg:$0x2]  }
0x195: {  	s0 =	sadd.s32 @!p0 $0x100000, s0  }
0x196: {  	[sflag:s0] =	ssyncadd.tile.s32 @!p0 $0x1;
	_ =	shalt  }
.Lfunc_end2:
_tile_overlayer_lowered:
.L_overlay_start_2:
0x197: {  	(tag) =	ssettag $0x2  }
0x198: {  	s0 =	rddreg [dreg:$0x0];
	s2 =	stileid.u32  }
0x199: {  	s1 =	rddreg [dreg:$0x1];
	p0 =	sne.s32 s2, $0x0  }
0x19a: {  	s3 =	rddreg [dreg:$0x2];
	[bflag:$0x3] =	sbarrier.arrive $0xFFFF;
	s2 =	simm.s32 @!p0 $0x1C04  }
0x19b: {  	[timem:s3], [sflag:s2] =	dma.local @!p0 [hbm:s0], s1  }
0x19c: {  	s0 =	simm.s32 @!p0 $0x4  }
0x19d: {  	_ =	swait.ge @!p0 [sflag:s0], s1  }
0x19e: {  	s1 =	ssub.s32 @!p0 $0x0, s1;
	[sflag:s0] =	ssyncset.done @!p0 $0x0  }
0x19f: {  	[sflag:s0] =	ssyncadd.s32 @!p0 s1  }
0x1a0: {  	[bflag:$0x3] =	sbarrier.arrive $0xFFFF  }
0x1a1: {  	_ =	shalt  }

</sc_bundles>
